<compile_context>
chip_gen: v7x
topology: tpu7x:2x2x1
jax: 0.10.2.dev20260603
libtpu: 0.0.44.dev20260713+nightly
codegen_flags: <defaults>
</compile_context>

<pallas_src>
import functools

import jax
import jax.numpy as jnp
import numpy as np
from jax import lax
from jax.experimental import pallas as pl
from jax.experimental.pallas import tpu as pltpu
from jax.experimental.pallas import tpu_sc as plsc

_STRIDE = 16
_H = 50
_W = 50
_HW = _H * _W
_NA = 9
_N = _HW * _NA
_PRE_NMS = 12000
_POST_NMS = 1000
_NMS_THRESH = 0.7

_COLB = 512
_COLS_PAD = 2560


def _anchor_base_np(base_size=16, ratios=(0.5, 1.0, 2.0), scales=(8, 16, 32)):
    py = base_size / 2.0
    px = base_size / 2.0
    ab = np.zeros((len(ratios) * len(scales), 4), dtype=np.float32)
    for i, r in enumerate(ratios):
        for j, s in enumerate(scales):
            h = base_size * s * np.sqrt(r)
            w = base_size * s * np.sqrt(1.0 / r)
            idx = i * len(scales) + j
            ab[idx, 0] = py - h / 2.0
            ab[idx, 1] = px - w / 2.0
            ab[idx, 2] = py + h / 2.0
            ab[idx, 3] = px + w / 2.0
    return ab


_AB = _anchor_base_np(_STRIDE)


def _conv1_body(A_ref, b1_ref, P_ref, y_ref):
    y = jnp.dot(A_ref[...], P_ref[...], preferred_element_type=jnp.float32)
    y_ref[...] = jnp.maximum(y + b1_ref[...], 0.0)


def _conv1(A, b1c, P):
    grid = _COLS_PAD // _COLB
    return pl.pallas_call(
        _conv1_body,
        grid=(grid,),
        in_specs=[
            pl.BlockSpec((512, 4608), lambda i: (0, 0)),
            pl.BlockSpec((512, 1), lambda i: (0, 0)),
            pl.BlockSpec((4608, _COLB), lambda i: (0, i)),
        ],
        out_specs=pl.BlockSpec((512, _COLB), lambda i: (0, i)),
        out_shape=jax.ShapeDtypeStruct((512, _COLS_PAD), jnp.float32),
    )(A, b1c, P)


def _decode_body(Wl_ref, bl_ref, Ws_ref, bs_ref, im_ref,
                 y_ref, locs_ref, scores_ref, boxes_ref):
    y = y_ref[...]
    locs = jnp.dot(Wl_ref[...], y, preferred_element_type=jnp.float32) + bl_ref[...]
    scores = jnp.dot(Ws_ref[...], y, preferred_element_type=jnp.float32) + bs_ref[...]
    locs_ref[...] = locs
    scores_ref[...] = scores

    imgsz = im_ref[0, 0]
    col0 = pl.program_id(0) * _COLB
    col = col0 + lax.broadcasted_iota(jnp.int32, (1, _COLB), 1)
    _decode_rows(locs, imgsz, col, boxes_ref)


def _decode_rows(locs, imgsz, col, boxes_ref):
    sy = (jnp.floor_divide(col, _W) * _STRIDE).astype(jnp.float32)
    sx = (jnp.remainder(col, _W) * _STRIDE).astype(jnp.float32)
    for a in range(_NA):
        ay1 = sy + float(_AB[a, 0])
        ax1 = sx + float(_AB[a, 1])
        ay2 = sy + float(_AB[a, 2])
        ax2 = sx + float(_AB[a, 3])
        src_h = ay2 - ay1
        src_w = ax2 - ax1
        ctr_y = ay1 + 0.5 * src_h
        ctr_x = ax1 + 0.5 * src_w
        dyv = locs[4 * a + 0:4 * a + 1, :]
        dxv = locs[4 * a + 1:4 * a + 2, :]
        dhv = locs[4 * a + 2:4 * a + 3, :]
        dwv = locs[4 * a + 3:4 * a + 4, :]
        cy = dyv * src_h + ctr_y
        cx = dxv * src_w + ctr_x
        hh = jnp.exp(dhv) * src_h
        ww = jnp.exp(dwv) * src_w
        rows = jnp.concatenate(
            [cy - 0.5 * hh, cx - 0.5 * ww, cy + 0.5 * hh, cx + 0.5 * ww], axis=0)
        rows = jnp.minimum(jnp.maximum(rows, 0.0), imgsz)
        boxes_ref[4 * a:4 * a + 4, :] = rows
    boxes_ref[36:40, :] = jnp.zeros((4, _COLB), jnp.float32)


def _decode(Wl, bl, Ws, bs, imgsz, y):
    grid = _COLS_PAD // _COLB
    return pl.pallas_call(
        _decode_body,
        grid=(grid,),
        in_specs=[
            pl.BlockSpec((40, 512), lambda i: (0, 0)),
            pl.BlockSpec((40, 1), lambda i: (0, 0)),
            pl.BlockSpec((24, 512), lambda i: (0, 0)),
            pl.BlockSpec((24, 1), lambda i: (0, 0)),
            pl.BlockSpec((1, 1), lambda i: (0, 0)),
            pl.BlockSpec((512, _COLB), lambda i: (0, i)),
        ],
        out_specs=[
            pl.BlockSpec((40, _COLB), lambda i: (0, i)),
            pl.BlockSpec((24, _COLB), lambda i: (0, i)),
            pl.BlockSpec((40, _COLB), lambda i: (0, i)),
        ],
        out_shape=[
            jax.ShapeDtypeStruct((40, _COLS_PAD), jnp.float32),
            jax.ShapeDtypeStruct((24, _COLS_PAD), jnp.float32),
            jax.ShapeDtypeStruct((40, _COLS_PAD), jnp.float32),
        ],
    )(Wl, bl, Ws, bs, imgsz, y)


_NB = 96
_NPAD = _NB * 128
_ROIBUF = 2048
_SENT = _ROIBUF - 1


def _iou_gt(yc1, xc1, yc2, xc2, ac, yr1, xr1, yr2, xr2, ar):
    yy1 = jnp.maximum(yc1, yr1)
    xx1 = jnp.maximum(xc1, xr1)
    yy2 = jnp.minimum(yc2, yr2)
    xx2 = jnp.minimum(xc2, xr2)
    inter = jnp.maximum(yy2 - yy1, 0.0) * jnp.maximum(xx2 - xx1, 0.0)
    iou = inter / (ar + ac - inter + 1e-9)
    return jnp.where(iou > _NMS_THRESH, 1.0, 0.0)


def _nms_body(r1_ref, r2_ref, r3_ref, r4_ref, t1_ref, t2_ref, t3_ref, t4_ref,
              keep_ref, pos_ref, cnt_ref):
    j = pl.program_id(0)

    @pl.when(j == 0)
    def _():
        keep_ref[...] = jnp.zeros((_NB, 128), jnp.float32)
        pos_ref[...] = jnp.full((_NB, 128), _SENT, jnp.int32)
        cnt_ref[0] = 0

    @pl.when(cnt_ref[0] < _POST_NMS)
    def _():
        yc1, xc1, yc2, xc2 = t1_ref[0], t2_ref[0], t3_ref[0], t4_ref[0]
        ac = (yc2 - yc1) * (xc2 - xc1)
        eye = jnp.where(
            lax.broadcasted_iota(jnp.int32, (128, 128), 0)
            == lax.broadcasted_iota(jnp.int32, (128, 128), 1), 1.0, 0.0)

        def cross(i, cnt):
            kI = keep_ref[pl.ds(i, 1), :]

            def hit(cnt):
                yr1 = r1_ref[pl.ds(i, 1), :]
                xr1 = r2_ref[pl.ds(i, 1), :]
                yr2 = r3_ref[pl.ds(i, 1), :]
                xr2 = r4_ref[pl.ds(i, 1), :]
                ar = (yr2 - yr1) * (xr2 - xr1)
                m = _iou_gt(yc1, xc1, yc2, xc2, ac, yr1, xr1, yr2, xr2, ar)
                return cnt + jnp.sum(m * kI, axis=1, keepdims=True)

            return lax.cond(jnp.sum(kI) > 0.0, hit, lambda c: c, cnt)

        cnt0 = lax.fori_loop(0, j, cross, jnp.zeros((128, 1), jnp.float32))
        gbl = j * 128 + lax.broadcasted_iota(jnp.int32, (128, 1), 0)
        ext_ok = jnp.where((cnt0 == 0.0) & (gbl < _PRE_NMS), 1.0, 0.0)

        yr1 = r1_ref[pl.ds(j, 1), :]
        xr1 = r2_ref[pl.ds(j, 1), :]
        yr2 = r3_ref[pl.ds(j, 1), :]
        xr2 = r4_ref[pl.ds(j, 1), :]
        ar = (yr2 - yr1) * (xr2 - xr1)
        m = _iou_gt(yc1, xc1, yc2, xc2, ac, yr1, xr1, yr2, xr2, ar)
        tri = jnp.where(
            lax.broadcasted_iota(jnp.int32, (128, 128), 1)
            < lax.broadcasted_iota(jnp.int32, (128, 128), 0), 1.0, 0.0)
        mt = m * tri

        def fix_cond(c):
            return c[1]

        def fix_body(c):
            k, _ = c
            sup = jnp.dot(mt, k, preferred_element_type=jnp.float32)
            k2 = ext_ok * jnp.where(sup == 0.0, 1.0, 0.0)
            return (k2, jnp.any(k2 != k))

        k, _ = lax.while_loop(fix_cond, fix_body, (ext_ok, True))

        krow = jax.lax.dot_general(k, eye, (((0,), (0,)), ((), ())),
                                   preferred_element_type=jnp.float32)
        keep_ref[pl.ds(j, 1), :] = krow
        tri_incl = jnp.where(
            lax.broadcasted_iota(jnp.int32, (128, 128), 1)
            <= lax.broadcasted_iota(jnp.int32, (128, 128), 0), 1.0, 0.0)
        incl = jnp.dot(tri_incl, k, preferred_element_type=jnp.float32)
        incl_row = jax.lax.dot_general(incl, eye, (((0,), (0,)), ((), ())),
                                       preferred_element_type=jnp.float32)
        posr = cnt_ref[0] + incl_row.astype(jnp.int32) - 1
        pos_ref[pl.ds(j, 1), :] = jnp.where(krow > 0.0,
                                            jnp.minimum(posr, _SENT), _SENT)
        cnt_ref[0] = cnt_ref[0] + jnp.sum(k).astype(jnp.int32)


def _nms_pallas(rs):
    ts = [r.reshape(_NB, 128, 1) for r in rs]
    keep, pos = pl.pallas_call(
        _nms_body,
        grid=(_NB,),
        in_specs=[pl.BlockSpec((_NB, 128), lambda j: (0, 0))] * 4
        + [pl.BlockSpec((1, 128, 1), lambda j: (j, 0, 0))] * 4,
        out_specs=[pl.BlockSpec((_NB, 128), lambda j: (0, 0))] * 2,
        out_shape=[jax.ShapeDtypeStruct((_NB, 128), jnp.float32),
                   jax.ShapeDtypeStruct((_NB, 128), jnp.int32)],
        scratch_shapes=[pltpu.SMEM((1,), jnp.int32)],
    )(*rs, *ts)
    return keep, pos


_SC_MESH = plsc.VectorSubcoreMesh(core_axis_name="c", subcore_axis_name="s")
_ROWS_PER_TILE = 8
_GATHER_TILES = _NB // _ROWS_PER_TILE


def _sc_gather_body(p0, p1, p2, p3, idx_hbm, o0, o1, o2, o3,
                    idx_v, b0, b1, b2, b3, sem):
    wid = lax.axis_index("s") * 2 + lax.axis_index("c")

    @pl.when(wid < _GATHER_TILES)
    def _():
        base = wid * _ROWS_PER_TILE
        pltpu.sync_copy(idx_hbm.at[pl.ds(base, _ROWS_PER_TILE)], idx_v)
        for pk, bk, ok in ((p0, b0, o0), (p1, b1, o1), (p2, b2, o2),
                           (p3, b3, o3)):
            for c in range(_ROWS_PER_TILE):
                pltpu.async_copy(pk.at[idx_v.at[c]], bk.at[c], sem).wait()
            pltpu.sync_copy(bk, ok.at[pl.ds(base, _ROWS_PER_TILE)])


def _sc_gather(planes, idx):
    kfn = functools.partial(
        pl.kernel,
        out_type=[jax.ShapeDtypeStruct((_NB, 128), jnp.float32)] * 4,
        mesh=_SC_MESH,
        compiler_params=pltpu.CompilerParams(needs_layout_passes=False),
        scratch_types=[
            pltpu.VMEM((_ROWS_PER_TILE, 128), jnp.int32),
            pltpu.VMEM((_ROWS_PER_TILE, 128), jnp.float32),
            pltpu.VMEM((_ROWS_PER_TILE, 128), jnp.float32),
            pltpu.VMEM((_ROWS_PER_TILE, 128), jnp.float32),
            pltpu.VMEM((_ROWS_PER_TILE, 128), jnp.float32),
            pltpu.SemaphoreType.DMA,
        ],
    )(_sc_gather_body)
    return kfn(*planes, idx)


def _sc_compact_body(pos_hbm, s0, s1, s2, s3, d_hbm,
                     o0, o1, o2, o3,
                     pos_v, v0, v1, v2, v3, dv, w0, w1, w2, w3):
    wid = lax.axis_index("s") * 2 + lax.axis_index("c")

    @pl.when(wid == 0)
    def _():
        pltpu.sync_copy(pos_hbm, pos_v)
        pltpu.sync_copy(s0, v0)
        pltpu.sync_copy(s1, v1)
        pltpu.sync_copy(s2, v2)
        pltpu.sync_copy(s3, v3)
        pltpu.sync_copy(d_hbm, dv)

        def prefill(s, _):
            sl = pl.ds(s * 16, 16)
            w0[sl] = dv[pl.ds(0, 16)]
            w1[sl] = dv[pl.ds(16, 16)]
            w2[sl] = dv[pl.ds(32, 16)]
            w3[sl] = dv[pl.ds(48, 16)]
            return _

        lax.fori_loop(0, _ROIBUF // 16, prefill, 0)

        def row(r, _):
            for c in range(8):
                sl = pl.ds(c * 16, 16)
                idx16 = pos_v[r, sl]
                msk = idx16 < _SENT
                plsc.store_scatter(w0, [idx16], v0[r, sl], mask=msk)
                plsc.store_scatter(w1, [idx16], v1[r, sl], mask=msk)
                plsc.store_scatter(w2, [idx16], v2[r, sl], mask=msk)
                plsc.store_scatter(w3, [idx16], v3[r, sl], mask=msk)
            return _

        lax.fori_loop(0, _NB, row, 0)
        pltpu.sync_copy(w0, o0)
        pltpu.sync_copy(w1, o1)
        pltpu.sync_copy(w2, o2)
        pltpu.sync_copy(w3, o3)


def _sc_compact(pos, sorted_planes, defaults):
    kfn = functools.partial(
        pl.kernel,
        out_type=[jax.ShapeDtypeStruct((_ROIBUF,), jnp.float32)] * 4,
        mesh=_SC_MESH,
        compiler_params=pltpu.CompilerParams(needs_layout_passes=False),
        scratch_types=[
            pltpu.VMEM((_NB, 128), jnp.int32),
            pltpu.VMEM((_NB, 128), jnp.float32),
            pltpu.VMEM((_NB, 128), jnp.float32),
            pltpu.VMEM((_NB, 128), jnp.float32),
            pltpu.VMEM((_NB, 128), jnp.float32),
            pltpu.VMEM((64,), jnp.float32),
            pltpu.VMEM((_ROIBUF,), jnp.float32),
            pltpu.VMEM((_ROIBUF,), jnp.float32),
            pltpu.VMEM((_ROIBUF,), jnp.float32),
            pltpu.VMEM((_ROIBUF,), jnp.float32),
        ],
    )(_sc_compact_body)
    return kfn(pos, *sorted_planes, defaults)


def _nms_keep_xla(boxes, thresh):
    n = boxes.shape[0]
    y1, x1, y2, x2 = boxes[:, 0], boxes[:, 1], boxes[:, 2], boxes[:, 3]
    areas = (y2 - y1) * (x2 - x1)
    idxs = jnp.arange(n)

    def body(i, keep):
        yy1 = jnp.maximum(y1[i], y1)
        xx1 = jnp.maximum(x1[i], x1)
        yy2 = jnp.minimum(y2[i], y2)
        xx2 = jnp.minimum(x2[i], x2)
        inter = jnp.maximum(yy2 - yy1, 0.0) * jnp.maximum(xx2 - xx1, 0.0)
        iou = inter / (areas[i] + areas - inter + 1e-9)
        sup = (iou > thresh) & (idxs > i)
        return jnp.where(keep[i], keep & (~sup), keep)

    keep = lax.fori_loop(0, n, body, jnp.ones((n,), dtype=bool))
    return keep


def kernel(x, img_size, W1, b1, Wloc, bloc, Wsc, bsc):
    n, c, h, w = x.shape
    anchor_base = jnp.asarray(_AB)
    shift_y = jnp.arange(0, h * _STRIDE, _STRIDE, dtype=jnp.float32)
    shift_x = jnp.arange(0, w * _STRIDE, _STRIDE, dtype=jnp.float32)
    syg, sxg = jnp.meshgrid(shift_y, shift_x, indexing='ij')
    shifts = jnp.stack([syg.ravel(), sxg.ravel(), syg.ravel(), sxg.ravel()], axis=1)
    anchors = (shifts[:, None, :] + anchor_base[None, :, :]).reshape(-1, 4)

    xp = jnp.pad(x[0], ((0, 0), (1, 1), (1, 1)))
    P = jnp.concatenate(
        [xp[:, dy:dy + _H, dx:dx + _W].reshape(c, _HW)
         for dy in range(3) for dx in range(3)], axis=0)
    P = jnp.pad(P, ((0, 0), (0, _COLS_PAD - _HW)))
    A = jnp.transpose(W1, (0, 2, 3, 1)).reshape(512, 4608)
    Wl = jnp.pad(Wloc[:, :, 0, 0], ((0, 4), (0, 0)))
    bl = jnp.pad(bloc, (0, 4)).reshape(40, 1)
    Ws = jnp.pad(Wsc[:, :, 0, 0], ((0, 6), (0, 0)))
    bs = jnp.pad(bsc, (0, 6)).reshape(24, 1)
    b1c = b1.reshape(512, 1)
    imgsz = jnp.asarray(img_size, jnp.float32).reshape(1, 1)

    y = _conv1(A, b1c, P)
    locs_r, scores_r, boxes_r = _decode(Wl, bl, Ws, bs, imgsz, y)

    rpn_locs = locs_r[:36, :_HW].reshape(_NA, 4, _HW).transpose(2, 0, 1).reshape(1, _N, 4)
    rpn_scores = scores_r[:18, :_HW].reshape(_NA, 2, _HW).transpose(2, 0, 1).reshape(1, _N, 2)
    rois = boxes_r[:36, :_HW].reshape(_NA, 4, _HW).transpose(2, 0, 1).reshape(_N, 4)

    sc0 = rpn_scores[0, :, 1]
    order = jnp.argsort(-sc0)[:_PRE_NMS]
    order_pad = jnp.pad(order, (0, _NPAD - _PRE_NMS)).astype(jnp.int32)
    planes = [jnp.pad(rois[:, kk], (0, 22528 - _N)) for kk in range(4)]
    sorted_planes = _sc_gather(planes, order_pad.reshape(_NB, 128))
    _, pos = _nms_pallas(sorted_planes)
    dflt = jnp.concatenate(
        [jnp.full((16,), rois[order[0], kk], jnp.float32) for kk in range(4)])
    obuf = _sc_compact(pos, sorted_planes, dflt)
    roi = jnp.stack([o[:_POST_NMS] for o in obuf], axis=1)
    return (rpn_locs, rpn_scores, roi, anchors)

# --- scband reference (transcript-rebuilt; emitter-appended) ---
"""Pipeline reference for scband-rpn-4964982194866 (READ-ONLY COPY).

The authoritative reference and input builder live on the scoring server;
editing this copy changes nothing except your own understanding.
"""

import jax, jax.numpy as jnp
import numpy as np
from jax import lax

STRIDE = 16
H = 50
W = 50
PRE_NMS = 12000
POST_NMS = 1000
NMS_THRESH = 0.7


def generate_anchor_base(base_size=16, ratios=(0.5, 1.0, 2.0), scales=(8, 16, 32)):
    py = base_size / 2.0
    px = base_size / 2.0
    ab = np.zeros((len(ratios) * len(scales), 4), dtype=np.float32)
    for i, r in enumerate(ratios):
        for j, s in enumerate(scales):
            h = base_size * s * np.sqrt(r)
            w = base_size * s * np.sqrt(1.0 / r)
            idx = i * len(scales) + j
            ab[idx, 0] = py - h / 2.0
            ab[idx, 1] = px - w / 2.0
            ab[idx, 2] = py + h / 2.0
            ab[idx, 3] = px + w / 2.0
    return ab


def get_anchors(anchor_base, stride, h, w):
    shift_y = jnp.arange(0, h * stride, stride, dtype=jnp.float32)
    shift_x = jnp.arange(0, w * stride, stride, dtype=jnp.float32)
    sy, sx = jnp.meshgrid(shift_y, shift_x, indexing='ij')
    shifts = jnp.stack([sy.ravel(), sx.ravel(), sy.ravel(), sx.ravel()], axis=1)
    anchors = (shifts[:, None, :] + anchor_base[None, :, :]).reshape(-1, 4)
    return anchors


def transform_locs(anchors, locs, img_size):
    src_h = anchors[:, 2] - anchors[:, 0]
    src_w = anchors[:, 3] - anchors[:, 1]
    ctr_y = anchors[:, 0] + 0.5 * src_h
    ctr_x = anchors[:, 1] + 0.5 * src_w
    dy = locs[..., 0]
    dx = locs[..., 1]
    dh = locs[..., 2]
    dw = locs[..., 3]
    cy = dy * src_h + ctr_y
    cx = dx * src_w + ctr_x
    hh = jnp.exp(dh) * src_h
    ww = jnp.exp(dw) * src_w
    boxes = jnp.stack([cy - 0.5 * hh, cx - 0.5 * ww, cy + 0.5 * hh, cx + 0.5 * ww], axis=-1)
    boxes = jnp.clip(boxes, 0.0, jnp.asarray(img_size, boxes.dtype))
    return boxes


def nms_keep(boxes, thresh):
    n = boxes.shape[0]
    y1, x1, y2, x2 = boxes[:, 0], boxes[:, 1], boxes[:, 2], boxes[:, 3]
    areas = (y2 - y1) * (x2 - x1)
    idxs = jnp.arange(n)

    def body(i, keep):
        yy1 = jnp.maximum(y1[i], y1)
        xx1 = jnp.maximum(x1[i], x1)
        yy2 = jnp.minimum(y2[i], y2)
        xx2 = jnp.minimum(x2[i], x2)
        inter = jnp.maximum(yy2 - yy1, 0.0) * jnp.maximum(xx2 - xx1, 0.0)
        iou = inter / (areas[i] + areas - inter + 1e-9)
        sup = (iou > thresh) & (idxs > i)
        return jnp.where(keep[i], keep & (~sup), keep)

    keep = lax.fori_loop(0, n, body, jnp.ones((n,), dtype=bool))
    return keep


def conv2d(x, w, b, padding):
    y = lax.conv_general_dilated(x, w, (1, 1), padding, dimension_numbers=('NCHW', 'OIHW', 'NCHW'))
    return y + b[None, :, None, None]


def setup_inputs(seed: int = 0):
    key = jax.random.key(seed)
    ks = jax.random.split(key, 4)
    x = jax.random.normal(ks[0], (1, 512, H, W), dtype=jnp.float32)
    W1 = jax.random.normal(ks[1], (512, 512, 3, 3), dtype=jnp.float32) * 0.01
    b1 = jnp.zeros((512,), dtype=jnp.float32)
    Wloc = jax.random.normal(ks[2], (9 * 4, 512, 1, 1), dtype=jnp.float32) * 0.01
    bloc = jnp.zeros((9 * 4,), dtype=jnp.float32)
    Wsc = jax.random.normal(ks[3], (9 * 2, 512, 1, 1), dtype=jnp.float32) * 0.01
    bsc = jnp.zeros((9 * 2,), dtype=jnp.float32)
    return {'x': x, 'img_size': 800, 'W1': W1, 'b1': b1, 'Wloc': Wloc, 'bloc': bloc, 'Wsc': Wsc, 'bsc': bsc}


def reference(x, img_size, W1, b1, Wloc, bloc, Wsc, bsc):
    n, c, h, w = x.shape
    anchor_base = jnp.asarray(generate_anchor_base(STRIDE))
    anchors = get_anchors(anchor_base, STRIDE, h, w)
    xr = jax.nn.relu(conv2d(x, W1, b1, 'SAME'))
    rpn_locs = conv2d(xr, Wloc, bloc, 'VALID')
    rpn_scores = conv2d(xr, Wsc, bsc, 'VALID')
    rpn_locs = jnp.transpose(rpn_locs, (0, 2, 3, 1)).reshape(n, -1, 4)
    rpn_scores = jnp.transpose(rpn_scores, (0, 2, 3, 1)).reshape(n, -1, 2)
    scores = rpn_scores[:, :, 1]
    rois = transform_locs(anchors, rpn_locs, img_size)
    roi0 = rois[0]
    sc0 = scores[0]
    order = jnp.argsort(-sc0)[:PRE_NMS]
    roi_tmp = roi0[order, :]
    keep = nms_keep(roi_tmp, NMS_THRESH)
    keep_idx = jnp.nonzero(keep, size=POST_NMS)[0]
    roi = roi_tmp[keep_idx]
    return (rpn_locs, rpn_scores, roi, anchors)

if __name__ == "__main__":
    import jax
    _d = setup_inputs()
    print(jax.jit(kernel)(*tuple(_d.values())))

</pallas_src>

<mosaic_0001>
#map = affine_map<(d0, d1) -> (0)>
#map1 = affine_map<(d0, d1) -> (0, 0)>
module attributes {stable_mosaic.version = 14 : i64} {
  func.func @_sc_gather_body(%arg0: i32, %arg1: i32, %arg2: memref<22528xf32, #tpu.memory_space<hbm>>, %arg3: memref<22528xf32, #tpu.memory_space<hbm>>, %arg4: memref<22528xf32, #tpu.memory_space<hbm>>, %arg5: memref<22528xf32, #tpu.memory_space<hbm>>, %arg6: memref<96x128xi32, #tpu.memory_space<hbm>>, %arg7: memref<96x128xf32, #tpu.memory_space<hbm>>, %arg8: memref<96x128xf32, #tpu.memory_space<hbm>>, %arg9: memref<96x128xf32, #tpu.memory_space<hbm>>, %arg10: memref<96x128xf32, #tpu.memory_space<hbm>>, %arg11: memref<8x128xi32, #tpu.memory_space<vmem>>, %arg12: memref<8x128xf32, #tpu.memory_space<vmem>>, %arg13: memref<8x128xf32, #tpu.memory_space<vmem>>, %arg14: memref<8x128xf32, #tpu.memory_space<vmem>>, %arg15: memref<8x128xf32, #tpu.memory_space<vmem>>, %arg16: memref<!tpu.dma_semaphore, #tpu.memory_space<semaphore_mem>>) attributes {dimension_semantics = [#tpu.dimension_semantics<core_parallel>, #tpu.dimension_semantics<subcore_parallel>], iteration_bounds = array<i64: 2, 16>, scalar_prefetch = 0 : i64, scratch_operands = 6 : i64, tpu.core_type = #tpu.core_type<sc_vector_subcore>, window_params = [{transform_indices = #map}, {transform_indices = #map}, {transform_indices = #map}, {transform_indices = #map}, {transform_indices = #map1}, {transform_indices = #map1}, {transform_indices = #map1}, {transform_indices = #map1}, {transform_indices = #map1}]} {
    %mul3A = arith.constant 2 : i32
    %mul3A_0 = arith.muli %arg1, %mul3A : i32
    %add3A = arith.addi %mul3A_0, %arg0 : i32
    %lt3A = arith.constant 12 : i32
    %lt3A_1 = arith.cmpi slt, %add3A, %lt3A : i32
    %convert_element_type3A = arith.extui %lt3A_1 : i1 to i32
    %cond3A = arith.constant 0 : i32
    %cond3A_2 = arith.cmpi ne, %convert_element_type3A, %cond3A : i32
    scf.if %cond3A_2 {
      %mul3A_3 = arith.constant 8 : i32
      %mul3A_4 = arith.muli %add3A, %mul3A_3 : i32
      "tpu.region"() ({
        %run_scoped3A = tpu.sem_alloc : memref<!tpu.dma_semaphore, #tpu.memory_space<semaphore_mem>>
        %dma_start3A_643 = arith.constant 0 : i32
        %dma_start3A_644 = tpu.memref_slice %arg6[%mul3A_4, %dma_start3A_643] : memref<96x128xi32, #tpu.memory_space<hbm>> -> memref<8x128xi32, #tpu.memory_space<hbm>>
        %dma_start3A_645 = arith.constant 0 : i32
        %dma_start3A_646 = tpu.memref_slice %arg6[%mul3A_4, %dma_start3A_645] : memref<96x128xi32, #tpu.memory_space<hbm>> -> memref<8x128xi32, #tpu.memory_space<hbm>>
        tpu.enqueue_dma source(%dma_start3A_646 : memref<8x128xi32, #tpu.memory_space<hbm>>) target(%arg11 : memref<8x128xi32, #tpu.memory_space<vmem>>) target_semaphore(%run_scoped3A : memref<!tpu.dma_semaphore, #tpu.memory_space<semaphore_mem>>)
        %dma_wait3A_647 = arith.constant 0 : i32
        %dma_wait3A_648 = tpu.memref_slice %arg6[%mul3A_4, %dma_wait3A_647] : memref<96x128xi32, #tpu.memory_space<hbm>> -> memref<8x128xi32, #tpu.memory_space<hbm>>
        %dma_wait3A_649 = arith.constant 0 : i32
        %dma_wait3A_650 = tpu.memref_slice %arg6[%mul3A_4, %dma_wait3A_649] : memref<96x128xi32, #tpu.memory_space<hbm>> -> memref<8x128xi32, #tpu.memory_space<hbm>>
        tpu.wait_dma2 semaphore(%run_scoped3A : memref<!tpu.dma_semaphore, #tpu.memory_space<semaphore_mem>>) src(%dma_wait3A_650 : memref<8x128xi32, #tpu.memory_space<hbm>>) dst(%arg11 : memref<8x128xi32, #tpu.memory_space<vmem>>)
        tpu.yield
      }) : () -> ()
      %dma_start3A = arith.constant 0 : i32
      %dma_start3A_5 = arith.constant 0 : i32
      %dma_start3A_6 = arith.constant 0 : i32
      %dma_start3A_7 = tpu.memref_slice %arg12[%dma_start3A_5, %dma_start3A_6] : memref<8x128xf32, #tpu.memory_space<vmem>> -> memref<1x128xf32, #tpu.memory_space<vmem>>
      %dma_start3A_8 = tpu.memref_squeeze %dma_start3A_7 : memref<1x128xf32, #tpu.memory_space<vmem>> -> memref<128xf32, #tpu.memory_space<vmem>>
      %dma_start3A_9 = arith.constant 0 : i32
      %dma_start3A_10 = tpu.memref_slice %arg11[%dma_start3A, %dma_start3A_9] : memref<8x128xi32, #tpu.memory_space<vmem>> -> memref<1x128xi32, #tpu.memory_space<vmem>>
      %dma_start3A_11 = tpu.memref_squeeze %dma_start3A_10 : memref<1x128xi32, #tpu.memory_space<vmem>> -> memref<128xi32, #tpu.memory_space<vmem>>
      %dma_start3A_12 = arith.constant 0 : i32
      %dma_start3A_13 = tpu.memref_slice %arg2[%dma_start3A_12] : memref<22528xf32, #tpu.memory_space<hbm>> -> memref<22528xf32, #tpu.memory_space<hbm>>
      tpu.enqueue_indirect_dma source(%dma_start3A_13 : memref<22528xf32, #tpu.memory_space<hbm>>) target(%dma_start3A_8 : memref<128xf32, #tpu.memory_space<vmem>>) offsets(%dma_start3A_11 : memref<128xi32, #tpu.memory_space<vmem>>) semaphore(%arg16 : memref<!tpu.dma_semaphore, #tpu.memory_space<semaphore_mem>>)
      %dma_wait3A = arith.constant 0 : i32
      %dma_wait3A_14 = arith.constant 0 : i32
      %dma_wait3A_15 = arith.constant 0 : i32
      %dma_wait3A_16 = tpu.memref_slice %arg12[%dma_wait3A_14, %dma_wait3A_15] : memref<8x128xf32, #tpu.memory_space<vmem>> -> memref<1x128xf32, #tpu.memory_space<vmem>>
      %dma_wait3A_17 = tpu.memref_squeeze %dma_wait3A_16 : memref<1x128xf32, #tpu.memory_space<vmem>> -> memref<128xf32, #tpu.memory_space<vmem>>
      %dma_wait3A_18 = arith.constant 0 : i32
      %dma_wait3A_19 = tpu.memref_slice %arg11[%dma_wait3A, %dma_wait3A_18] : memref<8x128xi32, #tpu.memory_space<vmem>> -> memref<1x128xi32, #tpu.memory_space<vmem>>
      %dma_wait3A_20 = tpu.memref_squeeze %dma_wait3A_19 : memref<1x128xi32, #tpu.memory_space<vmem>> -> memref<128xi32, #tpu.memory_space<vmem>>
      %dma_wait3A_21 = arith.constant 0 : i32
      %dma_wait3A_22 = tpu.memref_slice %arg2[%dma_wait3A_21] : memref<22528xf32, #tpu.memory_space<hbm>> -> memref<22528xf32, #tpu.memory_space<hbm>>
      tpu.wait_indirect_dma semaphore(%arg16 : memref<!tpu.dma_semaphore, #tpu.memory_space<semaphore_mem>>) src(%dma_wait3A_22 : memref<22528xf32, #tpu.memory_space<hbm>>) dst(%dma_wait3A_17 : memref<128xf32, #tpu.memory_space<vmem>>)
      %dma_start3A_23 = arith.constant 1 : i32
      %dma_start3A_24 = arith.constant 1 : i32
      %dma_start3A_25 = arith.constant 0 : i32
      %dma_start3A_26 = tpu.memref_slice %arg12[%dma_start3A_24, %dma_start3A_25] : memref<8x128xf32, #tpu.memory_space<vmem>> -> memref<1x128xf32, #tpu.memory_space<vmem>>
      %dma_start3A_27 = tpu.memref_squeeze %dma_start3A_26 : memref<1x128xf32, #tpu.memory_space<vmem>> -> memref<128xf32, #tpu.memory_space<vmem>>
      %dma_start3A_28 = arith.constant 0 : i32
      %dma_start3A_29 = tpu.memref_slice %arg11[%dma_start3A_23, %dma_start3A_28] : memref<8x128xi32, #tpu.memory_space<vmem>> -> memref<1x128xi32, #tpu.memory_space<vmem>>
      %dma_start3A_30 = tpu.memref_squeeze %dma_start3A_29 : memref<1x128xi32, #tpu.memory_space<vmem>> -> memref<128xi32, #tpu.memory_space<vmem>>
      %dma_start3A_31 = arith.constant 0 : i32
      %dma_start3A_32 = tpu.memref_slice %arg2[%dma_start3A_31] : memref<22528xf32, #tpu.memory_space<hbm>> -> memref<22528xf32, #tpu.memory_space<hbm>>
      tpu.enqueue_indirect_dma source(%dma_start3A_32 : memref<22528xf32, #tpu.memory_space<hbm>>) target(%dma_start3A_27 : memref<128xf32, #tpu.memory_space<vmem>>) offsets(%dma_start3A_30 : memref<128xi32, #tpu.memory_space<vmem>>) semaphore(%arg16 : memref<!tpu.dma_semaphore, #tpu.memory_space<semaphore_mem>>)
      %dma_wait3A_33 = arith.constant 1 : i32
      %dma_wait3A_34 = arith.constant 1 : i32
      %dma_wait3A_35 = arith.constant 0 : i32
      %dma_wait3A_36 = tpu.memref_slice %arg12[%dma_wait3A_34, %dma_wait3A_35] : memref<8x128xf32, #tpu.memory_space<vmem>> -> memref<1x128xf32, #tpu.memory_space<vmem>>
      %dma_wait3A_37 = tpu.memref_squeeze %dma_wait3A_36 : memref<1x128xf32, #tpu.memory_space<vmem>> -> memref<128xf32, #tpu.memory_space<vmem>>
      %dma_wait3A_38 = arith.constant 0 : i32
      %dma_wait3A_39 = tpu.memref_slice %arg11[%dma_wait3A_33, %dma_wait3A_38] : memref<8x128xi32, #tpu.memory_space<vmem>> -> memref<1x128xi32, #tpu.memory_space<vmem>>
      %dma_wait3A_40 = tpu.memref_squeeze %dma_wait3A_39 : memref<1x128xi32, #tpu.memory_space<vmem>> -> memref<128xi32, #tpu.memory_space<vmem>>
      %dma_wait3A_41 = arith.constant 0 : i32
      %dma_wait3A_42 = tpu.memref_slice %arg2[%dma_wait3A_41] : memref<22528xf32, #tpu.memory_space<hbm>> -> memref<22528xf32, #tpu.memory_space<hbm>>
      tpu.wait_indirect_dma semaphore(%arg16 : memref<!tpu.dma_semaphore, #tpu.memory_space<semaphore_mem>>) src(%dma_wait3A_42 : memref<22528xf32, #tpu.memory_space<hbm>>) dst(%dma_wait3A_37 : memref<128xf32, #tpu.memory_space<vmem>>)
      %dma_start3A_43 = arith.constant 2 : i32
      %dma_start3A_44 = arith.constant 2 : i32
      %dma_start3A_45 = arith.constant 0 : i32
      %dma_start3A_46 = tpu.memref_slice %arg12[%dma_start3A_44, %dma_start3A_45] : memref<8x128xf32, #tpu.memory_space<vmem>> -> memref<1x128xf32, #tpu.memory_space<vmem>>
      %dma_start3A_47 = tpu.memref_squeeze %dma_start3A_46 : memref<1x128xf32, #tpu.memory_space<vmem>> -> memref<128xf32, #tpu.memory_space<vmem>>
      %dma_start3A_48 = arith.constant 0 : i32
      %dma_start3A_49 = tpu.memref_slice %arg11[%dma_start3A_43, %dma_start3A_48] : memref<8x128xi32, #tpu.memory_space<vmem>> -> memref<1x128xi32, #tpu.memory_space<vmem>>
      %dma_start3A_50 = tpu.memref_squeeze %dma_start3A_49 : memref<1x128xi32, #tpu.memory_space<vmem>> -> memref<128xi32, #tpu.memory_space<vmem>>
      %dma_start3A_51 = arith.constant 0 : i32
      %dma_start3A_52 = tpu.memref_slice %arg2[%dma_start3A_51] : memref<22528xf32, #tpu.memory_space<hbm>> -> memref<22528xf32, #tpu.memory_space<hbm>>
      tpu.enqueue_indirect_dma source(%dma_start3A_52 : memref<22528xf32, #tpu.memory_space<hbm>>) target(%dma_start3A_47 : memref<128xf32, #tpu.memory_space<vmem>>) offsets(%dma_start3A_50 : memref<128xi32, #tpu.memory_space<vmem>>) semaphore(%arg16 : memref<!tpu.dma_semaphore, #tpu.memory_space<semaphore_mem>>)
      %dma_wait3A_53 = arith.constant 2 : i32
      %dma_wait3A_54 = arith.constant 2 : i32
      %dma_wait3A_55 = arith.constant 0 : i32
      %dma_wait3A_56 = tpu.memref_slice %arg12[%dma_wait3A_54, %dma_wait3A_55] : memref<8x128xf32, #tpu.memory_space<vmem>> -> memref<1x128xf32, #tpu.memory_space<vmem>>
      %dma_wait3A_57 = tpu.memref_squeeze %dma_wait3A_56 : memref<1x128xf32, #tpu.memory_space<vmem>> -> memref<128xf32, #tpu.memory_space<vmem>>
      %dma_wait3A_58 = arith.constant 0 : i32
      %dma_wait3A_59 = tpu.memref_slice %arg11[%dma_wait3A_53, %dma_wait3A_58] : memref<8x128xi32, #tpu.memory_space<vmem>> -> memref<1x128xi32, #tpu.memory_space<vmem>>
      %dma_wait3A_60 = tpu.memref_squeeze %dma_wait3A_59 : memref<1x128xi32, #tpu.memory_space<vmem>> -> memref<128xi32, #tpu.memory_space<vmem>>
      %dma_wait3A_61 = arith.constant 0 : i32
      %dma_wait3A_62 = tpu.memref_slice %arg2[%dma_wait3A_61] : memref<22528xf32, #tpu.memory_space<hbm>> -> memref<22528xf32, #tpu.memory_space<hbm>>
      tpu.wait_indirect_dma semaphore(%arg16 : memref<!tpu.dma_semaphore, #tpu.memory_space<semaphore_mem>>) src(%dma_wait3A_62 : memref<22528xf32, #tpu.memory_space<hbm>>) dst(%dma_wait3A_57 : memref<128xf32, #tpu.memory_space<vmem>>)
      %dma_start3A_63 = arith.constant 3 : i32
      %dma_start3A_64 = arith.constant 3 : i32
      %dma_start3A_65 = arith.constant 0 : i32
      %dma_start3A_66 = tpu.memref_slice %arg12[%dma_start3A_64, %dma_start3A_65] : memref<8x128xf32, #tpu.memory_space<vmem>> -> memref<1x128xf32, #tpu.memory_space<vmem>>
      %dma_start3A_67 = tpu.memref_squeeze %dma_start3A_66 : memref<1x128xf32, #tpu.memory_space<vmem>> -> memref<128xf32, #tpu.memory_space<vmem>>
      %dma_start3A_68 = arith.constant 0 : i32
      %dma_start3A_69 = tpu.memref_slice %arg11[%dma_start3A_63, %dma_start3A_68] : memref<8x128xi32, #tpu.memory_space<vmem>> -> memref<1x128xi32, #tpu.memory_space<vmem>>
      %dma_start3A_70 = tpu.memref_squeeze %dma_start3A_69 : memref<1x128xi32, #tpu.memory_space<vmem>> -> memref<128xi32, #tpu.memory_space<vmem>>
      %dma_start3A_71 = arith.constant 0 : i32
      %dma_start3A_72 = tpu.memref_slice %arg2[%dma_start3A_71] : memref<22528xf32, #tpu.memory_space<hbm>> -> memref<22528xf32, #tpu.memory_space<hbm>>
      tpu.enqueue_indirect_dma source(%dma_start3A_72 : memref<22528xf32, #tpu.memory_space<hbm>>) target(%dma_start3A_67 : memref<128xf32, #tpu.memory_space<vmem>>) offsets(%dma_start3A_70 : memref<128xi32, #tpu.memory_space<vmem>>) semaphore(%arg16 : memref<!tpu.dma_semaphore, #tpu.memory_space<semaphore_mem>>)
      %dma_wait3A_73 = arith.constant 3 : i32
      %dma_wait3A_74 = arith.constant 3 : i32
      %dma_wait3A_75 = arith.constant 0 : i32
      %dma_wait3A_76 = tpu.memref_slice %arg12[%dma_wait3A_74, %dma_wait3A_75] : memref<8x128xf32, #tpu.memory_space<vmem>> -> memref<1x128xf32, #tpu.memory_space<vmem>>
      %dma_wait3A_77 = tpu.memref_squeeze %dma_wait3A_76 : memref<1x128xf32, #tpu.memory_space<vmem>> -> memref<128xf32, #tpu.memory_space<vmem>>
      %dma_wait3A_78 = arith.constant 0 : i32
      %dma_wait3A_79 = tpu.memref_slice %arg11[%dma_wait3A_73, %dma_wait3A_78] : memref<8x128xi32, #tpu.memory_space<vmem>> -> memref<1x128xi32, #tpu.memory_space<vmem>>
      %dma_wait3A_80 = tpu.memref_squeeze %dma_wait3A_79 : memref<1x128xi32, #tpu.memory_space<vmem>> -> memref<128xi32, #tpu.memory_space<vmem>>
      %dma_wait3A_81 = arith.constant 0 : i32
      %dma_wait3A_82 = tpu.memref_slice %arg2[%dma_wait3A_81] : memref<22528xf32, #tpu.memory_space<hbm>> -> memref<22528xf32, #tpu.memory_space<hbm>>
      tpu.wait_indirect_dma semaphore(%arg16 : memref<!tpu.dma_semaphore, #tpu.memory_space<semaphore_mem>>) src(%dma_wait3A_82 : memref<22528xf32, #tpu.memory_space<hbm>>) dst(%dma_wait3A_77 : memref<128xf32, #tpu.memory_space<vmem>>)
      %dma_start3A_83 = arith.constant 4 : i32
      %dma_start3A_84 = arith.constant 4 : i32
      %dma_start3A_85 = arith.constant 0 : i32
      %dma_start3A_86 = tpu.memref_slice %arg12[%dma_start3A_84, %dma_start3A_85] : memref<8x128xf32, #tpu.memory_space<vmem>> -> memref<1x128xf32, #tpu.memory_space<vmem>>
      %dma_start3A_87 = tpu.memref_squeeze %dma_start3A_86 : memref<1x128xf32, #tpu.memory_space<vmem>> -> memref<128xf32, #tpu.memory_space<vmem>>
      %dma_start3A_88 = arith.constant 0 : i32
      %dma_start3A_89 = tpu.memref_slice %arg11[%dma_start3A_83, %dma_start3A_88] : memref<8x128xi32, #tpu.memory_space<vmem>> -> memref<1x128xi32, #tpu.memory_space<vmem>>
      %dma_start3A_90 = tpu.memref_squeeze %dma_start3A_89 : memref<1x128xi32, #tpu.memory_space<vmem>> -> memref<128xi32, #tpu.memory_space<vmem>>
      %dma_start3A_91 = arith.constant 0 : i32
      %dma_start3A_92 = tpu.memref_slice %arg2[%dma_start3A_91] : memref<22528xf32, #tpu.memory_space<hbm>> -> memref<22528xf32, #tpu.memory_space<hbm>>
      tpu.enqueue_indirect_dma source(%dma_start3A_92 : memref<22528xf32, #tpu.memory_space<hbm>>) target(%dma_start3A_87 : memref<128xf32, #tpu.memory_space<vmem>>) offsets(%dma_start3A_90 : memref<128xi32, #tpu.memory_space<vmem>>) semaphore(%arg16 : memref<!tpu.dma_semaphore, #tpu.memory_space<semaphore_mem>>)
      %dma_wait3A_93 = arith.constant 4 : i32
      %dma_wait3A_94 = arith.constant 4 : i32
      %dma_wait3A_95 = arith.constant 0 : i32
      %dma_wait3A_96 = tpu.memref_slice %arg12[%dma_wait3A_94, %dma_wait3A_95] : memref<8x128xf32, #tpu.memory_space<vmem>> -> memref<1x128xf32, #tpu.memory_space<vmem>>
      %dma_wait3A_97 = tpu.memref_squeeze %dma_wait3A_96 : memref<1x128xf32, #tpu.memory_space<vmem>> -> memref<128xf32, #tpu.memory_space<vmem>>
      %dma_wait3A_98 = arith.constant 0 : i32
      %dma_wait3A_99 = tpu.memref_slice %arg11[%dma_wait3A_93, %dma_wait3A_98] : memref<8x128xi32, #tpu.memory_space<vmem>> -> memref<1x128xi32, #tpu.memory_space<vmem>>
      %dma_wait3A_100 = tpu.memref_squeeze %dma_wait3A_99 : memref<1x128xi32, #tpu.memory_space<vmem>> -> memref<128xi32, #tpu.memory_space<vmem>>
      %dma_wait3A_101 = arith.constant 0 : i32
      %dma_wait3A_102 = tpu.memref_slice %arg2[%dma_wait3A_101] : memref<22528xf32, #tpu.memory_space<hbm>> -> memref<22528xf32, #tpu.memory_space<hbm>>
      tpu.wait_indirect_dma semaphore(%arg16 : memref<!tpu.dma_semaphore, #tpu.memory_space<semaphore_mem>>) src(%dma_wait3A_102 : memref<22528xf32, #tpu.memory_space<hbm>>) dst(%dma_wait3A_97 : memref<128xf32, #tpu.memory_space<vmem>>)
      %dma_start3A_103 = arith.constant 5 : i32
      %dma_start3A_104 = arith.constant 5 : i32
      %dma_start3A_105 = arith.constant 0 : i32
      %dma_start3A_106 = tpu.memref_slice %arg12[%dma_start3A_104, %dma_start3A_105] : memref<8x128xf32, #tpu.memory_space<vmem>> -> memref<1x128xf32, #tpu.memory_space<vmem>>
      %dma_start3A_107 = tpu.memref_squeeze %dma_start3A_106 : memref<1x128xf32, #tpu.memory_space<vmem>> -> memref<128xf32, #tpu.memory_space<vmem>>
      %dma_start3A_108 = arith.constant 0 : i32
      %dma_start3A_109 = tpu.memref_slice %arg11[%dma_start3A_103, %dma_start3A_108] : memref<8x128xi32, #tpu.memory_space<vmem>> -> memref<1x128xi32, #tpu.memory_space<vmem>>
      %dma_start3A_110 = tpu.memref_squeeze %dma_start3A_109 : memref<1x128xi32, #tpu.memory_space<vmem>> -> memref<128xi32, #tpu.memory_space<vmem>>
      %dma_start3A_111 = arith.constant 0 : i32
      %dma_start3A_112 = tpu.memref_slice %arg2[%dma_start3A_111] : memref<22528xf32, #tpu.memory_space<hbm>> -> memref<22528xf32, #tpu.memory_space<hbm>>
      tpu.enqueue_indirect_dma source(%dma_start3A_112 : memref<22528xf32, #tpu.memory_space<hbm>>) target(%dma_start3A_107 : memref<128xf32, #tpu.memory_space<vmem>>) offsets(%dma_start3A_110 : memref<128xi32, #tpu.memory_space<vmem>>) semaphore(%arg16 : memref<!tpu.dma_semaphore, #tpu.memory_space<semaphore_mem>>)
      %dma_wait3A_113 = arith.constant 5 : i32
      %dma_wait3A_114 = arith.constant 5 : i32
      %dma_wait3A_115 = arith.constant 0 : i32
      %dma_wait3A_116 = tpu.memref_slice %arg12[%dma_wait3A_114, %dma_wait3A_115] : memref<8x128xf32, #tpu.memory_space<vmem>> -> memref<1x128xf32, #tpu.memory_space<vmem>>
      %dma_wait3A_117 = tpu.memref_squeeze %dma_wait3A_116 : memref<1x128xf32, #tpu.memory_space<vmem>> -> memref<128xf32, #tpu.memory_space<vmem>>
      %dma_wait3A_118 = arith.constant 0 : i32
      %dma_wait3A_119 = tpu.memref_slice %arg11[%dma_wait3A_113, %dma_wait3A_118] : memref<8x128xi32, #tpu.memory_space<vmem>> -> memref<1x128xi32, #tpu.memory_space<vmem>>
      %dma_wait3A_120 = tpu.memref_squeeze %dma_wait3A_119 : memref<1x128xi32, #tpu.memory_space<vmem>> -> memref<128xi32, #tpu.memory_space<vmem>>
      %dma_wait3A_121 = arith.constant 0 : i32
      %dma_wait3A_122 = tpu.memref_slice %arg2[%dma_wait3A_121] : memref<22528xf32, #tpu.memory_space<hbm>> -> memref<22528xf32, #tpu.memory_space<hbm>>
      tpu.wait_indirect_dma semaphore(%arg16 : memref<!tpu.dma_semaphore, #tpu.memory_space<semaphore_mem>>) src(%dma_wait3A_122 : memref<22528xf32, #tpu.memory_space<hbm>>) dst(%dma_wait3A_117 : memref<128xf32, #tpu.memory_space<vmem>>)
      %dma_start3A_123 = arith.constant 6 : i32
      %dma_start3A_124 = arith.constant 6 : i32
      %dma_start3A_125 = arith.constant 0 : i32
      %dma_start3A_126 = tpu.memref_slice %arg12[%dma_start3A_124, %dma_start3A_125] : memref<8x128xf32, #tpu.memory_space<vmem>> -> memref<1x128xf32, #tpu.memory_space<vmem>>
      %dma_start3A_127 = tpu.memref_squeeze %dma_start3A_126 : memref<1x128xf32, #tpu.memory_space<vmem>> -> memref<128xf32, #tpu.memory_space<vmem>>
      %dma_start3A_128 = arith.constant 0 : i32
      %dma_start3A_129 = tpu.memref_slice %arg11[%dma_start3A_123, %dma_start3A_128] : memref<8x128xi32, #tpu.memory_space<vmem>> -> memref<1x128xi32, #tpu.memory_space<vmem>>
      %dma_start3A_130 = tpu.memref_squeeze %dma_start3A_129 : memref<1x128xi32, #tpu.memory_space<vmem>> -> memref<128xi32, #tpu.memory_space<vmem>>
      %dma_start3A_131 = arith.constant 0 : i32
      %dma_start3A_132 = tpu.memref_slice %arg2[%dma_start3A_131] : memref<22528xf32, #tpu.memory_space<hbm>> -> memref<22528xf32, #tpu.memory_space<hbm>>
      tpu.enqueue_indirect_dma source(%dma_start3A_132 : memref<22528xf32, #tpu.memory_space<hbm>>) target(%dma_start3A_127 : memref<128xf32, #tpu.memory_space<vmem>>) offsets(%dma_start3A_130 : memref<128xi32, #tpu.memory_space<vmem>>) semaphore(%arg16 : memref<!tpu.dma_semaphore, #tpu.memory_space<semaphore_mem>>)
      %dma_wait3A_133 = arith.constant 6 : i32
      %dma_wait3A_134 = arith.constant 6 : i32
      %dma_wait3A_135 = arith.constant 0 : i32
      %dma_wait3A_136 = tpu.memref_slice %arg12[%dma_wait3A_134, %dma_wait3A_135] : memref<8x128xf32, #tpu.memory_space<vmem>> -> memref<1x128xf32, #tpu.memory_space<vmem>>
      %dma_wait3A_137 = tpu.memref_squeeze %dma_wait3A_136 : memref<1x128xf32, #tpu.memory_space<vmem>> -> memref<128xf32, #tpu.memory_space<vmem>>
      %dma_wait3A_138 = arith.constant 0 : i32
      %dma_wait3A_139 = tpu.memref_slice %arg11[%dma_wait3A_133, %dma_wait3A_138] : memref<8x128xi32, #tpu.memory_space<vmem>> -> memref<1x128xi32, #tpu.memory_space<vmem>>
      %dma_wait3A_140 = tpu.memref_squeeze %dma_wait3A_139 : memref<1x128xi32, #tpu.memory_space<vmem>> -> memref<128xi32, #tpu.memory_space<vmem>>
      %dma_wait3A_141 = arith.constant 0 : i32
      %dma_wait3A_142 = tpu.memref_slice %arg2[%dma_wait3A_141] : memref<22528xf32, #tpu.memory_space<hbm>> -> memref<22528xf32, #tpu.memory_space<hbm>>
      tpu.wait_indirect_dma semaphore(%arg16 : memref<!tpu.dma_semaphore, #tpu.memory_space<semaphore_mem>>) src(%dma_wait3A_142 : memref<22528xf32, #tpu.memory_space<hbm>>) dst(%dma_wait3A_137 : memref<128xf32, #tpu.memory_space<vmem>>)
      %dma_start3A_143 = arith.constant 7 : i32
      %dma_start3A_144 = arith.constant 7 : i32
      %dma_start3A_145 = arith.constant 0 : i32
      %dma_start3A_146 = tpu.memref_slice %arg12[%dma_start3A_144, %dma_start3A_145] : memref<8x128xf32, #tpu.memory_space<vmem>> -> memref<1x128xf32, #tpu.memory_space<vmem>>
      %dma_start3A_147 = tpu.memref_squeeze %dma_start3A_146 : memref<1x128xf32, #tpu.memory_space<vmem>> -> memref<128xf32, #tpu.memory_space<vmem>>
      %dma_start3A_148 = arith.constant 0 : i32
      %dma_start3A_149 = tpu.memref_slice %arg11[%dma_start3A_143, %dma_start3A_148] : memref<8x128xi32, #tpu.memory_space<vmem>> -> memref<1x128xi32, #tpu.memory_space<vmem>>
      %dma_start3A_150 = tpu.memref_squeeze %dma_start3A_149 : memref<1x128xi32, #tpu.memory_space<vmem>> -> memref<128xi32, #tpu.memory_space<vmem>>
      %dma_start3A_151 = arith.constant 0 : i32
      %dma_start3A_152 = tpu.memref_slice %arg2[%dma_start3A_151] : memref<22528xf32, #tpu.memory_space<hbm>> -> memref<22528xf32, #tpu.memory_space<hbm>>
      tpu.enqueue_indirect_dma source(%dma_start3A_152 : memref<22528xf32, #tpu.memory_space<hbm>>) target(%dma_start3A_147 : memref<128xf32, #tpu.memory_space<vmem>>) offsets(%dma_start3A_150 : memref<128xi32, #tpu.memory_space<vmem>>) semaphore(%arg16 : memref<!tpu.dma_semaphore, #tpu.memory_space<semaphore_mem>>)
      %dma_wait3A_153 = arith.constant 7 : i32
      %dma_wait3A_154 = arith.constant 7 : i32
      %dma_wait3A_155 = arith.constant 0 : i32
      %dma_wait3A_156 = tpu.memref_slice %arg12[%dma_wait3A_154, %dma_wait3A_155] : memref<8x128xf32, #tpu.memory_space<vmem>> -> memref<1x128xf32, #tpu.memory_space<vmem>>
      %dma_wait3A_157 = tpu.memref_squeeze %dma_wait3A_156 : memref<1x128xf32, #tpu.memory_space<vmem>> -> memref<128xf32, #tpu.memory_space<vmem>>
      %dma_wait3A_158 = arith.constant 0 : i32
      %dma_wait3A_159 = tpu.memref_slice %arg11[%dma_wait3A_153, %dma_wait3A_158] : memref<8x128xi32, #tpu.memory_space<vmem>> -> memref<1x128xi32, #tpu.memory_space<vmem>>
      %dma_wait3A_160 = tpu.memref_squeeze %dma_wait3A_159 : memref<1x128xi32, #tpu.memory_space<vmem>> -> memref<128xi32, #tpu.memory_space<vmem>>
      %dma_wait3A_161 = arith.constant 0 : i32
      %dma_wait3A_162 = tpu.memref_slice %arg2[%dma_wait3A_161] : memref<22528xf32, #tpu.memory_space<hbm>> -> memref<22528xf32, #tpu.memory_space<hbm>>
      tpu.wait_indirect_dma semaphore(%arg16 : memref<!tpu.dma_semaphore, #tpu.memory_space<semaphore_mem>>) src(%dma_wait3A_162 : memref<22528xf32, #tpu.memory_space<hbm>>) dst(%dma_wait3A_157 : memref<128xf32, #tpu.memory_space<vmem>>)
      "tpu.region"() ({
        %run_scoped3A = tpu.sem_alloc : memref<!tpu.dma_semaphore, #tpu.memory_space<semaphore_mem>>
        %dma_start3A_643 = arith.constant 0 : i32
        %dma_start3A_644 = tpu.memref_slice %arg7[%mul3A_4, %dma_start3A_643] : memref<96x128xf32, #tpu.memory_space<hbm>> -> memref<8x128xf32, #tpu.memory_space<hbm>>
        %dma_start3A_645 = arith.constant 0 : i32
        %dma_start3A_646 = tpu.memref_slice %arg7[%mul3A_4, %dma_start3A_645] : memref<96x128xf32, #tpu.memory_space<hbm>> -> memref<8x128xf32, #tpu.memory_space<hbm>>
        tpu.enqueue_dma source(%arg12 : memref<8x128xf32, #tpu.memory_space<vmem>>) target(%dma_start3A_646 : memref<8x128xf32, #tpu.memory_space<hbm>>) target_semaphore(%run_scoped3A : memref<!tpu.dma_semaphore, #tpu.memory_space<semaphore_mem>>)
        %dma_wait3A_647 = arith.constant 0 : i32
        %dma_wait3A_648 = tpu.memref_slice %arg7[%mul3A_4, %dma_wait3A_647] : memref<96x128xf32, #tpu.memory_space<hbm>> -> memref<8x128xf32, #tpu.memory_space<hbm>>
        %dma_wait3A_649 = arith.constant 0 : i32
        %dma_wait3A_650 = tpu.memref_slice %arg7[%mul3A_4, %dma_wait3A_649] : memref<96x128xf32, #tpu.memory_space<hbm>> -> memref<8x128xf32, #tpu.memory_space<hbm>>
        tpu.wait_dma2 semaphore(%run_scoped3A : memref<!tpu.dma_semaphore, #tpu.memory_space<semaphore_mem>>) src(%arg12 : memref<8x128xf32, #tpu.memory_space<vmem>>) dst(%dma_wait3A_650 : memref<8x128xf32, #tpu.memory_space<hbm>>)
        tpu.yield
      }) : () -> ()
      %dma_start3A_163 = arith.constant 0 : i32
      %dma_start3A_164 = arith.constant 0 : i32
      %dma_start3A_165 = arith.constant 0 : i32
      %dma_start3A_166 = tpu.memref_slice %arg13[%dma_start3A_164, %dma_start3A_165] : memref<8x128xf32, #tpu.memory_space<vmem>> -> memref<1x128xf32, #tpu.memory_space<vmem>>
      %dma_start3A_167 = tpu.memref_squeeze %dma_start3A_166 : memref<1x128xf32, #tpu.memory_space<vmem>> -> memref<128xf32, #tpu.memory_space<vmem>>
      %dma_start3A_168 = arith.constant 0 : i32
      %dma_start3A_169 = tpu.memref_slice %arg11[%dma_start3A_163, %dma_start3A_168] : memref<8x128xi32, #tpu.memory_space<vmem>> -> memref<1x128xi32, #tpu.memory_space<vmem>>
      %dma_start3A_170 = tpu.memref_squeeze %dma_start3A_169 : memref<1x128xi32, #tpu.memory_space<vmem>> -> memref<128xi32, #tpu.memory_space<vmem>>
      %dma_start3A_171 = arith.constant 0 : i32
      %dma_start3A_172 = tpu.memref_slice %arg3[%dma_start3A_171] : memref<22528xf32, #tpu.memory_space<hbm>> -> memref<22528xf32, #tpu.memory_space<hbm>>
      tpu.enqueue_indirect_dma source(%dma_start3A_172 : memref<22528xf32, #tpu.memory_space<hbm>>) target(%dma_start3A_167 : memref<128xf32, #tpu.memory_space<vmem>>) offsets(%dma_start3A_170 : memref<128xi32, #tpu.memory_space<vmem>>) semaphore(%arg16 : memref<!tpu.dma_semaphore, #tpu.memory_space<semaphore_mem>>)
      %dma_wait3A_173 = arith.constant 0 : i32
      %dma_wait3A_174 = arith.constant 0 : i32
      %dma_wait3A_175 = arith.constant 0 : i32
      %dma_wait3A_176 = tpu.memref_slice %arg13[%dma_wait3A_174, %dma_wait3A_175] : memref<8x128xf32, #tpu.memory_space<vmem>> -> memref<1x128xf32, #tpu.memory_space<vmem>>
      %dma_wait3A_177 = tpu.memref_squeeze %dma_wait3A_176 : memref<1x128xf32, #tpu.memory_space<vmem>> -> memref<128xf32, #tpu.memory_space<vmem>>
      %dma_wait3A_178 = arith.constant 0 : i32
      %dma_wait3A_179 = tpu.memref_slice %arg11[%dma_wait3A_173, %dma_wait3A_178] : memref<8x128xi32, #tpu.memory_space<vmem>> -> memref<1x128xi32, #tpu.memory_space<vmem>>
      %dma_wait3A_180 = tpu.memref_squeeze %dma_wait3A_179 : memref<1x128xi32, #tpu.memory_space<vmem>> -> memref<128xi32, #tpu.memory_space<vmem>>
      %dma_wait3A_181 = arith.constant 0 : i32
      %dma_wait3A_182 = tpu.memref_slice %arg3[%dma_wait3A_181] : memref<22528xf32, #tpu.memory_space<hbm>> -> memref<22528xf32, #tpu.memory_space<hbm>>
      tpu.wait_indirect_dma semaphore(%arg16 : memref<!tpu.dma_semaphore, #tpu.memory_space<semaphore_mem>>) src(%dma_wait3A_182 : memref<22528xf32, #tpu.memory_space<hbm>>) dst(%dma_wait3A_177 : memref<128xf32, #tpu.memory_space<vmem>>)
      %dma_start3A_183 = arith.constant 1 : i32
      %dma_start3A_184 = arith.constant 1 : i32
      %dma_start3A_185 = arith.constant 0 : i32
      %dma_start3A_186 = tpu.memref_slice %arg13[%dma_start3A_184, %dma_start3A_185] : memref<8x128xf32, #tpu.memory_space<vmem>> -> memref<1x128xf32, #tpu.memory_space<vmem>>
      %dma_start3A_187 = tpu.memref_squeeze %dma_start3A_186 : memref<1x128xf32, #tpu.memory_space<vmem>> -> memref<128xf32, #tpu.memory_space<vmem>>
      %dma_start3A_188 = arith.constant 0 : i32
      %dma_start3A_189 = tpu.memref_slice %arg11[%dma_start3A_183, %dma_start3A_188] : memref<8x128xi32, #tpu.memory_space<vmem>> -> memref<1x128xi32, #tpu.memory_space<vmem>>
      %dma_start3A_190 = tpu.memref_squeeze %dma_start3A_189 : memref<1x128xi32, #tpu.memory_space<vmem>> -> memref<128xi32, #tpu.memory_space<vmem>>
      %dma_start3A_191 = arith.constant 0 : i32
      %dma_start3A_192 = tpu.memref_slice %arg3[%dma_start3A_191] : memref<22528xf32, #tpu.memory_space<hbm>> -> memref<22528xf32, #tpu.memory_space<hbm>>
      tpu.enqueue_indirect_dma source(%dma_start3A_192 : memref<22528xf32, #tpu.memory_space<hbm>>) target(%dma_start3A_187 : memref<128xf32, #tpu.memory_space<vmem>>) offsets(%dma_start3A_190 : memref<128xi32, #tpu.memory_space<vmem>>) semaphore(%arg16 : memref<!tpu.dma_semaphore, #tpu.memory_space<semaphore_mem>>)
      %dma_wait3A_193 = arith.constant 1 : i32
      %dma_wait3A_194 = arith.constant 1 : i32
      %dma_wait3A_195 = arith.constant 0 : i32
      %dma_wait3A_196 = tpu.memref_slice %arg13[%dma_wait3A_194, %dma_wait3A_195] : memref<8x128xf32, #tpu.memory_space<vmem>> -> memref<1x128xf32, #tpu.memory_space<vmem>>
      %dma_wait3A_197 = tpu.memref_squeeze %dma_wait3A_196 : memref<1x128xf32, #tpu.memory_space<vmem>> -> memref<128xf32, #tpu.memory_space<vmem>>
      %dma_wait3A_198 = arith.constant 0 : i32
      %dma_wait3A_199 = tpu.memref_slice %arg11[%dma_wait3A_193, %dma_wait3A_198] : memref<8x128xi32, #tpu.memory_space<vmem>> -> memref<1x128xi32, #tpu.memory_space<vmem>>
      %dma_wait3A_200 = tpu.memref_squeeze %dma_wait3A_199 : memref<1x128xi32, #tpu.memory_space<vmem>> -> memref<128xi32, #tpu.memory_space<vmem>>
      %dma_wait3A_201 = arith.constant 0 : i32
      %dma_wait3A_202 = tpu.memref_slice %arg3[%dma_wait3A_201] : memref<22528xf32, #tpu.memory_space<hbm>> -> memref<22528xf32, #tpu.memory_space<hbm>>
      tpu.wait_indirect_dma semaphore(%arg16 : memref<!tpu.dma_semaphore, #tpu.memory_space<semaphore_mem>>) src(%dma_wait3A_202 : memref<22528xf32, #tpu.memory_space<hbm>>) dst(%dma_wait3A_197 : memref<128xf32, #tpu.memory_space<vmem>>)
      %dma_start3A_203 = arith.constant 2 : i32
      %dma_start3A_204 = arith.constant 2 : i32
      %dma_start3A_205 = arith.constant 0 : i32
      %dma_start3A_206 = tpu.memref_slice %arg13[%dma_start3A_204, %dma_start3A_205] : memref<8x128xf32, #tpu.memory_space<vmem>> -> memref<1x128xf32, #tpu.memory_space<vmem>>
      %dma_start3A_207 = tpu.memref_squeeze %dma_start3A_206 : memref<1x128xf32, #tpu.memory_space<vmem>> -> memref<128xf32, #tpu.memory_space<vmem>>
      %dma_start3A_208 = arith.constant 0 : i32
      %dma_start3A_209 = tpu.memref_slice %arg11[%dma_start3A_203, %dma_start3A_208] : memref<8x128xi32, #tpu.memory_space<vmem>> -> memref<1x128xi32, #tpu.memory_space<vmem>>
      %dma_start3A_210 = tpu.memref_squeeze %dma_start3A_209 : memref<1x128xi32, #tpu.memory_space<vmem>> -> memref<128xi32, #tpu.memory_space<vmem>>
      %dma_start3A_211 = arith.constant 0 : i32
      %dma_start3A_212 = tpu.memref_slice %arg3[%dma_start3A_211] : memref<22528xf32, #tpu.memory_space<hbm>> -> memref<22528xf32, #tpu.memory_space<hbm>>
      tpu.enqueue_indirect_dma source(%dma_start3A_212 : memref<22528xf32, #tpu.memory_space<hbm>>) target(%dma_start3A_207 : memref<128xf32, #tpu.memory_space<vmem>>) offsets(%dma_start3A_210 : memref<128xi32, #tpu.memory_space<vmem>>) semaphore(%arg16 : memref<!tpu.dma_semaphore, #tpu.memory_space<semaphore_mem>>)
      %dma_wait3A_213 = arith.constant 2 : i32
      %dma_wait3A_214 = arith.constant 2 : i32
      %dma_wait3A_215 = arith.constant 0 : i32
      %dma_wait3A_216 = tpu.memref_slice %arg13[%dma_wait3A_214, %dma_wait3A_215] : memref<8x128xf32, #tpu.memory_space<vmem>> -> memref<1x128xf32, #tpu.memory_space<vmem>>
      %dma_wait3A_217 = tpu.memref_squeeze %dma_wait3A_216 : memref<1x128xf32, #tpu.memory_space<vmem>> -> memref<128xf32, #tpu.memory_space<vmem>>
      %dma_wait3A_218 = arith.constant 0 : i32
      %dma_wait3A_219 = tpu.memref_slice %arg11[%dma_wait3A_213, %dma_wait3A_218] : memref<8x128xi32, #tpu.memory_space<vmem>> -> memref<1x128xi32, #tpu.memory_space<vmem>>
      %dma_wait3A_220 = tpu.memref_squeeze %dma_wait3A_219 : memref<1x128xi32, #tpu.memory_space<vmem>> -> memref<128xi32, #tpu.memory_space<vmem>>
      %dma_wait3A_221 = arith.constant 0 : i32
      %dma_wait3A_222 = tpu.memref_slice %arg3[%dma_wait3A_221] : memref<22528xf32, #tpu.memory_space<hbm>> -> memref<22528xf32, #tpu.memory_space<hbm>>
      tpu.wait_indirect_dma semaphore(%arg16 : memref<!tpu.dma_semaphore, #tpu.memory_space<semaphore_mem>>) src(%dma_wait3A_222 : memref<22528xf32, #tpu.memory_space<hbm>>) dst(%dma_wait3A_217 : memref<128xf32, #tpu.memory_space<vmem>>)
      %dma_start3A_223 = arith.constant 3 : i32
      %dma_start3A_224 = arith.constant 3 : i32
      %dma_start3A_225 = arith.constant 0 : i32
      %dma_start3A_226 = tpu.memref_slice %arg13[%dma_start3A_224, %dma_start3A_225] : memref<8x128xf32, #tpu.memory_space<vmem>> -> memref<1x128xf32, #tpu.memory_space<vmem>>
      %dma_start3A_227 = tpu.memref_squeeze %dma_start3A_226 : memref<1x128xf32, #tpu.memory_space<vmem>> -> memref<128xf32, #tpu.memory_space<vmem>>
      %dma_start3A_228 = arith.constant 0 : i32
      %dma_start3A_229 = tpu.memref_slice %arg11[%dma_start3A_223, %dma_start3A_228] : memref<8x128xi32, #tpu.memory_space<vmem>> -> memref<1x128xi32, #tpu.memory_space<vmem>>
      %dma_start3A_230 = tpu.memref_squeeze %dma_start3A_229 : memref<1x128xi32, #tpu.memory_space<vmem>> -> memref<128xi32, #tpu.memory_space<vmem>>
      %dma_start3A_231 = arith.constant 0 : i32
      %dma_start3A_232 = tpu.memref_slice %arg3[%dma_start3A_231] : memref<22528xf32, #tpu.memory_space<hbm>> -> memref<22528xf32, #tpu.memory_space<hbm>>
      tpu.enqueue_indirect_dma source(%dma_start3A_232 : memref<22528xf32, #tpu.memory_space<hbm>>) target(%dma_start3A_227 : memref<128xf32, #tpu.memory_space<vmem>>) offsets(%dma_start3A_230 : memref<128xi32, #tpu.memory_space<vmem>>) semaphore(%arg16 : memref<!tpu.dma_semaphore, #tpu.memory_space<semaphore_mem>>)
      %dma_wait3A_233 = arith.constant 3 : i32
      %dma_wait3A_234 = arith.constant 3 : i32
      %dma_wait3A_235 = arith.constant 0 : i32
      %dma_wait3A_236 = tpu.memref_slice %arg13[%dma_wait3A_234, %dma_wait3A_235] : memref<8x128xf32, #tpu.memory_space<vmem>> -> memref<1x128xf32, #tpu.memory_space<vmem>>
      %dma_wait3A_237 = tpu.memref_squeeze %dma_wait3A_236 : memref<1x128xf32, #tpu.memory_space<vmem>> -> memref<128xf32, #tpu.memory_space<vmem>>
      %dma_wait3A_238 = arith.constant 0 : i32
      %dma_wait3A_239 = tpu.memref_slice %arg11[%dma_wait3A_233, %dma_wait3A_238] : memref<8x128xi32, #tpu.memory_space<vmem>> -> memref<1x128xi32, #tpu.memory_space<vmem>>
      %dma_wait3A_240 = tpu.memref_squeeze %dma_wait3A_239 : memref<1x128xi32, #tpu.memory_space<vmem>> -> memref<128xi32, #tpu.memory_space<vmem>>
      %dma_wait3A_241 = arith.constant 0 : i32
      %dma_wait3A_242 = tpu.memref_slice %arg3[%dma_wait3A_241] : memref<22528xf32, #tpu.memory_space<hbm>> -> memref<22528xf32, #tpu.memory_space<hbm>>
      tpu.wait_indirect_dma semaphore(%arg16 : memref<!tpu.dma_semaphore, #tpu.memory_space<semaphore_mem>>) src(%dma_wait3A_242 : memref<22528xf32, #tpu.memory_space<hbm>>) dst(%dma_wait3A_237 : memref<128xf32, #tpu.memory_space<vmem>>)
      %dma_start3A_243 = arith.constant 4 : i32
      %dma_start3A_244 = arith.constant 4 : i32
      %dma_start3A_245 = arith.constant 0 : i32
      %dma_start3A_246 = tpu.memref_slice %arg13[%dma_start3A_244, %dma_start3A_245] : memref<8x128xf32, #tpu.memory_space<vmem>> -> memref<1x128xf32, #tpu.memory_space<vmem>>
      %dma_start3A_247 = tpu.memref_squeeze %dma_start3A_246 : memref<1x128xf32, #tpu.memory_space<vmem>> -> memref<128xf32, #tpu.memory_space<vmem>>
      %dma_start3A_248 = arith.constant 0 : i32
      %dma_start3A_249 = tpu.memref_slice %arg11[%dma_start3A_243, %dma_start3A_248] : memref<8x128xi32, #tpu.memory_space<vmem>> -> memref<1x128xi32, #tpu.memory_space<vmem>>
      %dma_start3A_250 = tpu.memref_squeeze %dma_start3A_249 : memref<1x128xi32, #tpu.memory_space<vmem>> -> memref<128xi32, #tpu.memory_space<vmem>>
      %dma_start3A_251 = arith.constant 0 : i32
      %dma_start3A_252 = tpu.memref_slice %arg3[%dma_start3A_251] : memref<22528xf32, #tpu.memory_space<hbm>> -> memref<22528xf32, #tpu.memory_space<hbm>>
      tpu.enqueue_indirect_dma source(%dma_start3A_252 : memref<22528xf32, #tpu.memory_space<hbm>>) target(%dma_start3A_247 : memref<128xf32, #tpu.memory_space<vmem>>) offsets(%dma_start3A_250 : memref<128xi32, #tpu.memory_space<vmem>>) semaphore(%arg16 : memref<!tpu.dma_semaphore, #tpu.memory_space<semaphore_mem>>)
      %dma_wait3A_253 = arith.constant 4 : i32
      %dma_wait3A_254 = arith.constant 4 : i32
      %dma_wait3A_255 = arith.constant 0 : i32
      %dma_wait3A_256 = tpu.memref_slice %arg13[%dma_wait3A_254, %dma_wait3A_255] : memref<8x128xf32, #tpu.memory_space<vmem>> -> memref<1x128xf32, #tpu.memory_space<vmem>>
      %dma_wait3A_257 = tpu.memref_squeeze %dma_wait3A_256 : memref<1x128xf32, #tpu.memory_space<vmem>> -> memref<128xf32, #tpu.memory_space<vmem>>
      %dma_wait3A_258 = arith.constant 0 : i32
      %dma_wait3A_259 = tpu.memref_slice %arg11[%dma_wait3A_253, %dma_wait3A_258] : memref<8x128xi32, #tpu.memory_space<vmem>> -> memref<1x128xi32, #tpu.memory_space<vmem>>
      %dma_wait3A_260 = tpu.memref_squeeze %dma_wait3A_259 : memref<1x128xi32, #tpu.memory_space<vmem>> -> memref<128xi32, #tpu.memory_space<vmem>>
      %dma_wait3A_261 = arith.constant 0 : i32
      %dma_wait3A_262 = tpu.memref_slice %arg3[%dma_wait3A_261] : memref<22528xf32, #tpu.memory_space<hbm>> -> memref<22528xf32, #tpu.memory_space<hbm>>
      tpu.wait_indirect_dma semaphore(%arg16 : memref<!tpu.dma_semaphore, #tpu.memory_space<semaphore_mem>>) src(%dma_wait3A_262 : memref<22528xf32, #tpu.memory_space<hbm>>) dst(%dma_wait3A_257 : memref<128xf32, #tpu.memory_space<vmem>>)
      %dma_start3A_263 = arith.constant 5 : i32
      %dma_start3A_264 = arith.constant 5 : i32
      %dma_start3A_265 = arith.constant 0 : i32
      %dma_start3A_266 = tpu.memref_slice %arg13[%dma_start3A_264, %dma_start3A_265] : memref<8x128xf32, #tpu.memory_space<vmem>> -> memref<1x128xf32, #tpu.memory_space<vmem>>
      %dma_start3A_267 = tpu.memref_squeeze %dma_start3A_266 : memref<1x128xf32, #tpu.memory_space<vmem>> -> memref<128xf32, #tpu.memory_space<vmem>>
      %dma_start3A_268 = arith.constant 0 : i32
      %dma_start3A_269 = tpu.memref_slice %arg11[%dma_start3A_263, %dma_start3A_268] : memref<8x128xi32, #tpu.memory_space<vmem>> -> memref<1x128xi32, #tpu.memory_space<vmem>>
      %dma_start3A_270 = tpu.memref_squeeze %dma_start3A_269 : memref<1x128xi32, #tpu.memory_space<vmem>> -> memref<128xi32, #tpu.memory_space<vmem>>
      %dma_start3A_271 = arith.constant 0 : i32
      %dma_start3A_272 = tpu.memref_slice %arg3[%dma_start3A_271] : memref<22528xf32, #tpu.memory_space<hbm>> -> memref<22528xf32, #tpu.memory_space<hbm>>
      tpu.enqueue_indirect_dma source(%dma_start3A_272 : memref<22528xf32, #tpu.memory_space<hbm>>) target(%dma_start3A_267 : memref<128xf32, #tpu.memory_space<vmem>>) offsets(%dma_start3A_270 : memref<128xi32, #tpu.memory_space<vmem>>) semaphore(%arg16 : memref<!tpu.dma_semaphore, #tpu.memory_space<semaphore_mem>>)
      %dma_wait3A_273 = arith.constant 5 : i32
      %dma_wait3A_274 = arith.constant 5 : i32
      %dma_wait3A_275 = arith.constant 0 : i32
      %dma_wait3A_276 = tpu.memref_slice %arg13[%dma_wait3A_274, %dma_wait3A_275] : memref<8x128xf32, #tpu.memory_space<vmem>> -> memref<1x128xf32, #tpu.memory_space<vmem>>
      %dma_wait3A_277 = tpu.memref_squeeze %dma_wait3A_276 : memref<1x128xf32, #tpu.memory_space<vmem>> -> memref<128xf32, #tpu.memory_space<vmem>>
      %dma_wait3A_278 = arith.constant 0 : i32
      %dma_wait3A_279 = tpu.memref_slice %arg11[%dma_wait3A_273, %dma_wait3A_278] : memref<8x128xi32, #tpu.memory_space<vmem>> -> memref<1x128xi32, #tpu.memory_space<vmem>>
      %dma_wait3A_280 = tpu.memref_squeeze %dma_wait3A_279 : memref<1x128xi32, #tpu.memory_space<vmem>> -> memref<128xi32, #tpu.memory_space<vmem>>
      %dma_wait3A_281 = arith.constant 0 : i32
      %dma_wait3A_282 = tpu.memref_slice %arg3[%dma_wait3A_281] : memref<22528xf32, #tpu.memory_space<hbm>> -> memref<22528xf32, #tpu.memory_space<hbm>>
      tpu.wait_indirect_dma semaphore(%arg16 : memref<!tpu.dma_semaphore, #tpu.memory_space<semaphore_mem>>) src(%dma_wait3A_282 : memref<22528xf32, #tpu.memory_space<hbm>>) dst(%dma_wait3A_277 : memref<128xf32, #tpu.memory_space<vmem>>)
      %dma_start3A_283 = arith.constant 6 : i32
      %dma_start3A_284 = arith.constant 6 : i32
      %dma_start3A_285 = arith.constant 0 : i32
      %dma_start3A_286 = tpu.memref_slice %arg13[%dma_start3A_284, %dma_start3A_285] : memref<8x128xf32, #tpu.memory_space<vmem>> -> memref<1x128xf32, #tpu.memory_space<vmem>>
      %dma_start3A_287 = tpu.memref_squeeze %dma_start3A_286 : memref<1x128xf32, #tpu.memory_space<vmem>> -> memref<128xf32, #tpu.memory_space<vmem>>
      %dma_start3A_288 = arith.constant 0 : i32
      %dma_start3A_289 = tpu.memref_slice %arg11[%dma_start3A_283, %dma_start3A_288] : memref<8x128xi32, #tpu.memory_space<vmem>> -> memref<1x128xi32, #tpu.memory_space<vmem>>
      %dma_start3A_290 = tpu.memref_squeeze %dma_start3A_289 : memref<1x128xi32, #tpu.memory_space<vmem>> -> memref<128xi32, #tpu.memory_space<vmem>>
      %dma_start3A_291 = arith.constant 0 : i32
      %dma_start3A_292 = tpu.memref_slice %arg3[%dma_start3A_291] : memref<22528xf32, #tpu.memory_space<hbm>> -> memref<22528xf32, #tpu.memory_space<hbm>>
      tpu.enqueue_indirect_dma source(%dma_start3A_292 : memref<22528xf32, #tpu.memory_space<hbm>>) target(%dma_start3A_287 : memref<128xf32, #tpu.memory_space<vmem>>) offsets(%dma_start3A_290 : memref<128xi32, #tpu.memory_space<vmem>>) semaphore(%arg16 : memref<!tpu.dma_semaphore, #tpu.memory_space<semaphore_mem>>)
      %dma_wait3A_293 = arith.constant 6 : i32
      %dma_wait3A_294 = arith.constant 6 : i32
      %dma_wait3A_295 = arith.constant 0 : i32
      %dma_wait3A_296 = tpu.memref_slice %arg13[%dma_wait3A_294, %dma_wait3A_295] : memref<8x128xf32, #tpu.memory_space<vmem>> -> memref<1x128xf32, #tpu.memory_space<vmem>>
      %dma_wait3A_297 = tpu.memref_squeeze %dma_wait3A_296 : memref<1x128xf32, #tpu.memory_space<vmem>> -> memref<128xf32, #tpu.memory_space<vmem>>
      %dma_wait3A_298 = arith.constant 0 : i32
      %dma_wait3A_299 = tpu.memref_slice %arg11[%dma_wait3A_293, %dma_wait3A_298] : memref<8x128xi32, #tpu.memory_space<vmem>> -> memref<1x128xi32, #tpu.memory_space<vmem>>
      %dma_wait3A_300 = tpu.memref_squeeze %dma_wait3A_299 : memref<1x128xi32, #tpu.memory_space<vmem>> -> memref<128xi32, #tpu.memory_space<vmem>>
      %dma_wait3A_301 = arith.constant 0 : i32
      %dma_wait3A_302 = tpu.memref_slice %arg3[%dma_wait3A_301] : memref<22528xf32, #tpu.memory_space<hbm>> -> memref<22528xf32, #tpu.memory_space<hbm>>
      tpu.wait_indirect_dma semaphore(%arg16 : memref<!tpu.dma_semaphore, #tpu.memory_space<semaphore_mem>>) src(%dma_wait3A_302 : memref<22528xf32, #tpu.memory_space<hbm>>) dst(%dma_wait3A_297 : memref<128xf32, #tpu.memory_space<vmem>>)
      %dma_start3A_303 = arith.constant 7 : i32
      %dma_start3A_304 = arith.constant 7 : i32
      %dma_start3A_305 = arith.constant 0 : i32
      %dma_start3A_306 = tpu.memref_slice %arg13[%dma_start3A_304, %dma_start3A_305] : memref<8x128xf32, #tpu.memory_space<vmem>> -> memref<1x128xf32, #tpu.memory_space<vmem>>
      %dma_start3A_307 = tpu.memref_squeeze %dma_start3A_306 : memref<1x128xf32, #tpu.memory_space<vmem>> -> memref<128xf32, #tpu.memory_space<vmem>>
      %dma_start3A_308 = arith.constant 0 : i32
      %dma_start3A_309 = tpu.memref_slice %arg11[%dma_start3A_303, %dma_start3A_308] : memref<8x128xi32, #tpu.memory_space<vmem>> -> memref<1x128xi32, #tpu.memory_space<vmem>>
      %dma_start3A_310 = tpu.memref_squeeze %dma_start3A_309 : memref<1x128xi32, #tpu.memory_space<vmem>> -> memref<128xi32, #tpu.memory_space<vmem>>
      %dma_start3A_311 = arith.constant 0 : i32
      %dma_start3A_312 = tpu.memref_slice %arg3[%dma_start3A_311] : memref<22528xf32, #tpu.memory_space<hbm>> -> memref<22528xf32, #tpu.memory_space<hbm>>
      tpu.enqueue_indirect_dma source(%dma_start3A_312 : memref<22528xf32, #tpu.memory_space<hbm>>) target(%dma_start3A_307 : memref<128xf32, #tpu.memory_space<vmem>>) offsets(%dma_start3A_310 : memref<128xi32, #tpu.memory_space<vmem>>) semaphore(%arg16 : memref<!tpu.dma_semaphore, #tpu.memory_space<semaphore_mem>>)
      %dma_wait3A_313 = arith.constant 7 : i32
      %dma_wait3A_314 = arith.constant 7 : i32
      %dma_wait3A_315 = arith.constant 0 : i32
      %dma_wait3A_316 = tpu.memref_slice %arg13[%dma_wait3A_314, %dma_wait3A_315] : memref<8x128xf32, #tpu.memory_space<vmem>> -> memref<1x128xf32, #tpu.memory_space<vmem>>
      %dma_wait3A_317 = tpu.memref_squeeze %dma_wait3A_316 : memref<1x128xf32, #tpu.memory_space<vmem>> -> memref<128xf32, #tpu.memory_space<vmem>>
      %dma_wait3A_318 = arith.constant 0 : i32
      %dma_wait3A_319 = tpu.memref_slice %arg11[%dma_wait3A_313, %dma_wait3A_318] : memref<8x128xi32, #tpu.memory_space<vmem>> -> memref<1x128xi32, #tpu.memory_space<vmem>>
      %dma_wait3A_320 = tpu.memref_squeeze %dma_wait3A_319 : memref<1x128xi32, #tpu.memory_space<vmem>> -> memref<128xi32, #tpu.memory_space<vmem>>
      %dma_wait3A_321 = arith.constant 0 : i32
      %dma_wait3A_322 = tpu.memref_slice %arg3[%dma_wait3A_321] : memref<22528xf32, #tpu.memory_space<hbm>> -> memref<22528xf32, #tpu.memory_space<hbm>>
      tpu.wait_indirect_dma semaphore(%arg16 : memref<!tpu.dma_semaphore, #tpu.memory_space<semaphore_mem>>) src(%dma_wait3A_322 : memref<22528xf32, #tpu.memory_space<hbm>>) dst(%dma_wait3A_317 : memref<128xf32, #tpu.memory_space<vmem>>)
      "tpu.region"() ({
        %run_scoped3A = tpu.sem_alloc : memref<!tpu.dma_semaphore, #tpu.memory_space<semaphore_mem>>
        %dma_start3A_643 = arith.constant 0 : i32
        %dma_start3A_644 = tpu.memref_slice %arg8[%mul3A_4, %dma_start3A_643] : memref<96x128xf32, #tpu.memory_space<hbm>> -> memref<8x128xf32, #tpu.memory_space<hbm>>
        %dma_start3A_645 = arith.constant 0 : i32
        %dma_start3A_646 = tpu.memref_slice %arg8[%mul3A_4, %dma_start3A_645] : memref<96x128xf32, #tpu.memory_space<hbm>> -> memref<8x128xf32, #tpu.memory_space<hbm>>
        tpu.enqueue_dma source(%arg13 : memref<8x128xf32, #tpu.memory_space<vmem>>) target(%dma_start3A_646 : memref<8x128xf32, #tpu.memory_space<hbm>>) target_semaphore(%run_scoped3A : memref<!tpu.dma_semaphore, #tpu.memory_space<semaphore_mem>>)
        %dma_wait3A_647 = arith.constant 0 : i32
        %dma_wait3A_648 = tpu.memref_slice %arg8[%mul3A_4, %dma_wait3A_647] : memref<96x128xf32, #tpu.memory_space<hbm>> -> memref<8x128xf32, #tpu.memory_space<hbm>>
        %dma_wait3A_649 = arith.constant 0 : i32
        %dma_wait3A_650 = tpu.memref_slice %arg8[%mul3A_4, %dma_wait3A_649] : memref<96x128xf32, #tpu.memory_space<hbm>> -> memref<8x128xf32, #tpu.memory_space<hbm>>
        tpu.wait_dma2 semaphore(%run_scoped3A : memref<!tpu.dma_semaphore, #tpu.memory_space<semaphore_mem>>) src(%arg13 : memref<8x128xf32, #tpu.memory_space<vmem>>) dst(%dma_wait3A_650 : memref<8x128xf32, #tpu.memory_space<hbm>>)
        tpu.yield
      }) : () -> ()
      %dma_start3A_323 = arith.constant 0 : i32
      %dma_start3A_324 = arith.constant 0 : i32
      %dma_start3A_325 = arith.constant 0 : i32
      %dma_start3A_326 = tpu.memref_slice %arg14[%dma_start3A_324, %dma_start3A_325] : memref<8x128xf32, #tpu.memory_space<vmem>> -> memref<1x128xf32, #tpu.memory_space<vmem>>
      %dma_start3A_327 = tpu.memref_squeeze %dma_start3A_326 : memref<1x128xf32, #tpu.memory_space<vmem>> -> memref<128xf32, #tpu.memory_space<vmem>>
      %dma_start3A_328 = arith.constant 0 : i32
      %dma_start3A_329 = tpu.memref_slice %arg11[%dma_start3A_323, %dma_start3A_328] : memref<8x128xi32, #tpu.memory_space<vmem>> -> memref<1x128xi32, #tpu.memory_space<vmem>>
      %dma_start3A_330 = tpu.memref_squeeze %dma_start3A_329 : memref<1x128xi32, #tpu.memory_space<vmem>> -> memref<128xi32, #tpu.memory_space<vmem>>
      %dma_start3A_331 = arith.constant 0 : i32
      %dma_start3A_332 = tpu.memref_slice %arg4[%dma_start3A_331] : memref<22528xf32, #tpu.memory_space<hbm>> -> memref<22528xf32, #tpu.memory_space<hbm>>
      tpu.enqueue_indirect_dma source(%dma_start3A_332 : memref<22528xf32, #tpu.memory_space<hbm>>) target(%dma_start3A_327 : memref<128xf32, #tpu.memory_space<vmem>>) offsets(%dma_start3A_330 : memref<128xi32, #tpu.memory_space<vmem>>) semaphore(%arg16 : memref<!tpu.dma_semaphore, #tpu.memory_space<semaphore_mem>>)
      %dma_wait3A_333 = arith.constant 0 : i32
      %dma_wait3A_334 = arith.constant 0 : i32
      %dma_wait3A_335 = arith.constant 0 : i32
      %dma_wait3A_336 = tpu.memref_slice %arg14[%dma_wait3A_334, %dma_wait3A_335] : memref<8x128xf32, #tpu.memory_space<vmem>> -> memref<1x128xf32, #tpu.memory_space<vmem>>
      %dma_wait3A_337 = tpu.memref_squeeze %dma_wait3A_336 : memref<1x128xf32, #tpu.memory_space<vmem>> -> memref<128xf32, #tpu.memory_space<vmem>>
      %dma_wait3A_338 = arith.constant 0 : i32
      %dma_wait3A_339 = tpu.memref_slice %arg11[%dma_wait3A_333, %dma_wait3A_338] : memref<8x128xi32, #tpu.memory_space<vmem>> -> memref<1x128xi32, #tpu.memory_space<vmem>>
      %dma_wait3A_340 = tpu.memref_squeeze %dma_wait3A_339 : memref<1x128xi32, #tpu.memory_space<vmem>> -> memref<128xi32, #tpu.memory_space<vmem>>
      %dma_wait3A_341 = arith.constant 0 : i32
      %dma_wait3A_342 = tpu.memref_slice %arg4[%dma_wait3A_341] : memref<22528xf32, #tpu.memory_space<hbm>> -> memref<22528xf32, #tpu.memory_space<hbm>>
      tpu.wait_indirect_dma semaphore(%arg16 : memref<!tpu.dma_semaphore, #tpu.memory_space<semaphore_mem>>) src(%dma_wait3A_342 : memref<22528xf32, #tpu.memory_space<hbm>>) dst(%dma_wait3A_337 : memref<128xf32, #tpu.memory_space<vmem>>)
      %dma_start3A_343 = arith.constant 1 : i32
      %dma_start3A_344 = arith.constant 1 : i32
      %dma_start3A_345 = arith.constant 0 : i32
      %dma_start3A_346 = tpu.memref_slice %arg14[%dma_start3A_344, %dma_start3A_345] : memref<8x128xf32, #tpu.memory_space<vmem>> -> memref<1x128xf32, #tpu.memory_space<vmem>>
      %dma_start3A_347 = tpu.memref_squeeze %dma_start3A_346 : memref<1x128xf32, #tpu.memory_space<vmem>> -> memref<128xf32, #tpu.memory_space<vmem>>
      %dma_start3A_348 = arith.constant 0 : i32
      %dma_start3A_349 = tpu.memref_slice %arg11[%dma_start3A_343, %dma_start3A_348] : memref<8x128xi32, #tpu.memory_space<vmem>> -> memref<1x128xi32, #tpu.memory_space<vmem>>
      %dma_start3A_350 = tpu.memref_squeeze %dma_start3A_349 : memref<1x128xi32, #tpu.memory_space<vmem>> -> memref<128xi32, #tpu.memory_space<vmem>>
      %dma_start3A_351 = arith.constant 0 : i32
      %dma_start3A_352 = tpu.memref_slice %arg4[%dma_start3A_351] : memref<22528xf32, #tpu.memory_space<hbm>> -> memref<22528xf32, #tpu.memory_space<hbm>>
      tpu.enqueue_indirect_dma source(%dma_start3A_352 : memref<22528xf32, #tpu.memory_space<hbm>>) target(%dma_start3A_347 : memref<128xf32, #tpu.memory_space<vmem>>) offsets(%dma_start3A_350 : memref<128xi32, #tpu.memory_space<vmem>>) semaphore(%arg16 : memref<!tpu.dma_semaphore, #tpu.memory_space<semaphore_mem>>)
      %dma_wait3A_353 = arith.constant 1 : i32
      %dma_wait3A_354 = arith.constant 1 : i32
      %dma_wait3A_355 = arith.constant 0 : i32
      %dma_wait3A_356 = tpu.memref_slice %arg14[%dma_wait3A_354, %dma_wait3A_355] : memref<8x128xf32, #tpu.memory_space<vmem>> -> memref<1x128xf32, #tpu.memory_space<vmem>>
      %dma_wait3A_357 = tpu.memref_squeeze %dma_wait3A_356 : memref<1x128xf32, #tpu.memory_space<vmem>> -> memref<128xf32, #tpu.memory_space<vmem>>
      %dma_wait3A_358 = arith.constant 0 : i32
      %dma_wait3A_359 = tpu.memref_slice %arg11[%dma_wait3A_353, %dma_wait3A_358] : memref<8x128xi32, #tpu.memory_space<vmem>> -> memref<1x128xi32, #tpu.memory_space<vmem>>
      %dma_wait3A_360 = tpu.memref_squeeze %dma_wait3A_359 : memref<1x128xi32, #tpu.memory_space<vmem>> -> memref<128xi32, #tpu.memory_space<vmem>>
      %dma_wait3A_361 = arith.constant 0 : i32
      %dma_wait3A_362 = tpu.memref_slice %arg4[%dma_wait3A_361] : memref<22528xf32, #tpu.memory_space<hbm>> -> memref<22528xf32, #tpu.memory_space<hbm>>
      tpu.wait_indirect_dma semaphore(%arg16 : memref<!tpu.dma_semaphore, #tpu.memory_space<semaphore_mem>>) src(%dma_wait3A_362 : memref<22528xf32, #tpu.memory_space<hbm>>) dst(%dma_wait3A_357 : memref<128xf32, #tpu.memory_space<vmem>>)
      %dma_start3A_363 = arith.constant 2 : i32
      %dma_start3A_364 = arith.constant 2 : i32
      %dma_start3A_365 = arith.constant 0 : i32
      %dma_start3A_366 = tpu.memref_slice %arg14[%dma_start3A_364, %dma_start3A_365] : memref<8x128xf32, #tpu.memory_space<vmem>> -> memref<1x128xf32, #tpu.memory_space<vmem>>
      %dma_start3A_367 = tpu.memref_squeeze %dma_start3A_366 : memref<1x128xf32, #tpu.memory_space<vmem>> -> memref<128xf32, #tpu.memory_space<vmem>>
      %dma_start3A_368 = arith.constant 0 : i32
      %dma_start3A_369 = tpu.memref_slice %arg11[%dma_start3A_363, %dma_start3A_368] : memref<8x128xi32, #tpu.memory_space<vmem>> -> memref<1x128xi32, #tpu.memory_space<vmem>>
      %dma_start3A_370 = tpu.memref_squeeze %dma_start3A_369 : memref<1x128xi32, #tpu.memory_space<vmem>> -> memref<128xi32, #tpu.memory_space<vmem>>
      %dma_start3A_371 = arith.constant 0 : i32
      %dma_start3A_372 = tpu.memref_slice %arg4[%dma_start3A_371] : memref<22528xf32, #tpu.memory_space<hbm>> -> memref<22528xf32, #tpu.memory_space<hbm>>
      tpu.enqueue_indirect_dma source(%dma_start3A_372 : memref<22528xf32, #tpu.memory_space<hbm>>) target(%dma_start3A_367 : memref<128xf32, #tpu.memory_space<vmem>>) offsets(%dma_start3A_370 : memref<128xi32, #tpu.memory_space<vmem>>) semaphore(%arg16 : memref<!tpu.dma_semaphore, #tpu.memory_space<semaphore_mem>>)
      %dma_wait3A_373 = arith.constant 2 : i32
      %dma_wait3A_374 = arith.constant 2 : i32
      %dma_wait3A_375 = arith.constant 0 : i32
      %dma_wait3A_376 = tpu.memref_slice %arg14[%dma_wait3A_374, %dma_wait3A_375] : memref<8x128xf32, #tpu.memory_space<vmem>> -> memref<1x128xf32, #tpu.memory_space<vmem>>
      %dma_wait3A_377 = tpu.memref_squeeze %dma_wait3A_376 : memref<1x128xf32, #tpu.memory_space<vmem>> -> memref<128xf32, #tpu.memory_space<vmem>>
      %dma_wait3A_378 = arith.constant 0 : i32
      %dma_wait3A_379 = tpu.memref_slice %arg11[%dma_wait3A_373, %dma_wait3A_378] : memref<8x128xi32, #tpu.memory_space<vmem>> -> memref<1x128xi32, #tpu.memory_space<vmem>>
      %dma_wait3A_380 = tpu.memref_squeeze %dma_wait3A_379 : memref<1x128xi32, #tpu.memory_space<vmem>> -> memref<128xi32, #tpu.memory_space<vmem>>
      %dma_wait3A_381 = arith.constant 0 : i32
      %dma_wait3A_382 = tpu.memref_slice %arg4[%dma_wait3A_381] : memref<22528xf32, #tpu.memory_space<hbm>> -> memref<22528xf32, #tpu.memory_space<hbm>>
      tpu.wait_indirect_dma semaphore(%arg16 : memref<!tpu.dma_semaphore, #tpu.memory_space<semaphore_mem>>) src(%dma_wait3A_382 : memref<22528xf32, #tpu.memory_space<hbm>>) dst(%dma_wait3A_377 : memref<128xf32, #tpu.memory_space<vmem>>)
      %dma_start3A_383 = arith.constant 3 : i32
      %dma_start3A_384 = arith.constant 3 : i32
      %dma_start3A_385 = arith.constant 0 : i32
      %dma_start3A_386 = tpu.memref_slice %arg14[%dma_start3A_384, %dma_start3A_385] : memref<8x128xf32, #tpu.memory_space<vmem>> -> memref<1x128xf32, #tpu.memory_space<vmem>>
      %dma_start3A_387 = tpu.memref_squeeze %dma_start3A_386 : memref<1x128xf32, #tpu.memory_space<vmem>> -> memref<128xf32, #tpu.memory_space<vmem>>
      %dma_start3A_388 = arith.constant 0 : i32
      %dma_start3A_389 = tpu.memref_slice %arg11[%dma_start3A_383, %dma_start3A_388] : memref<8x128xi32, #tpu.memory_space<vmem>> -> memref<1x128xi32, #tpu.memory_space<vmem>>
      %dma_start3A_390 = tpu.memref_squeeze %dma_start3A_389 : memref<1x128xi32, #tpu.memory_space<vmem>> -> memref<128xi32, #tpu.memory_space<vmem>>
      %dma_start3A_391 = arith.constant 0 : i32
      %dma_start3A_392 = tpu.memref_slice %arg4[%dma_start3A_391] : memref<22528xf32, #tpu.memory_space<hbm>> -> memref<22528xf32, #tpu.memory_space<hbm>>
      tpu.enqueue_indirect_dma source(%dma_start3A_392 : memref<22528xf32, #tpu.memory_space<hbm>>) target(%dma_start3A_387 : memref<128xf32, #tpu.memory_space<vmem>>) offsets(%dma_start3A_390 : memref<128xi32, #tpu.memory_space<vmem>>) semaphore(%arg16 : memref<!tpu.dma_semaphore, #tpu.memory_space<semaphore_mem>>)
      %dma_wait3A_393 = arith.constant 3 : i32
      %dma_wait3A_394 = arith.constant 3 : i32
      %dma_wait3A_395 = arith.constant 0 : i32
      %dma_wait3A_396 = tpu.memref_slice %arg14[%dma_wait3A_394, %dma_wait3A_395] : memref<8x128xf32, #tpu.memory_space<vmem>> -> memref<1x128xf32, #tpu.memory_space<vmem>>
      %dma_wait3A_397 = tpu.memref_squeeze %dma_wait3A_396 : memref<1x128xf32, #tpu.memory_space<vmem>> -> memref<128xf32, #tpu.memory_space<vmem>>
      %dma_wait3A_398 = arith.constant 0 : i32
      %dma_wait3A_399 = tpu.memref_slice %arg11[%dma_wait3A_393, %dma_wait3A_398] : memref<8x128xi32, #tpu.memory_space<vmem>> -> memref<1x128xi32, #tpu.memory_space<vmem>>
      %dma_wait3A_400 = tpu.memref_squeeze %dma_wait3A_399 : memref<1x128xi32, #tpu.memory_space<vmem>> -> memref<128xi32, #tpu.memory_space<vmem>>
      %dma_wait3A_401 = arith.constant 0 : i32
      %dma_wait3A_402 = tpu.memref_slice %arg4[%dma_wait3A_401] : memref<22528xf32, #tpu.memory_space<hbm>> -> memref<22528xf32, #tpu.memory_space<hbm>>
      tpu.wait_indirect_dma semaphore(%arg16 : memref<!tpu.dma_semaphore, #tpu.memory_space<semaphore_mem>>) src(%dma_wait3A_402 : memref<22528xf32, #tpu.memory_space<hbm>>) dst(%dma_wait3A_397 : memref<128xf32, #tpu.memory_space<vmem>>)
      %dma_start3A_403 = arith.constant 4 : i32
      %dma_start3A_404 = arith.constant 4 : i32
      %dma_start3A_405 = arith.constant 0 : i32
      %dma_start3A_406 = tpu.memref_slice %arg14[%dma_start3A_404, %dma_start3A_405] : memref<8x128xf32, #tpu.memory_space<vmem>> -> memref<1x128xf32, #tpu.memory_space<vmem>>
      %dma_start3A_407 = tpu.memref_squeeze %dma_start3A_406 : memref<1x128xf32, #tpu.memory_space<vmem>> -> memref<128xf32, #tpu.memory_space<vmem>>
      %dma_start3A_408 = arith.constant 0 : i32
      %dma_start3A_409 = tpu.memref_slice %arg11[%dma_start3A_403, %dma_start3A_408] : memref<8x128xi32, #tpu.memory_space<vmem>> -> memref<1x128xi32, #tpu.memory_space<vmem>>
      %dma_start3A_410 = tpu.memref_squeeze %dma_start3A_409 : memref<1x128xi32, #tpu.memory_space<vmem>> -> memref<128xi32, #tpu.memory_space<vmem>>
      %dma_start3A_411 = arith.constant 0 : i32
      %dma_start3A_412 = tpu.memref_slice %arg4[%dma_start3A_411] : memref<22528xf32, #tpu.memory_space<hbm>> -> memref<22528xf32, #tpu.memory_space<hbm>>
      tpu.enqueue_indirect_dma source(%dma_start3A_412 : memref<22528xf32, #tpu.memory_space<hbm>>) target(%dma_start3A_407 : memref<128xf32, #tpu.memory_space<vmem>>) offsets(%dma_start3A_410 : memref<128xi32, #tpu.memory_space<vmem>>) semaphore(%arg16 : memref<!tpu.dma_semaphore, #tpu.memory_space<semaphore_mem>>)
      %dma_wait3A_413 = arith.constant 4 : i32
      %dma_wait3A_414 = arith.constant 4 : i32
      %dma_wait3A_415 = arith.constant 0 : i32
      %dma_wait3A_416 = tpu.memref_slice %arg14[%dma_wait3A_414, %dma_wait3A_415] : memref<8x128xf32, #tpu.memory_space<vmem>> -> memref<1x128xf32, #tpu.memory_space<vmem>>
      %dma_wait3A_417 = tpu.memref_squeeze %dma_wait3A_416 : memref<1x128xf32, #tpu.memory_space<vmem>> -> memref<128xf32, #tpu.memory_space<vmem>>
      %dma_wait3A_418 = arith.constant 0 : i32
      %dma_wait3A_419 = tpu.memref_slice %arg11[%dma_wait3A_413, %dma_wait3A_418] : memref<8x128xi32, #tpu.memory_space<vmem>> -> memref<1x128xi32, #tpu.memory_space<vmem>>
      %dma_wait3A_420 = tpu.memref_squeeze %dma_wait3A_419 : memref<1x128xi32, #tpu.memory_space<vmem>> -> memref<128xi32, #tpu.memory_space<vmem>>
      %dma_wait3A_421 = arith.constant 0 : i32
      %dma_wait3A_422 = tpu.memref_slice %arg4[%dma_wait3A_421] : memref<22528xf32, #tpu.memory_space<hbm>> -> memref<22528xf32, #tpu.memory_space<hbm>>
      tpu.wait_indirect_dma semaphore(%arg16 : memref<!tpu.dma_semaphore, #tpu.memory_space<semaphore_mem>>) src(%dma_wait3A_422 : memref<22528xf32, #tpu.memory_space<hbm>>) dst(%dma_wait3A_417 : memref<128xf32, #tpu.memory_space<vmem>>)
      %dma_start3A_423 = arith.constant 5 : i32
      %dma_start3A_424 = arith.constant 5 : i32
      %dma_start3A_425 = arith.constant 0 : i32
      %dma_start3A_426 = tpu.memref_slice %arg14[%dma_start3A_424, %dma_start3A_425] : memref<8x128xf32, #tpu.memory_space<vmem>> -> memref<1x128xf32, #tpu.memory_space<vmem>>
      %dma_start3A_427 = tpu.memref_squeeze %dma_start3A_426 : memref<1x128xf32, #tpu.memory_space<vmem>> -> memref<128xf32, #tpu.memory_space<vmem>>
      %dma_start3A_428 = arith.constant 0 : i32
      %dma_start3A_429 = tpu.memref_slice %arg11[%dma_start3A_423, %dma_start3A_428] : memref<8x128xi32, #tpu.memory_space<vmem>> -> memref<1x128xi32, #tpu.memory_space<vmem>>
      %dma_start3A_430 = tpu.memref_squeeze %dma_start3A_429 : memref<1x128xi32, #tpu.memory_space<vmem>> -> memref<128xi32, #tpu.memory_space<vmem>>
      %dma_start3A_431 = arith.constant 0 : i32
      %dma_start3A_432 = tpu.memref_slice %arg4[%dma_start3A_431] : memref<22528xf32, #tpu.memory_space<hbm>> -> memref<22528xf32, #tpu.memory_space<hbm>>
      tpu.enqueue_indirect_dma source(%dma_start3A_432 : memref<22528xf32, #tpu.memory_space<hbm>>) target(%dma_start3A_427 : memref<128xf32, #tpu.memory_space<vmem>>) offsets(%dma_start3A_430 : memref<128xi32, #tpu.memory_space<vmem>>) semaphore(%arg16 : memref<!tpu.dma_semaphore, #tpu.memory_space<semaphore_mem>>)
      %dma_wait3A_433 = arith.constant 5 : i32
      %dma_wait3A_434 = arith.constant 5 : i32
      %dma_wait3A_435 = arith.constant 0 : i32
      %dma_wait3A_436 = tpu.memref_slice %arg14[%dma_wait3A_434, %dma_wait3A_435] : memref<8x128xf32, #tpu.memory_space<vmem>> -> memref<1x128xf32, #tpu.memory_space<vmem>>
      %dma_wait3A_437 = tpu.memref_squeeze %dma_wait3A_436 : memref<1x128xf32, #tpu.memory_space<vmem>> -> memref<128xf32, #tpu.memory_space<vmem>>
      %dma_wait3A_438 = arith.constant 0 : i32
      %dma_wait3A_439 = tpu.memref_slice %arg11[%dma_wait3A_433, %dma_wait3A_438] : memref<8x128xi32, #tpu.memory_space<vmem>> -> memref<1x128xi32, #tpu.memory_space<vmem>>
      %dma_wait3A_440 = tpu.memref_squeeze %dma_wait3A_439 : memref<1x128xi32, #tpu.memory_space<vmem>> -> memref<128xi32, #tpu.memory_space<vmem>>
      %dma_wait3A_441 = arith.constant 0 : i32
      %dma_wait3A_442 = tpu.memref_slice %arg4[%dma_wait3A_441] : memref<22528xf32, #tpu.memory_space<hbm>> -> memref<22528xf32, #tpu.memory_space<hbm>>
      tpu.wait_indirect_dma semaphore(%arg16 : memref<!tpu.dma_semaphore, #tpu.memory_space<semaphore_mem>>) src(%dma_wait3A_442 : memref<22528xf32, #tpu.memory_space<hbm>>) dst(%dma_wait3A_437 : memref<128xf32, #tpu.memory_space<vmem>>)
      %dma_start3A_443 = arith.constant 6 : i32
      %dma_start3A_444 = arith.constant 6 : i32
      %dma_start3A_445 = arith.constant 0 : i32
      %dma_start3A_446 = tpu.memref_slice %arg14[%dma_start3A_444, %dma_start3A_445] : memref<8x128xf32, #tpu.memory_space<vmem>> -> memref<1x128xf32, #tpu.memory_space<vmem>>
      %dma_start3A_447 = tpu.memref_squeeze %dma_start3A_446 : memref<1x128xf32, #tpu.memory_space<vmem>> -> memref<128xf32, #tpu.memory_space<vmem>>
      %dma_start3A_448 = arith.constant 0 : i32
      %dma_start3A_449 = tpu.memref_slice %arg11[%dma_start3A_443, %dma_start3A_448] : memref<8x128xi32, #tpu.memory_space<vmem>> -> memref<1x128xi32, #tpu.memory_space<vmem>>
      %dma_start3A_450 = tpu.memref_squeeze %dma_start3A_449 : memref<1x128xi32, #tpu.memory_space<vmem>> -> memref<128xi32, #tpu.memory_space<vmem>>
      %dma_start3A_451 = arith.constant 0 : i32
      %dma_start3A_452 = tpu.memref_slice %arg4[%dma_start3A_451] : memref<22528xf32, #tpu.memory_space<hbm>> -> memref<22528xf32, #tpu.memory_space<hbm>>
      tpu.enqueue_indirect_dma source(%dma_start3A_452 : memref<22528xf32, #tpu.memory_space<hbm>>) target(%dma_start3A_447 : memref<128xf32, #tpu.memory_space<vmem>>) offsets(%dma_start3A_450 : memref<128xi32, #tpu.memory_space<vmem>>) semaphore(%arg16 : memref<!tpu.dma_semaphore, #tpu.memory_space<semaphore_mem>>)
      %dma_wait3A_453 = arith.constant 6 : i32
      %dma_wait3A_454 = arith.constant 6 : i32
      %dma_wait3A_455 = arith.constant 0 : i32
      %dma_wait3A_456 = tpu.memref_slice %arg14[%dma_wait3A_454, %dma_wait3A_455] : memref<8x128xf32, #tpu.memory_space<vmem>> -> memref<1x128xf32, #tpu.memory_space<vmem>>
      %dma_wait3A_457 = tpu.memref_squeeze %dma_wait3A_456 : memref<1x128xf32, #tpu.memory_space<vmem>> -> memref<128xf32, #tpu.memory_space<vmem>>
      %dma_wait3A_458 = arith.constant 0 : i32
      %dma_wait3A_459 = tpu.memref_slice %arg11[%dma_wait3A_453, %dma_wait3A_458] : memref<8x128xi32, #tpu.memory_space<vmem>> -> memref<1x128xi32, #tpu.memory_space<vmem>>
      %dma_wait3A_460 = tpu.memref_squeeze %dma_wait3A_459 : memref<1x128xi32, #tpu.memory_space<vmem>> -> memref<128xi32, #tpu.memory_space<vmem>>
      %dma_wait3A_461 = arith.constant 0 : i32
      %dma_wait3A_462 = tpu.memref_slice %arg4[%dma_wait3A_461] : memref<22528xf32, #tpu.memory_space<hbm>> -> memref<22528xf32, #tpu.memory_space<hbm>>
      tpu.wait_indirect_dma semaphore(%arg16 : memref<!tpu.dma_semaphore, #tpu.memory_space<semaphore_mem>>) src(%dma_wait3A_462 : memref<22528xf32, #tpu.memory_space<hbm>>) dst(%dma_wait3A_457 : memref<128xf32, #tpu.memory_space<vmem>>)
      %dma_start3A_463 = arith.constant 7 : i32
      %dma_start3A_464 = arith.constant 7 : i32
      %dma_start3A_465 = arith.constant 0 : i32
      %dma_start3A_466 = tpu.memref_slice %arg14[%dma_start3A_464, %dma_start3A_465] : memref<8x128xf32, #tpu.memory_space<vmem>> -> memref<1x128xf32, #tpu.memory_space<vmem>>
      %dma_start3A_467 = tpu.memref_squeeze %dma_start3A_466 : memref<1x128xf32, #tpu.memory_space<vmem>> -> memref<128xf32, #tpu.memory_space<vmem>>
      %dma_start3A_468 = arith.constant 0 : i32
      %dma_start3A_469 = tpu.memref_slice %arg11[%dma_start3A_463, %dma_start3A_468] : memref<8x128xi32, #tpu.memory_space<vmem>> -> memref<1x128xi32, #tpu.memory_space<vmem>>
      %dma_start3A_470 = tpu.memref_squeeze %dma_start3A_469 : memref<1x128xi32, #tpu.memory_space<vmem>> -> memref<128xi32, #tpu.memory_space<vmem>>
      %dma_start3A_471 = arith.constant 0 : i32
      %dma_start3A_472 = tpu.memref_slice %arg4[%dma_start3A_471] : memref<22528xf32, #tpu.memory_space<hbm>> -> memref<22528xf32, #tpu.memory_space<hbm>>
      tpu.enqueue_indirect_dma source(%dma_start3A_472 : memref<22528xf32, #tpu.memory_space<hbm>>) target(%dma_start3A_467 : memref<128xf32, #tpu.memory_space<vmem>>) offsets(%dma_start3A_470 : memref<128xi32, #tpu.memory_space<vmem>>) semaphore(%arg16 : memref<!tpu.dma_semaphore, #tpu.memory_space<semaphore_mem>>)
      %dma_wait3A_473 = arith.constant 7 : i32
      %dma_wait3A_474 = arith.constant 7 : i32
      %dma_wait3A_475 = arith.constant 0 : i32
      %dma_wait3A_476 = tpu.memref_slice %arg14[%dma_wait3A_474, %dma_wait3A_475] : memref<8x128xf32, #tpu.memory_space<vmem>> -> memref<1x128xf32, #tpu.memory_space<vmem>>
      %dma_wait3A_477 = tpu.memref_squeeze %dma_wait3A_476 : memref<1x128xf32, #tpu.memory_space<vmem>> -> memref<128xf32, #tpu.memory_space<vmem>>
      %dma_wait3A_478 = arith.constant 0 : i32
      %dma_wait3A_479 = tpu.memref_slice %arg11[%dma_wait3A_473, %dma_wait3A_478] : memref<8x128xi32, #tpu.memory_space<vmem>> -> memref<1x128xi32, #tpu.memory_space<vmem>>
      %dma_wait3A_480 = tpu.memref_squeeze %dma_wait3A_479 : memref<1x128xi32, #tpu.memory_space<vmem>> -> memref<128xi32, #tpu.memory_space<vmem>>
      %dma_wait3A_481 = arith.constant 0 : i32
      %dma_wait3A_482 = tpu.memref_slice %arg4[%dma_wait3A_481] : memref<22528xf32, #tpu.memory_space<hbm>> -> memref<22528xf32, #tpu.memory_space<hbm>>
      tpu.wait_indirect_dma semaphore(%arg16 : memref<!tpu.dma_semaphore, #tpu.memory_space<semaphore_mem>>) src(%dma_wait3A_482 : memref<22528xf32, #tpu.memory_space<hbm>>) dst(%dma_wait3A_477 : memref<128xf32, #tpu.memory_space<vmem>>)
      "tpu.region"() ({
        %run_scoped3A = tpu.sem_alloc : memref<!tpu.dma_semaphore, #tpu.memory_space<semaphore_mem>>
        %dma_start3A_643 = arith.constant 0 : i32
        %dma_start3A_644 = tpu.memref_slice %arg9[%mul3A_4, %dma_start3A_643] : memref<96x128xf32, #tpu.memory_space<hbm>> -> memref<8x128xf32, #tpu.memory_space<hbm>>
        %dma_start3A_645 = arith.constant 0 : i32
        %dma_start3A_646 = tpu.memref_slice %arg9[%mul3A_4, %dma_start3A_645] : memref<96x128xf32, #tpu.memory_space<hbm>> -> memref<8x128xf32, #tpu.memory_space<hbm>>
        tpu.enqueue_dma source(%arg14 : memref<8x128xf32, #tpu.memory_space<vmem>>) target(%dma_start3A_646 : memref<8x128xf32, #tpu.memory_space<hbm>>) target_semaphore(%run_scoped3A : memref<!tpu.dma_semaphore, #tpu.memory_space<semaphore_mem>>)
        %dma_wait3A_647 = arith.constant 0 : i32
        %dma_wait3A_648 = tpu.memref_slice %arg9[%mul3A_4, %dma_wait3A_647] : memref<96x128xf32, #tpu.memory_space<hbm>> -> memref<8x128xf32, #tpu.memory_space<hbm>>
        %dma_wait3A_649 = arith.constant 0 : i32
        %dma_wait3A_650 = tpu.memref_slice %arg9[%mul3A_4, %dma_wait3A_649] : memref<96x128xf32, #tpu.memory_space<hbm>> -> memref<8x128xf32, #tpu.memory_space<hbm>>
        tpu.wait_dma2 semaphore(%run_scoped3A : memref<!tpu.dma_semaphore, #tpu.memory_space<semaphore_mem>>) src(%arg14 : memref<8x128xf32, #tpu.memory_space<vmem>>) dst(%dma_wait3A_650 : memref<8x128xf32, #tpu.memory_space<hbm>>)
        tpu.yield
      }) : () -> ()
      %dma_start3A_483 = arith.constant 0 : i32
      %dma_start3A_484 = arith.constant 0 : i32
      %dma_start3A_485 = arith.constant 0 : i32
      %dma_start3A_486 = tpu.memref_slice %arg15[%dma_start3A_484, %dma_start3A_485] : memref<8x128xf32, #tpu.memory_space<vmem>> -> memref<1x128xf32, #tpu.memory_space<vmem>>
      %dma_start3A_487 = tpu.memref_squeeze %dma_start3A_486 : memref<1x128xf32, #tpu.memory_space<vmem>> -> memref<128xf32, #tpu.memory_space<vmem>>
      %dma_start3A_488 = arith.constant 0 : i32
      %dma_start3A_489 = tpu.memref_slice %arg11[%dma_start3A_483, %dma_start3A_488] : memref<8x128xi32, #tpu.memory_space<vmem>> -> memref<1x128xi32, #tpu.memory_space<vmem>>
      %dma_start3A_490 = tpu.memref_squeeze %dma_start3A_489 : memref<1x128xi32, #tpu.memory_space<vmem>> -> memref<128xi32, #tpu.memory_space<vmem>>
      %dma_start3A_491 = arith.constant 0 : i32
      %dma_start3A_492 = tpu.memref_slice %arg5[%dma_start3A_491] : memref<22528xf32, #tpu.memory_space<hbm>> -> memref<22528xf32, #tpu.memory_space<hbm>>
      tpu.enqueue_indirect_dma source(%dma_start3A_492 : memref<22528xf32, #tpu.memory_space<hbm>>) target(%dma_start3A_487 : memref<128xf32, #tpu.memory_space<vmem>>) offsets(%dma_start3A_490 : memref<128xi32, #tpu.memory_space<vmem>>) semaphore(%arg16 : memref<!tpu.dma_semaphore, #tpu.memory_space<semaphore_mem>>)
      %dma_wait3A_493 = arith.constant 0 : i32
      %dma_wait3A_494 = arith.constant 0 : i32
      %dma_wait3A_495 = arith.constant 0 : i32
      %dma_wait3A_496 = tpu.memref_slice %arg15[%dma_wait3A_494, %dma_wait3A_495] : memref<8x128xf32, #tpu.memory_space<vmem>> -> memref<1x128xf32, #tpu.memory_space<vmem>>
      %dma_wait3A_497 = tpu.memref_squeeze %dma_wait3A_496 : memref<1x128xf32, #tpu.memory_space<vmem>> -> memref<128xf32, #tpu.memory_space<vmem>>
      %dma_wait3A_498 = arith.constant 0 : i32
      %dma_wait3A_499 = tpu.memref_slice %arg11[%dma_wait3A_493, %dma_wait3A_498] : memref<8x128xi32, #tpu.memory_space<vmem>> -> memref<1x128xi32, #tpu.memory_space<vmem>>
      %dma_wait3A_500 = tpu.memref_squeeze %dma_wait3A_499 : memref<1x128xi32, #tpu.memory_space<vmem>> -> memref<128xi32, #tpu.memory_space<vmem>>
      %dma_wait3A_501 = arith.constant 0 : i32
      %dma_wait3A_502 = tpu.memref_slice %arg5[%dma_wait3A_501] : memref<22528xf32, #tpu.memory_space<hbm>> -> memref<22528xf32, #tpu.memory_space<hbm>>
      tpu.wait_indirect_dma semaphore(%arg16 : memref<!tpu.dma_semaphore, #tpu.memory_space<semaphore_mem>>) src(%dma_wait3A_502 : memref<22528xf32, #tpu.memory_space<hbm>>) dst(%dma_wait3A_497 : memref<128xf32, #tpu.memory_space<vmem>>)
      %dma_start3A_503 = arith.constant 1 : i32
      %dma_start3A_504 = arith.constant 1 : i32
      %dma_start3A_505 = arith.constant 0 : i32
      %dma_start3A_506 = tpu.memref_slice %arg15[%dma_start3A_504, %dma_start3A_505] : memref<8x128xf32, #tpu.memory_space<vmem>> -> memref<1x128xf32, #tpu.memory_space<vmem>>
      %dma_start3A_507 = tpu.memref_squeeze %dma_start3A_506 : memref<1x128xf32, #tpu.memory_space<vmem>> -> memref<128xf32, #tpu.memory_space<vmem>>
      %dma_start3A_508 = arith.constant 0 : i32
      %dma_start3A_509 = tpu.memref_slice %arg11[%dma_start3A_503, %dma_start3A_508] : memref<8x128xi32, #tpu.memory_space<vmem>> -> memref<1x128xi32, #tpu.memory_space<vmem>>
      %dma_start3A_510 = tpu.memref_squeeze %dma_start3A_509 : memref<1x128xi32, #tpu.memory_space<vmem>> -> memref<128xi32, #tpu.memory_space<vmem>>
      %dma_start3A_511 = arith.constant 0 : i32
      %dma_start3A_512 = tpu.memref_slice %arg5[%dma_start3A_511] : memref<22528xf32, #tpu.memory_space<hbm>> -> memref<22528xf32, #tpu.memory_space<hbm>>
      tpu.enqueue_indirect_dma source(%dma_start3A_512 : memref<22528xf32, #tpu.memory_space<hbm>>) target(%dma_start3A_507 : memref<128xf32, #tpu.memory_space<vmem>>) offsets(%dma_start3A_510 : memref<128xi32, #tpu.memory_space<vmem>>) semaphore(%arg16 : memref<!tpu.dma_semaphore, #tpu.memory_space<semaphore_mem>>)
      %dma_wait3A_513 = arith.constant 1 : i32
      %dma_wait3A_514 = arith.constant 1 : i32
      %dma_wait3A_515 = arith.constant 0 : i32
      %dma_wait3A_516 = tpu.memref_slice %arg15[%dma_wait3A_514, %dma_wait3A_515] : memref<8x128xf32, #tpu.memory_space<vmem>> -> memref<1x128xf32, #tpu.memory_space<vmem>>
      %dma_wait3A_517 = tpu.memref_squeeze %dma_wait3A_516 : memref<1x128xf32, #tpu.memory_space<vmem>> -> memref<128xf32, #tpu.memory_space<vmem>>
      %dma_wait3A_518 = arith.constant 0 : i32
      %dma_wait3A_519 = tpu.memref_slice %arg11[%dma_wait3A_513, %dma_wait3A_518] : memref<8x128xi32, #tpu.memory_space<vmem>> -> memref<1x128xi32, #tpu.memory_space<vmem>>
      %dma_wait3A_520 = tpu.memref_squeeze %dma_wait3A_519 : memref<1x128xi32, #tpu.memory_space<vmem>> -> memref<128xi32, #tpu.memory_space<vmem>>
      %dma_wait3A_521 = arith.constant 0 : i32
      %dma_wait3A_522 = tpu.memref_slice %arg5[%dma_wait3A_521] : memref<22528xf32, #tpu.memory_space<hbm>> -> memref<22528xf32, #tpu.memory_space<hbm>>
      tpu.wait_indirect_dma semaphore(%arg16 : memref<!tpu.dma_semaphore, #tpu.memory_space<semaphore_mem>>) src(%dma_wait3A_522 : memref<22528xf32, #tpu.memory_space<hbm>>) dst(%dma_wait3A_517 : memref<128xf32, #tpu.memory_space<vmem>>)
      %dma_start3A_523 = arith.constant 2 : i32
      %dma_start3A_524 = arith.constant 2 : i32
      %dma_start3A_525 = arith.constant 0 : i32
      %dma_start3A_526 = tpu.memref_slice %arg15[%dma_start3A_524, %dma_start3A_525] : memref<8x128xf32, #tpu.memory_space<vmem>> -> memref<1x128xf32, #tpu.memory_space<vmem>>
      %dma_start3A_527 = tpu.memref_squeeze %dma_start3A_526 : memref<1x128xf32, #tpu.memory_space<vmem>> -> memref<128xf32, #tpu.memory_space<vmem>>
      %dma_start3A_528 = arith.constant 0 : i32
      %dma_start3A_529 = tpu.memref_slice %arg11[%dma_start3A_523, %dma_start3A_528] : memref<8x128xi32, #tpu.memory_space<vmem>> -> memref<1x128xi32, #tpu.memory_space<vmem>>
      %dma_start3A_530 = tpu.memref_squeeze %dma_start3A_529 : memref<1x128xi32, #tpu.memory_space<vmem>> -> memref<128xi32, #tpu.memory_space<vmem>>
      %dma_start3A_531 = arith.constant 0 : i32
      %dma_start3A_532 = tpu.memref_slice %arg5[%dma_start3A_531] : memref<22528xf32, #tpu.memory_space<hbm>> -> memref<22528xf32, #tpu.memory_space<hbm>>
      tpu.enqueue_indirect_dma source(%dma_start3A_532 : memref<22528xf32, #tpu.memory_space<hbm>>) target(%dma_start3A_527 : memref<128xf32, #tpu.memory_space<vmem>>) offsets(%dma_start3A_530 : memref<128xi32, #tpu.memory_space<vmem>>) semaphore(%arg16 : memref<!tpu.dma_semaphore, #tpu.memory_space<semaphore_mem>>)
      %dma_wait3A_533 = arith.constant 2 : i32
      %dma_wait3A_534 = arith.constant 2 : i32
      %dma_wait3A_535 = arith.constant 0 : i32
      %dma_wait3A_536 = tpu.memref_slice %arg15[%dma_wait3A_534, %dma_wait3A_535] : memref<8x128xf32, #tpu.memory_space<vmem>> -> memref<1x128xf32, #tpu.memory_space<vmem>>
      %dma_wait3A_537 = tpu.memref_squeeze %dma_wait3A_536 : memref<1x128xf32, #tpu.memory_space<vmem>> -> memref<128xf32, #tpu.memory_space<vmem>>
      %dma_wait3A_538 = arith.constant 0 : i32
      %dma_wait3A_539 = tpu.memref_slice %arg11[%dma_wait3A_533, %dma_wait3A_538] : memref<8x128xi32, #tpu.memory_space<vmem>> -> memref<1x128xi32, #tpu.memory_space<vmem>>
      %dma_wait3A_540 = tpu.memref_squeeze %dma_wait3A_539 : memref<1x128xi32, #tpu.memory_space<vmem>> -> memref<128xi32, #tpu.memory_space<vmem>>
      %dma_wait3A_541 = arith.constant 0 : i32
      %dma_wait3A_542 = tpu.memref_slice %arg5[%dma_wait3A_541] : memref<22528xf32, #tpu.memory_space<hbm>> -> memref<22528xf32, #tpu.memory_space<hbm>>
      tpu.wait_indirect_dma semaphore(%arg16 : memref<!tpu.dma_semaphore, #tpu.memory_space<semaphore_mem>>) src(%dma_wait3A_542 : memref<22528xf32, #tpu.memory_space<hbm>>) dst(%dma_wait3A_537 : memref<128xf32, #tpu.memory_space<vmem>>)
      %dma_start3A_543 = arith.constant 3 : i32
      %dma_start3A_544 = arith.constant 3 : i32
      %dma_start3A_545 = arith.constant 0 : i32
      %dma_start3A_546 = tpu.memref_slice %arg15[%dma_start3A_544, %dma_start3A_545] : memref<8x128xf32, #tpu.memory_space<vmem>> -> memref<1x128xf32, #tpu.memory_space<vmem>>
      %dma_start3A_547 = tpu.memref_squeeze %dma_start3A_546 : memref<1x128xf32, #tpu.memory_space<vmem>> -> memref<128xf32, #tpu.memory_space<vmem>>
      %dma_start3A_548 = arith.constant 0 : i32
      %dma_start3A_549 = tpu.memref_slice %arg11[%dma_start3A_543, %dma_start3A_548] : memref<8x128xi32, #tpu.memory_space<vmem>> -> memref<1x128xi32, #tpu.memory_space<vmem>>
      %dma_start3A_550 = tpu.memref_squeeze %dma_start3A_549 : memref<1x128xi32, #tpu.memory_space<vmem>> -> memref<128xi32, #tpu.memory_space<vmem>>
      %dma_start3A_551 = arith.constant 0 : i32
      %dma_start3A_552 = tpu.memref_slice %arg5[%dma_start3A_551] : memref<22528xf32, #tpu.memory_space<hbm>> -> memref<22528xf32, #tpu.memory_space<hbm>>
      tpu.enqueue_indirect_dma source(%dma_start3A_552 : memref<22528xf32, #tpu.memory_space<hbm>>) target(%dma_start3A_547 : memref<128xf32, #tpu.memory_space<vmem>>) offsets(%dma_start3A_550 : memref<128xi32, #tpu.memory_space<vmem>>) semaphore(%arg16 : memref<!tpu.dma_semaphore, #tpu.memory_space<semaphore_mem>>)
      %dma_wait3A_553 = arith.constant 3 : i32
      %dma_wait3A_554 = arith.constant 3 : i32
      %dma_wait3A_555 = arith.constant 0 : i32
      %dma_wait3A_556 = tpu.memref_slice %arg15[%dma_wait3A_554, %dma_wait3A_555] : memref<8x128xf32, #tpu.memory_space<vmem>> -> memref<1x128xf32, #tpu.memory_space<vmem>>
      %dma_wait3A_557 = tpu.memref_squeeze %dma_wait3A_556 : memref<1x128xf32, #tpu.memory_space<vmem>> -> memref<128xf32, #tpu.memory_space<vmem>>
      %dma_wait3A_558 = arith.constant 0 : i32
      %dma_wait3A_559 = tpu.memref_slice %arg11[%dma_wait3A_553, %dma_wait3A_558] : memref<8x128xi32, #tpu.memory_space<vmem>> -> memref<1x128xi32, #tpu.memory_space<vmem>>
      %dma_wait3A_560 = tpu.memref_squeeze %dma_wait3A_559 : memref<1x128xi32, #tpu.memory_space<vmem>> -> memref<128xi32, #tpu.memory_space<vmem>>
      %dma_wait3A_561 = arith.constant 0 : i32
      %dma_wait3A_562 = tpu.memref_slice %arg5[%dma_wait3A_561] : memref<22528xf32, #tpu.memory_space<hbm>> -> memref<22528xf32, #tpu.memory_space<hbm>>
      tpu.wait_indirect_dma semaphore(%arg16 : memref<!tpu.dma_semaphore, #tpu.memory_space<semaphore_mem>>) src(%dma_wait3A_562 : memref<22528xf32, #tpu.memory_space<hbm>>) dst(%dma_wait3A_557 : memref<128xf32, #tpu.memory_space<vmem>>)
      %dma_start3A_563 = arith.constant 4 : i32
      %dma_start3A_564 = arith.constant 4 : i32
      %dma_start3A_565 = arith.constant 0 : i32
      %dma_start3A_566 = tpu.memref_slice %arg15[%dma_start3A_564, %dma_start3A_565] : memref<8x128xf32, #tpu.memory_space<vmem>> -> memref<1x128xf32, #tpu.memory_space<vmem>>
      %dma_start3A_567 = tpu.memref_squeeze %dma_start3A_566 : memref<1x128xf32, #tpu.memory_space<vmem>> -> memref<128xf32, #tpu.memory_space<vmem>>
      %dma_start3A_568 = arith.constant 0 : i32
      %dma_start3A_569 = tpu.memref_slice %arg11[%dma_start3A_563, %dma_start3A_568] : memref<8x128xi32, #tpu.memory_space<vmem>> -> memref<1x128xi32, #tpu.memory_space<vmem>>
      %dma_start3A_570 = tpu.memref_squeeze %dma_start3A_569 : memref<1x128xi32, #tpu.memory_space<vmem>> -> memref<128xi32, #tpu.memory_space<vmem>>
      %dma_start3A_571 = arith.constant 0 : i32
      %dma_start3A_572 = tpu.memref_slice %arg5[%dma_start3A_571] : memref<22528xf32, #tpu.memory_space<hbm>> -> memref<22528xf32, #tpu.memory_space<hbm>>
      tpu.enqueue_indirect_dma source(%dma_start3A_572 : memref<22528xf32, #tpu.memory_space<hbm>>) target(%dma_start3A_567 : memref<128xf32, #tpu.memory_space<vmem>>) offsets(%dma_start3A_570 : memref<128xi32, #tpu.memory_space<vmem>>) semaphore(%arg16 : memref<!tpu.dma_semaphore, #tpu.memory_space<semaphore_mem>>)
      %dma_wait3A_573 = arith.constant 4 : i32
      %dma_wait3A_574 = arith.constant 4 : i32
      %dma_wait3A_575 = arith.constant 0 : i32
      %dma_wait3A_576 = tpu.memref_slice %arg15[%dma_wait3A_574, %dma_wait3A_575] : memref<8x128xf32, #tpu.memory_space<vmem>> -> memref<1x128xf32, #tpu.memory_space<vmem>>
      %dma_wait3A_577 = tpu.memref_squeeze %dma_wait3A_576 : memref<1x128xf32, #tpu.memory_space<vmem>> -> memref<128xf32, #tpu.memory_space<vmem>>
      %dma_wait3A_578 = arith.constant 0 : i32
      %dma_wait3A_579 = tpu.memref_slice %arg11[%dma_wait3A_573, %dma_wait3A_578] : memref<8x128xi32, #tpu.memory_space<vmem>> -> memref<1x128xi32, #tpu.memory_space<vmem>>
      %dma_wait3A_580 = tpu.memref_squeeze %dma_wait3A_579 : memref<1x128xi32, #tpu.memory_space<vmem>> -> memref<128xi32, #tpu.memory_space<vmem>>
      %dma_wait3A_581 = arith.constant 0 : i32
      %dma_wait3A_582 = tpu.memref_slice %arg5[%dma_wait3A_581] : memref<22528xf32, #tpu.memory_space<hbm>> -> memref<22528xf32, #tpu.memory_space<hbm>>
      tpu.wait_indirect_dma semaphore(%arg16 : memref<!tpu.dma_semaphore, #tpu.memory_space<semaphore_mem>>) src(%dma_wait3A_582 : memref<22528xf32, #tpu.memory_space<hbm>>) dst(%dma_wait3A_577 : memref<128xf32, #tpu.memory_space<vmem>>)
      %dma_start3A_583 = arith.constant 5 : i32
      %dma_start3A_584 = arith.constant 5 : i32
      %dma_start3A_585 = arith.constant 0 : i32
      %dma_start3A_586 = tpu.memref_slice %arg15[%dma_start3A_584, %dma_start3A_585] : memref<8x128xf32, #tpu.memory_space<vmem>> -> memref<1x128xf32, #tpu.memory_space<vmem>>
      %dma_start3A_587 = tpu.memref_squeeze %dma_start3A_586 : memref<1x128xf32, #tpu.memory_space<vmem>> -> memref<128xf32, #tpu.memory_space<vmem>>
      %dma_start3A_588 = arith.constant 0 : i32
      %dma_start3A_589 = tpu.memref_slice %arg11[%dma_start3A_583, %dma_start3A_588] : memref<8x128xi32, #tpu.memory_space<vmem>> -> memref<1x128xi32, #tpu.memory_space<vmem>>
      %dma_start3A_590 = tpu.memref_squeeze %dma_start3A_589 : memref<1x128xi32, #tpu.memory_space<vmem>> -> memref<128xi32, #tpu.memory_space<vmem>>
      %dma_start3A_591 = arith.constant 0 : i32
      %dma_start3A_592 = tpu.memref_slice %arg5[%dma_start3A_591] : memref<22528xf32, #tpu.memory_space<hbm>> -> memref<22528xf32, #tpu.memory_space<hbm>>
      tpu.enqueue_indirect_dma source(%dma_start3A_592 : memref<22528xf32, #tpu.memory_space<hbm>>) target(%dma_start3A_587 : memref<128xf32, #tpu.memory_space<vmem>>) offsets(%dma_start3A_590 : memref<128xi32, #tpu.memory_space<vmem>>) semaphore(%arg16 : memref<!tpu.dma_semaphore, #tpu.memory_space<semaphore_mem>>)
      %dma_wait3A_593 = arith.constant 5 : i32
      %dma_wait3A_594 = arith.constant 5 : i32
      %dma_wait3A_595 = arith.constant 0 : i32
      %dma_wait3A_596 = tpu.memref_slice %arg15[%dma_wait3A_594, %dma_wait3A_595] : memref<8x128xf32, #tpu.memory_space<vmem>> -> memref<1x128xf32, #tpu.memory_space<vmem>>
      %dma_wait3A_597 = tpu.memref_squeeze %dma_wait3A_596 : memref<1x128xf32, #tpu.memory_space<vmem>> -> memref<128xf32, #tpu.memory_space<vmem>>
      %dma_wait3A_598 = arith.constant 0 : i32
      %dma_wait3A_599 = tpu.memref_slice %arg11[%dma_wait3A_593, %dma_wait3A_598] : memref<8x128xi32, #tpu.memory_space<vmem>> -> memref<1x128xi32, #tpu.memory_space<vmem>>
      %dma_wait3A_600 = tpu.memref_squeeze %dma_wait3A_599 : memref<1x128xi32, #tpu.memory_space<vmem>> -> memref<128xi32, #tpu.memory_space<vmem>>
      %dma_wait3A_601 = arith.constant 0 : i32
      %dma_wait3A_602 = tpu.memref_slice %arg5[%dma_wait3A_601] : memref<22528xf32, #tpu.memory_space<hbm>> -> memref<22528xf32, #tpu.memory_space<hbm>>
      tpu.wait_indirect_dma semaphore(%arg16 : memref<!tpu.dma_semaphore, #tpu.memory_space<semaphore_mem>>) src(%dma_wait3A_602 : memref<22528xf32, #tpu.memory_space<hbm>>) dst(%dma_wait3A_597 : memref<128xf32, #tpu.memory_space<vmem>>)
      %dma_start3A_603 = arith.constant 6 : i32
      %dma_start3A_604 = arith.constant 6 : i32
      %dma_start3A_605 = arith.constant 0 : i32
      %dma_start3A_606 = tpu.memref_slice %arg15[%dma_start3A_604, %dma_start3A_605] : memref<8x128xf32, #tpu.memory_space<vmem>> -> memref<1x128xf32, #tpu.memory_space<vmem>>
      %dma_start3A_607 = tpu.memref_squeeze %dma_start3A_606 : memref<1x128xf32, #tpu.memory_space<vmem>> -> memref<128xf32, #tpu.memory_space<vmem>>
      %dma_start3A_608 = arith.constant 0 : i32
      %dma_start3A_609 = tpu.memref_slice %arg11[%dma_start3A_603, %dma_start3A_608] : memref<8x128xi32, #tpu.memory_space<vmem>> -> memref<1x128xi32, #tpu.memory_space<vmem>>
      %dma_start3A_610 = tpu.memref_squeeze %dma_start3A_609 : memref<1x128xi32, #tpu.memory_space<vmem>> -> memref<128xi32, #tpu.memory_space<vmem>>
      %dma_start3A_611 = arith.constant 0 : i32
      %dma_start3A_612 = tpu.memref_slice %arg5[%dma_start3A_611] : memref<22528xf32, #tpu.memory_space<hbm>> -> memref<22528xf32, #tpu.memory_space<hbm>>
      tpu.enqueue_indirect_dma source(%dma_start3A_612 : memref<22528xf32, #tpu.memory_space<hbm>>) target(%dma_start3A_607 : memref<128xf32, #tpu.memory_space<vmem>>) offsets(%dma_start3A_610 : memref<128xi32, #tpu.memory_space<vmem>>) semaphore(%arg16 : memref<!tpu.dma_semaphore, #tpu.memory_space<semaphore_mem>>)
      %dma_wait3A_613 = arith.constant 6 : i32
      %dma_wait3A_614 = arith.constant 6 : i32
      %dma_wait3A_615 = arith.constant 0 : i32
      %dma_wait3A_616 = tpu.memref_slice %arg15[%dma_wait3A_614, %dma_wait3A_615] : memref<8x128xf32, #tpu.memory_space<vmem>> -> memref<1x128xf32, #tpu.memory_space<vmem>>
      %dma_wait3A_617 = tpu.memref_squeeze %dma_wait3A_616 : memref<1x128xf32, #tpu.memory_space<vmem>> -> memref<128xf32, #tpu.memory_space<vmem>>
      %dma_wait3A_618 = arith.constant 0 : i32
      %dma_wait3A_619 = tpu.memref_slice %arg11[%dma_wait3A_613, %dma_wait3A_618] : memref<8x128xi32, #tpu.memory_space<vmem>> -> memref<1x128xi32, #tpu.memory_space<vmem>>
      %dma_wait3A_620 = tpu.memref_squeeze %dma_wait3A_619 : memref<1x128xi32, #tpu.memory_space<vmem>> -> memref<128xi32, #tpu.memory_space<vmem>>
      %dma_wait3A_621 = arith.constant 0 : i32
      %dma_wait3A_622 = tpu.memref_slice %arg5[%dma_wait3A_621] : memref<22528xf32, #tpu.memory_space<hbm>> -> memref<22528xf32, #tpu.memory_space<hbm>>
      tpu.wait_indirect_dma semaphore(%arg16 : memref<!tpu.dma_semaphore, #tpu.memory_space<semaphore_mem>>) src(%dma_wait3A_622 : memref<22528xf32, #tpu.memory_space<hbm>>) dst(%dma_wait3A_617 : memref<128xf32, #tpu.memory_space<vmem>>)
      %dma_start3A_623 = arith.constant 7 : i32
      %dma_start3A_624 = arith.constant 7 : i32
      %dma_start3A_625 = arith.constant 0 : i32
      %dma_start3A_626 = tpu.memref_slice %arg15[%dma_start3A_624, %dma_start3A_625] : memref<8x128xf32, #tpu.memory_space<vmem>> -> memref<1x128xf32, #tpu.memory_space<vmem>>
      %dma_start3A_627 = tpu.memref_squeeze %dma_start3A_626 : memref<1x128xf32, #tpu.memory_space<vmem>> -> memref<128xf32, #tpu.memory_space<vmem>>
      %dma_start3A_628 = arith.constant 0 : i32
      %dma_start3A_629 = tpu.memref_slice %arg11[%dma_start3A_623, %dma_start3A_628] : memref<8x128xi32, #tpu.memory_space<vmem>> -> memref<1x128xi32, #tpu.memory_space<vmem>>
      %dma_start3A_630 = tpu.memref_squeeze %dma_start3A_629 : memref<1x128xi32, #tpu.memory_space<vmem>> -> memref<128xi32, #tpu.memory_space<vmem>>
      %dma_start3A_631 = arith.constant 0 : i32
      %dma_start3A_632 = tpu.memref_slice %arg5[%dma_start3A_631] : memref<22528xf32, #tpu.memory_space<hbm>> -> memref<22528xf32, #tpu.memory_space<hbm>>
      tpu.enqueue_indirect_dma source(%dma_start3A_632 : memref<22528xf32, #tpu.memory_space<hbm>>) target(%dma_start3A_627 : memref<128xf32, #tpu.memory_space<vmem>>) offsets(%dma_start3A_630 : memref<128xi32, #tpu.memory_space<vmem>>) semaphore(%arg16 : memref<!tpu.dma_semaphore, #tpu.memory_space<semaphore_mem>>)
      %dma_wait3A_633 = arith.constant 7 : i32
      %dma_wait3A_634 = arith.constant 7 : i32
      %dma_wait3A_635 = arith.constant 0 : i32
      %dma_wait3A_636 = tpu.memref_slice %arg15[%dma_wait3A_634, %dma_wait3A_635] : memref<8x128xf32, #tpu.memory_space<vmem>> -> memref<1x128xf32, #tpu.memory_space<vmem>>
      %dma_wait3A_637 = tpu.memref_squeeze %dma_wait3A_636 : memref<1x128xf32, #tpu.memory_space<vmem>> -> memref<128xf32, #tpu.memory_space<vmem>>
      %dma_wait3A_638 = arith.constant 0 : i32
      %dma_wait3A_639 = tpu.memref_slice %arg11[%dma_wait3A_633, %dma_wait3A_638] : memref<8x128xi32, #tpu.memory_space<vmem>> -> memref<1x128xi32, #tpu.memory_space<vmem>>
      %dma_wait3A_640 = tpu.memref_squeeze %dma_wait3A_639 : memref<1x128xi32, #tpu.memory_space<vmem>> -> memref<128xi32, #tpu.memory_space<vmem>>
      %dma_wait3A_641 = arith.constant 0 : i32
      %dma_wait3A_642 = tpu.memref_slice %arg5[%dma_wait3A_641] : memref<22528xf32, #tpu.memory_space<hbm>> -> memref<22528xf32, #tpu.memory_space<hbm>>
      tpu.wait_indirect_dma semaphore(%arg16 : memref<!tpu.dma_semaphore, #tpu.memory_space<semaphore_mem>>) src(%dma_wait3A_642 : memref<22528xf32, #tpu.memory_space<hbm>>) dst(%dma_wait3A_637 : memref<128xf32, #tpu.memory_space<vmem>>)
      "tpu.region"() ({
        %run_scoped3A = tpu.sem_alloc : memref<!tpu.dma_semaphore, #tpu.memory_space<semaphore_mem>>
        %dma_start3A_643 = arith.constant 0 : i32
        %dma_start3A_644 = tpu.memref_slice %arg10[%mul3A_4, %dma_start3A_643] : memref<96x128xf32, #tpu.memory_space<hbm>> -> memref<8x128xf32, #tpu.memory_space<hbm>>
        %dma_start3A_645 = arith.constant 0 : i32
        %dma_start3A_646 = tpu.memref_slice %arg10[%mul3A_4, %dma_start3A_645] : memref<96x128xf32, #tpu.memory_space<hbm>> -> memref<8x128xf32, #tpu.memory_space<hbm>>
        tpu.enqueue_dma source(%arg15 : memref<8x128xf32, #tpu.memory_space<vmem>>) target(%dma_start3A_646 : memref<8x128xf32, #tpu.memory_space<hbm>>) target_semaphore(%run_scoped3A : memref<!tpu.dma_semaphore, #tpu.memory_space<semaphore_mem>>)
        %dma_wait3A_647 = arith.constant 0 : i32
        %dma_wait3A_648 = tpu.memref_slice %arg10[%mul3A_4, %dma_wait3A_647] : memref<96x128xf32, #tpu.memory_space<hbm>> -> memref<8x128xf32, #tpu.memory_space<hbm>>
        %dma_wait3A_649 = arith.constant 0 : i32
        %dma_wait3A_650 = tpu.memref_slice %arg10[%mul3A_4, %dma_wait3A_649] : memref<96x128xf32, #tpu.memory_space<hbm>> -> memref<8x128xf32, #tpu.memory_space<hbm>>
        tpu.wait_dma2 semaphore(%run_scoped3A : memref<!tpu.dma_semaphore, #tpu.memory_space<semaphore_mem>>) src(%arg15 : memref<8x128xf32, #tpu.memory_space<vmem>>) dst(%dma_wait3A_650 : memref<8x128xf32, #tpu.memory_space<hbm>>)
        tpu.yield
      }) : () -> ()
    } else {
    }
    return
  }
}

#map = affine_map<(d0, d1) -> (0, 0)>
#map1 = affine_map<(d0, d1) -> (0)>
module attributes {stable_mosaic.version = 14 : i64} {
  func.func @_sc_compact_body(%arg0: i32, %arg1: i32, %arg2: memref<96x128xi32, #tpu.memory_space<hbm>>, %arg3: memref<96x128xf32, #tpu.memory_space<hbm>>, %arg4: memref<96x128xf32, #tpu.memory_space<hbm>>, %arg5: memref<96x128xf32, #tpu.memory_space<hbm>>, %arg6: memref<96x128xf32, #tpu.memory_space<hbm>>, %arg7: memref<64xf32, #tpu.memory_space<hbm>>, %arg8: memref<2048xf32, #tpu.memory_space<hbm>>, %arg9: memref<2048xf32, #tpu.memory_space<hbm>>, %arg10: memref<2048xf32, #tpu.memory_space<hbm>>, %arg11: memref<2048xf32, #tpu.memory_space<hbm>>, %arg12: memref<96x128xi32, #tpu.memory_space<vmem>>, %arg13: memref<96x128xf32, #tpu.memory_space<vmem>>, %arg14: memref<96x128xf32, #tpu.memory_space<vmem>>, %arg15: memref<96x128xf32, #tpu.memory_space<vmem>>, %arg16: memref<96x128xf32, #tpu.memory_space<vmem>>, %arg17: memref<64xf32, #tpu.memory_space<vmem>>, %arg18: memref<2048xf32, #tpu.memory_space<vmem>>, %arg19: memref<2048xf32, #tpu.memory_space<vmem>>, %arg20: memref<2048xf32, #tpu.memory_space<vmem>>, %arg21: memref<2048xf32, #tpu.memory_space<vmem>>) attributes {dimension_semantics = [#tpu.dimension_semantics<core_parallel>, #tpu.dimension_semantics<subcore_parallel>], iteration_bounds = array<i64: 2, 16>, scalar_prefetch = 0 : i64, scratch_operands = 10 : i64, tpu.core_type = #tpu.core_type<sc_vector_subcore>, window_params = [{transform_indices = #map}, {transform_indices = #map}, {transform_indices = #map}, {transform_indices = #map}, {transform_indices = #map}, {transform_indices = #map1}, {transform_indices = #map1}, {transform_indices = #map1}, {transform_indices = #map1}, {transform_indices = #map1}]} {
    %mul3A = arith.constant 2 : i32
    %mul3A_0 = arith.muli %arg1, %mul3A : i32
    %add3A = arith.addi %mul3A_0, %arg0 : i32
    %eq3A = arith.constant 0 : i32
    %eq3A_1 = arith.cmpi eq, %add3A, %eq3A : i32
    %convert_element_type3A = arith.extui %eq3A_1 : i1 to i32
    %cond3A = arith.constant 0 : i32
    %cond3A_2 = arith.cmpi ne, %convert_element_type3A, %cond3A : i32
    scf.if %cond3A_2 {
      "tpu.region"() ({
        %run_scoped3A = tpu.sem_alloc : memref<!tpu.dma_semaphore, #tpu.memory_space<semaphore_mem>>
        tpu.enqueue_dma source(%arg2 : memref<96x128xi32, #tpu.memory_space<hbm>>) target(%arg12 : memref<96x128xi32, #tpu.memory_space<vmem>>) target_semaphore(%run_scoped3A : memref<!tpu.dma_semaphore, #tpu.memory_space<semaphore_mem>>)
        tpu.wait_dma2 semaphore(%run_scoped3A : memref<!tpu.dma_semaphore, #tpu.memory_space<semaphore_mem>>) src(%arg2 : memref<96x128xi32, #tpu.memory_space<hbm>>) dst(%arg12 : memref<96x128xi32, #tpu.memory_space<vmem>>)
        tpu.yield
      }) : () -> ()
      "tpu.region"() ({
        %run_scoped3A = tpu.sem_alloc : memref<!tpu.dma_semaphore, #tpu.memory_space<semaphore_mem>>
        tpu.enqueue_dma source(%arg3 : memref<96x128xf32, #tpu.memory_space<hbm>>) target(%arg13 : memref<96x128xf32, #tpu.memory_space<vmem>>) target_semaphore(%run_scoped3A : memref<!tpu.dma_semaphore, #tpu.memory_space<semaphore_mem>>)
        tpu.wait_dma2 semaphore(%run_scoped3A : memref<!tpu.dma_semaphore, #tpu.memory_space<semaphore_mem>>) src(%arg3 : memref<96x128xf32, #tpu.memory_space<hbm>>) dst(%arg13 : memref<96x128xf32, #tpu.memory_space<vmem>>)
        tpu.yield
      }) : () -> ()
      "tpu.region"() ({
        %run_scoped3A = tpu.sem_alloc : memref<!tpu.dma_semaphore, #tpu.memory_space<semaphore_mem>>
        tpu.enqueue_dma source(%arg4 : memref<96x128xf32, #tpu.memory_space<hbm>>) target(%arg14 : memref<96x128xf32, #tpu.memory_space<vmem>>) target_semaphore(%run_scoped3A : memref<!tpu.dma_semaphore, #tpu.memory_space<semaphore_mem>>)
        tpu.wait_dma2 semaphore(%run_scoped3A : memref<!tpu.dma_semaphore, #tpu.memory_space<semaphore_mem>>) src(%arg4 : memref<96x128xf32, #tpu.memory_space<hbm>>) dst(%arg14 : memref<96x128xf32, #tpu.memory_space<vmem>>)
        tpu.yield
      }) : () -> ()
      "tpu.region"() ({
        %run_scoped3A = tpu.sem_alloc : memref<!tpu.dma_semaphore, #tpu.memory_space<semaphore_mem>>
        tpu.enqueue_dma source(%arg5 : memref<96x128xf32, #tpu.memory_space<hbm>>) target(%arg15 : memref<96x128xf32, #tpu.memory_space<vmem>>) target_semaphore(%run_scoped3A : memref<!tpu.dma_semaphore, #tpu.memory_space<semaphore_mem>>)
        tpu.wait_dma2 semaphore(%run_scoped3A : memref<!tpu.dma_semaphore, #tpu.memory_space<semaphore_mem>>) src(%arg5 : memref<96x128xf32, #tpu.memory_space<hbm>>) dst(%arg15 : memref<96x128xf32, #tpu.memory_space<vmem>>)
        tpu.yield
      }) : () -> ()
      "tpu.region"() ({
        %run_scoped3A = tpu.sem_alloc : memref<!tpu.dma_semaphore, #tpu.memory_space<semaphore_mem>>
        tpu.enqueue_dma source(%arg6 : memref<96x128xf32, #tpu.memory_space<hbm>>) target(%arg16 : memref<96x128xf32, #tpu.memory_space<vmem>>) target_semaphore(%run_scoped3A : memref<!tpu.dma_semaphore, #tpu.memory_space<semaphore_mem>>)
        tpu.wait_dma2 semaphore(%run_scoped3A : memref<!tpu.dma_semaphore, #tpu.memory_space<semaphore_mem>>) src(%arg6 : memref<96x128xf32, #tpu.memory_space<hbm>>) dst(%arg16 : memref<96x128xf32, #tpu.memory_space<vmem>>)
        tpu.yield
      }) : () -> ()
      "tpu.region"() ({
        %run_scoped3A = tpu.sem_alloc : memref<!tpu.dma_semaphore, #tpu.memory_space<semaphore_mem>>
        tpu.enqueue_dma source(%arg7 : memref<64xf32, #tpu.memory_space<hbm>>) target(%arg17 : memref<64xf32, #tpu.memory_space<vmem>>) target_semaphore(%run_scoped3A : memref<!tpu.dma_semaphore, #tpu.memory_space<semaphore_mem>>)
        tpu.wait_dma2 semaphore(%run_scoped3A : memref<!tpu.dma_semaphore, #tpu.memory_space<semaphore_mem>>) src(%arg7 : memref<64xf32, #tpu.memory_space<hbm>>) dst(%arg17 : memref<64xf32, #tpu.memory_space<vmem>>)
        tpu.yield
      }) : () -> ()
      %scan3A = arith.constant 0 : i32
      %scan3A_3 = arith.constant 0 : i32
      %scan3A_4 = arith.constant 128 : i32
      %scan3A_5 = arith.addi %scan3A_3, %scan3A_4 : i32
      %scan3A_6 = arith.constant 1 : i32
      scf.for %scan3A_14 = %scan3A_3 to %scan3A_5 step %scan3A_6  : i32 {
        %mul3A_15 = arith.constant 16 : i32
        %mul3A_16 = arith.muli %scan3A_14, %mul3A_15 : i32
        %get3A = arith.constant 0 : index
        %get3A_17 = tpu.vector_load %arg17[%get3A] {strides = array<i32>} : memref<64xf32, #tpu.memory_space<vmem>>, vector<16xf32>,
        %swap3A = arith.index_cast %mul3A_16 : i32 to index
        %swap3A_18 = tpu.vector_load %arg18[%swap3A] {strides = array<i32>} : memref<2048xf32, #tpu.memory_space<vmem>>, vector<16xf32>,
        tpu.vector_store %arg18[%swap3A], %get3A_17 {strides = array<i32>} : memref<2048xf32, #tpu.memory_space<vmem>>, vector<16xf32>,
        %get3A_19 = arith.constant 16 : index
        %get3A_20 = tpu.vector_load %arg17[%get3A_19] {strides = array<i32>} : memref<64xf32, #tpu.memory_space<vmem>>, vector<16xf32>,
        %swap3A_21 = arith.index_cast %mul3A_16 : i32 to index
        %swap3A_22 = tpu.vector_load %arg19[%swap3A_21] {strides = array<i32>} : memref<2048xf32, #tpu.memory_space<vmem>>, vector<16xf32>,
        tpu.vector_store %arg19[%swap3A_21], %get3A_20 {strides = array<i32>} : memref<2048xf32, #tpu.memory_space<vmem>>, vector<16xf32>,
        %get3A_23 = arith.constant 32 : index
        %get3A_24 = tpu.vector_load %arg17[%get3A_23] {strides = array<i32>} : memref<64xf32, #tpu.memory_space<vmem>>, vector<16xf32>,
        %swap3A_25 = arith.index_cast %mul3A_16 : i32 to index
        %swap3A_26 = tpu.vector_load %arg20[%swap3A_25] {strides = array<i32>} : memref<2048xf32, #tpu.memory_space<vmem>>, vector<16xf32>,
        tpu.vector_store %arg20[%swap3A_25], %get3A_24 {strides = array<i32>} : memref<2048xf32, #tpu.memory_space<vmem>>, vector<16xf32>,
        %get3A_27 = arith.constant 48 : index
        %get3A_28 = tpu.vector_load %arg17[%get3A_27] {strides = array<i32>} : memref<64xf32, #tpu.memory_space<vmem>>, vector<16xf32>,
        %swap3A_29 = arith.index_cast %mul3A_16 : i32 to index
        %swap3A_30 = tpu.vector_load %arg21[%swap3A_29] {strides = array<i32>} : memref<2048xf32, #tpu.memory_space<vmem>>, vector<16xf32>,
        tpu.vector_store %arg21[%swap3A_29], %get3A_28 {strides = array<i32>} : memref<2048xf32, #tpu.memory_space<vmem>>, vector<16xf32>,
      }
      %scan3A_7 = arith.constant 128 : i32
      %scan3A_8 = arith.constant 0 : i32
      %scan3A_9 = arith.constant 0 : i32
      %scan3A_10 = arith.constant 96 : i32
      %scan3A_11 = arith.addi %scan3A_9, %scan3A_10 : i32
      %scan3A_12 = arith.constant 1 : i32
      scf.for %scan3A_14 = %scan3A_9 to %scan3A_11 step %scan3A_12  : i32 {
        %get3A = arith.index_cast %scan3A_14 : i32 to index
        %get3A_15 = arith.constant 0 : index
        %get3A_16 = tpu.vector_load %arg12[%get3A, %get3A_15] {strides = array<i32>} : memref<96x128xi32, #tpu.memory_space<vmem>>, vector<16xi32>,
        %lt3A = arith.constant 2047 : i32
        %lt3A_17 = vector.broadcast %lt3A : i32 to vector<16xi32>
        %lt3A_18 = arith.cmpi slt, %get3A_16, %lt3A_17 : vector<16xi32>
        %get3A_19 = arith.index_cast %scan3A_14 : i32 to index
        %get3A_20 = arith.constant 0 : index
        %get3A_21 = tpu.vector_load %arg13[%get3A_19, %get3A_20] {strides = array<i32>} : memref<96x128xf32, #tpu.memory_space<vmem>>, vector<16xf32>,
        tpu.vector_store_idx %arg18[%get3A_16], %get3A_21 masked %lt3A_18 : memref<2048xf32, #tpu.memory_space<vmem>>[vector<16xi32>], vector<16xf32>, vector<16xi1>
        %get3A_22 = arith.index_cast %scan3A_14 : i32 to index
        %get3A_23 = arith.constant 0 : index
        %get3A_24 = tpu.vector_load %arg14[%get3A_22, %get3A_23] {strides = array<i32>} : memref<96x128xf32, #tpu.memory_space<vmem>>, vector<16xf32>,
        tpu.vector_store_idx %arg19[%get3A_16], %get3A_24 masked %lt3A_18 : memref<2048xf32, #tpu.memory_space<vmem>>[vector<16xi32>], vector<16xf32>, vector<16xi1>
        %get3A_25 = arith.index_cast %scan3A_14 : i32 to index
        %get3A_26 = arith.constant 0 : index
        %get3A_27 = tpu.vector_load %arg15[%get3A_25, %get3A_26] {strides = array<i32>} : memref<96x128xf32, #tpu.memory_space<vmem>>, vector<16xf32>,
        tpu.vector_store_idx %arg20[%get3A_16], %get3A_27 masked %lt3A_18 : memref<2048xf32, #tpu.memory_space<vmem>>[vector<16xi32>], vector<16xf32>, vector<16xi1>
        %get3A_28 = arith.index_cast %scan3A_14 : i32 to index
        %get3A_29 = arith.constant 0 : index
        %get3A_30 = tpu.vector_load %arg16[%get3A_28, %get3A_29] {strides = array<i32>} : memref<96x128xf32, #tpu.memory_space<vmem>>, vector<16xf32>,
        tpu.vector_store_idx %arg21[%get3A_16], %get3A_30 masked %lt3A_18 : memref<2048xf32, #tpu.memory_space<vmem>>[vector<16xi32>], vector<16xf32>, vector<16xi1>
        %get3A_31 = arith.index_cast %scan3A_14 : i32 to index
        %get3A_32 = arith.constant 16 : index
        %get3A_33 = tpu.vector_load %arg12[%get3A_31, %get3A_32] {strides = array<i32>} : memref<96x128xi32, #tpu.memory_space<vmem>>, vector<16xi32>,
        %lt3A_34 = arith.constant 2047 : i32
        %lt3A_35 = vector.broadcast %lt3A_34 : i32 to vector<16xi32>
        %lt3A_36 = arith.cmpi slt, %get3A_33, %lt3A_35 : vector<16xi32>
        %get3A_37 = arith.index_cast %scan3A_14 : i32 to index
        %get3A_38 = arith.constant 16 : index
        %get3A_39 = tpu.vector_load %arg13[%get3A_37, %get3A_38] {strides = array<i32>} : memref<96x128xf32, #tpu.memory_space<vmem>>, vector<16xf32>,
        tpu.vector_store_idx %arg18[%get3A_33], %get3A_39 masked %lt3A_36 : memref<2048xf32, #tpu.memory_space<vmem>>[vector<16xi32>], vector<16xf32>, vector<16xi1>
        %get3A_40 = arith.index_cast %scan3A_14 : i32 to index
        %get3A_41 = arith.constant 16 : index
        %get3A_42 = tpu.vector_load %arg14[%get3A_40, %get3A_41] {strides = array<i32>} : memref<96x128xf32, #tpu.memory_space<vmem>>, vector<16xf32>,
        tpu.vector_store_idx %arg19[%get3A_33], %get3A_42 masked %lt3A_36 : memref<2048xf32, #tpu.memory_space<vmem>>[vector<16xi32>], vector<16xf32>, vector<16xi1>
        %get3A_43 = arith.index_cast %scan3A_14 : i32 to index
        %get3A_44 = arith.constant 16 : index
        %get3A_45 = tpu.vector_load %arg15[%get3A_43, %get3A_44] {strides = array<i32>} : memref<96x128xf32, #tpu.memory_space<vmem>>, vector<16xf32>,
        tpu.vector_store_idx %arg20[%get3A_33], %get3A_45 masked %lt3A_36 : memref<2048xf32, #tpu.memory_space<vmem>>[vector<16xi32>], vector<16xf32>, vector<16xi1>
        %get3A_46 = arith.index_cast %scan3A_14 : i32 to index
        %get3A_47 = arith.constant 16 : index
        %get3A_48 = tpu.vector_load %arg16[%get3A_46, %get3A_47] {strides = array<i32>} : memref<96x128xf32, #tpu.memory_space<vmem>>, vector<16xf32>,
        tpu.vector_store_idx %arg21[%get3A_33], %get3A_48 masked %lt3A_36 : memref<2048xf32, #tpu.memory_space<vmem>>[vector<16xi32>], vector<16xf32>, vector<16xi1>
        %get3A_49 = arith.index_cast %scan3A_14 : i32 to index
        %get3A_50 = arith.constant 32 : index
        %get3A_51 = tpu.vector_load %arg12[%get3A_49, %get3A_50] {strides = array<i32>} : memref<96x128xi32, #tpu.memory_space<vmem>>, vector<16xi32>,
        %lt3A_52 = arith.constant 2047 : i32
        %lt3A_53 = vector.broadcast %lt3A_52 : i32 to vector<16xi32>
        %lt3A_54 = arith.cmpi slt, %get3A_51, %lt3A_53 : vector<16xi32>
        %get3A_55 = arith.index_cast %scan3A_14 : i32 to index
        %get3A_56 = arith.constant 32 : index
        %get3A_57 = tpu.vector_load %arg13[%get3A_55, %get3A_56] {strides = array<i32>} : memref<96x128xf32, #tpu.memory_space<vmem>>, vector<16xf32>,
        tpu.vector_store_idx %arg18[%get3A_51], %get3A_57 masked %lt3A_54 : memref<2048xf32, #tpu.memory_space<vmem>>[vector<16xi32>], vector<16xf32>, vector<16xi1>
        %get3A_58 = arith.index_cast %scan3A_14 : i32 to index
        %get3A_59 = arith.constant 32 : index
        %get3A_60 = tpu.vector_load %arg14[%get3A_58, %get3A_59] {strides = array<i32>} : memref<96x128xf32, #tpu.memory_space<vmem>>, vector<16xf32>,
        tpu.vector_store_idx %arg19[%get3A_51], %get3A_60 masked %lt3A_54 : memref<2048xf32, #tpu.memory_space<vmem>>[vector<16xi32>], vector<16xf32>, vector<16xi1>
        %get3A_61 = arith.index_cast %scan3A_14 : i32 to index
        %get3A_62 = arith.constant 32 : index
        %get3A_63 = tpu.vector_load %arg15[%get3A_61, %get3A_62] {strides = array<i32>} : memref<96x128xf32, #tpu.memory_space<vmem>>, vector<16xf32>,
        tpu.vector_store_idx %arg20[%get3A_51], %get3A_63 masked %lt3A_54 : memref<2048xf32, #tpu.memory_space<vmem>>[vector<16xi32>], vector<16xf32>, vector<16xi1>
        %get3A_64 = arith.index_cast %scan3A_14 : i32 to index
        %get3A_65 = arith.constant 32 : index
        %get3A_66 = tpu.vector_load %arg16[%get3A_64, %get3A_65] {strides = array<i32>} : memref<96x128xf32, #tpu.memory_space<vmem>>, vector<16xf32>,
        tpu.vector_store_idx %arg21[%get3A_51], %get3A_66 masked %lt3A_54 : memref<2048xf32, #tpu.memory_space<vmem>>[vector<16xi32>], vector<16xf32>, vector<16xi1>
        %get3A_67 = arith.index_cast %scan3A_14 : i32 to index
        %get3A_68 = arith.constant 48 : index
        %get3A_69 = tpu.vector_load %arg12[%get3A_67, %get3A_68] {strides = array<i32>} : memref<96x128xi32, #tpu.memory_space<vmem>>, vector<16xi32>,
        %lt3A_70 = arith.constant 2047 : i32
        %lt3A_71 = vector.broadcast %lt3A_70 : i32 to vector<16xi32>
        %lt3A_72 = arith.cmpi slt, %get3A_69, %lt3A_71 : vector<16xi32>
        %get3A_73 = arith.index_cast %scan3A_14 : i32 to index
        %get3A_74 = arith.constant 48 : index
        %get3A_75 = tpu.vector_load %arg13[%get3A_73, %get3A_74] {strides = array<i32>} : memref<96x128xf32, #tpu.memory_space<vmem>>, vector<16xf32>,
        tpu.vector_store_idx %arg18[%get3A_69], %get3A_75 masked %lt3A_72 : memref<2048xf32, #tpu.memory_space<vmem>>[vector<16xi32>], vector<16xf32>, vector<16xi1>
        %get3A_76 = arith.index_cast %scan3A_14 : i32 to index
        %get3A_77 = arith.constant 48 : index
        %get3A_78 = tpu.vector_load %arg14[%get3A_76, %get3A_77] {strides = array<i32>} : memref<96x128xf32, #tpu.memory_space<vmem>>, vector<16xf32>,
        tpu.vector_store_idx %arg19[%get3A_69], %get3A_78 masked %lt3A_72 : memref<2048xf32, #tpu.memory_space<vmem>>[vector<16xi32>], vector<16xf32>, vector<16xi1>
        %get3A_79 = arith.index_cast %scan3A_14 : i32 to index
        %get3A_80 = arith.constant 48 : index
        %get3A_81 = tpu.vector_load %arg15[%get3A_79, %get3A_80] {strides = array<i32>} : memref<96x128xf32, #tpu.memory_space<vmem>>, vector<16xf32>,
        tpu.vector_store_idx %arg20[%get3A_69], %get3A_81 masked %lt3A_72 : memref<2048xf32, #tpu.memory_space<vmem>>[vector<16xi32>], vector<16xf32>, vector<16xi1>
        %get3A_82 = arith.index_cast %scan3A_14 : i32 to index
        %get3A_83 = arith.constant 48 : index
        %get3A_84 = tpu.vector_load %arg16[%get3A_82, %get3A_83] {strides = array<i32>} : memref<96x128xf32, #tpu.memory_space<vmem>>, vector<16xf32>,
        tpu.vector_store_idx %arg21[%get3A_69], %get3A_84 masked %lt3A_72 : memref<2048xf32, #tpu.memory_space<vmem>>[vector<16xi32>], vector<16xf32>, vector<16xi1>
        %get3A_85 = arith.index_cast %scan3A_14 : i32 to index
        %get3A_86 = arith.constant 64 : index
        %get3A_87 = tpu.vector_load %arg12[%get3A_85, %get3A_86] {strides = array<i32>} : memref<96x128xi32, #tpu.memory_space<vmem>>, vector<16xi32>,
        %lt3A_88 = arith.constant 2047 : i32
        %lt3A_89 = vector.broadcast %lt3A_88 : i32 to vector<16xi32>
        %lt3A_90 = arith.cmpi slt, %get3A_87, %lt3A_89 : vector<16xi32>
        %get3A_91 = arith.index_cast %scan3A_14 : i32 to index
        %get3A_92 = arith.constant 64 : index
        %get3A_93 = tpu.vector_load %arg13[%get3A_91, %get3A_92] {strides = array<i32>} : memref<96x128xf32, #tpu.memory_space<vmem>>, vector<16xf32>,
        tpu.vector_store_idx %arg18[%get3A_87], %get3A_93 masked %lt3A_90 : memref<2048xf32, #tpu.memory_space<vmem>>[vector<16xi32>], vector<16xf32>, vector<16xi1>
        %get3A_94 = arith.index_cast %scan3A_14 : i32 to index
        %get3A_95 = arith.constant 64 : index
        %get3A_96 = tpu.vector_load %arg14[%get3A_94, %get3A_95] {strides = array<i32>} : memref<96x128xf32, #tpu.memory_space<vmem>>, vector<16xf32>,
        tpu.vector_store_idx %arg19[%get3A_87], %get3A_96 masked %lt3A_90 : memref<2048xf32, #tpu.memory_space<vmem>>[vector<16xi32>], vector<16xf32>, vector<16xi1>
        %get3A_97 = arith.index_cast %scan3A_14 : i32 to index
        %get3A_98 = arith.constant 64 : index
        %get3A_99 = tpu.vector_load %arg15[%get3A_97, %get3A_98] {strides = array<i32>} : memref<96x128xf32, #tpu.memory_space<vmem>>, vector<16xf32>,
        tpu.vector_store_idx %arg20[%get3A_87], %get3A_99 masked %lt3A_90 : memref<2048xf32, #tpu.memory_space<vmem>>[vector<16xi32>], vector<16xf32>, vector<16xi1>
        %get3A_100 = arith.index_cast %scan3A_14 : i32 to index
        %get3A_101 = arith.constant 64 : index
        %get3A_102 = tpu.vector_load %arg16[%get3A_100, %get3A_101] {strides = array<i32>} : memref<96x128xf32, #tpu.memory_space<vmem>>, vector<16xf32>,
        tpu.vector_store_idx %arg21[%get3A_87], %get3A_102 masked %lt3A_90 : memref<2048xf32, #tpu.memory_space<vmem>>[vector<16xi32>], vector<16xf32>, vector<16xi1>
        %get3A_103 = arith.index_cast %scan3A_14 : i32 to index
        %get3A_104 = arith.constant 80 : index
        %get3A_105 = tpu.vector_load %arg12[%get3A_103, %get3A_104] {strides = array<i32>} : memref<96x128xi32, #tpu.memory_space<vmem>>, vector<16xi32>,
        %lt3A_106 = arith.constant 2047 : i32
        %lt3A_107 = vector.broadcast %lt3A_106 : i32 to vector<16xi32>
        %lt3A_108 = arith.cmpi slt, %get3A_105, %lt3A_107 : vector<16xi32>
        %get3A_109 = arith.index_cast %scan3A_14 : i32 to index
        %get3A_110 = arith.constant 80 : index
        %get3A_111 = tpu.vector_load %arg13[%get3A_109, %get3A_110] {strides = array<i32>} : memref<96x128xf32, #tpu.memory_space<vmem>>, vector<16xf32>,
        tpu.vector_store_idx %arg18[%get3A_105], %get3A_111 masked %lt3A_108 : memref<2048xf32, #tpu.memory_space<vmem>>[vector<16xi32>], vector<16xf32>, vector<16xi1>
        %get3A_112 = arith.index_cast %scan3A_14 : i32 to index
        %get3A_113 = arith.constant 80 : index
        %get3A_114 = tpu.vector_load %arg14[%get3A_112, %get3A_113] {strides = array<i32>} : memref<96x128xf32, #tpu.memory_space<vmem>>, vector<16xf32>,
        tpu.vector_store_idx %arg19[%get3A_105], %get3A_114 masked %lt3A_108 : memref<2048xf32, #tpu.memory_space<vmem>>[vector<16xi32>], vector<16xf32>, vector<16xi1>
        %get3A_115 = arith.index_cast %scan3A_14 : i32 to index
        %get3A_116 = arith.constant 80 : index
        %get3A_117 = tpu.vector_load %arg15[%get3A_115, %get3A_116] {strides = array<i32>} : memref<96x128xf32, #tpu.memory_space<vmem>>, vector<16xf32>,
        tpu.vector_store_idx %arg20[%get3A_105], %get3A_117 masked %lt3A_108 : memref<2048xf32, #tpu.memory_space<vmem>>[vector<16xi32>], vector<16xf32>, vector<16xi1>
        %get3A_118 = arith.index_cast %scan3A_14 : i32 to index
        %get3A_119 = arith.constant 80 : index
        %get3A_120 = tpu.vector_load %arg16[%get3A_118, %get3A_119] {strides = array<i32>} : memref<96x128xf32, #tpu.memory_space<vmem>>, vector<16xf32>,
        tpu.vector_store_idx %arg21[%get3A_105], %get3A_120 masked %lt3A_108 : memref<2048xf32, #tpu.memory_space<vmem>>[vector<16xi32>], vector<16xf32>, vector<16xi1>
        %get3A_121 = arith.index_cast %scan3A_14 : i32 to index
        %get3A_122 = arith.constant 96 : index
        %get3A_123 = tpu.vector_load %arg12[%get3A_121, %get3A_122] {strides = array<i32>} : memref<96x128xi32, #tpu.memory_space<vmem>>, vector<16xi32>,
        %lt3A_124 = arith.constant 2047 : i32
        %lt3A_125 = vector.broadcast %lt3A_124 : i32 to vector<16xi32>
        %lt3A_126 = arith.cmpi slt, %get3A_123, %lt3A_125 : vector<16xi32>
        %get3A_127 = arith.index_cast %scan3A_14 : i32 to index
        %get3A_128 = arith.constant 96 : index
        %get3A_129 = tpu.vector_load %arg13[%get3A_127, %get3A_128] {strides = array<i32>} : memref<96x128xf32, #tpu.memory_space<vmem>>, vector<16xf32>,
        tpu.vector_store_idx %arg18[%get3A_123], %get3A_129 masked %lt3A_126 : memref<2048xf32, #tpu.memory_space<vmem>>[vector<16xi32>], vector<16xf32>, vector<16xi1>
        %get3A_130 = arith.index_cast %scan3A_14 : i32 to index
        %get3A_131 = arith.constant 96 : index
        %get3A_132 = tpu.vector_load %arg14[%get3A_130, %get3A_131] {strides = array<i32>} : memref<96x128xf32, #tpu.memory_space<vmem>>, vector<16xf32>,
        tpu.vector_store_idx %arg19[%get3A_123], %get3A_132 masked %lt3A_126 : memref<2048xf32, #tpu.memory_space<vmem>>[vector<16xi32>], vector<16xf32>, vector<16xi1>
        %get3A_133 = arith.index_cast %scan3A_14 : i32 to index
        %get3A_134 = arith.constant 96 : index
        %get3A_135 = tpu.vector_load %arg15[%get3A_133, %get3A_134] {strides = array<i32>} : memref<96x128xf32, #tpu.memory_space<vmem>>, vector<16xf32>,
        tpu.vector_store_idx %arg20[%get3A_123], %get3A_135 masked %lt3A_126 : memref<2048xf32, #tpu.memory_space<vmem>>[vector<16xi32>], vector<16xf32>, vector<16xi1>
        %get3A_136 = arith.index_cast %scan3A_14 : i32 to index
        %get3A_137 = arith.constant 96 : index
        %get3A_138 = tpu.vector_load %arg16[%get3A_136, %get3A_137] {strides = array<i32>} : memref<96x128xf32, #tpu.memory_space<vmem>>, vector<16xf32>,
        tpu.vector_store_idx %arg21[%get3A_123], %get3A_138 masked %lt3A_126 : memref<2048xf32, #tpu.memory_space<vmem>>[vector<16xi32>], vector<16xf32>, vector<16xi1>
        %get3A_139 = arith.index_cast %scan3A_14 : i32 to index
        %get3A_140 = arith.constant 112 : index
        %get3A_141 = tpu.vector_load %arg12[%get3A_139, %get3A_140] {strides = array<i32>} : memref<96x128xi32, #tpu.memory_space<vmem>>, vector<16xi32>,
        %lt3A_142 = arith.constant 2047 : i32
        %lt3A_143 = vector.broadcast %lt3A_142 : i32 to vector<16xi32>
        %lt3A_144 = arith.cmpi slt, %get3A_141, %lt3A_143 : vector<16xi32>
        %get3A_145 = arith.index_cast %scan3A_14 : i32 to index
        %get3A_146 = arith.constant 112 : index
        %get3A_147 = tpu.vector_load %arg13[%get3A_145, %get3A_146] {strides = array<i32>} : memref<96x128xf32, #tpu.memory_space<vmem>>, vector<16xf32>,
        tpu.vector_store_idx %arg18[%get3A_141], %get3A_147 masked %lt3A_144 : memref<2048xf32, #tpu.memory_space<vmem>>[vector<16xi32>], vector<16xf32>, vector<16xi1>
        %get3A_148 = arith.index_cast %scan3A_14 : i32 to index
        %get3A_149 = arith.constant 112 : index
        %get3A_150 = tpu.vector_load %arg14[%get3A_148, %get3A_149] {strides = array<i32>} : memref<96x128xf32, #tpu.memory_space<vmem>>, vector<16xf32>,
        tpu.vector_store_idx %arg19[%get3A_141], %get3A_150 masked %lt3A_144 : memref<2048xf32, #tpu.memory_space<vmem>>[vector<16xi32>], vector<16xf32>, vector<16xi1>
        %get3A_151 = arith.index_cast %scan3A_14 : i32 to index
        %get3A_152 = arith.constant 112 : index
        %get3A_153 = tpu.vector_load %arg15[%get3A_151, %get3A_152] {strides = array<i32>} : memref<96x128xf32, #tpu.memory_space<vmem>>, vector<16xf32>,
        tpu.vector_store_idx %arg20[%get3A_141], %get3A_153 masked %lt3A_144 : memref<2048xf32, #tpu.memory_space<vmem>>[vector<16xi32>], vector<16xf32>, vector<16xi1>
        %get3A_154 = arith.index_cast %scan3A_14 : i32 to index
        %get3A_155 = arith.constant 112 : index
        %get3A_156 = tpu.vector_load %arg16[%get3A_154, %get3A_155] {strides = array<i32>} : memref<96x128xf32, #tpu.memory_space<vmem>>, vector<16xf32>,
        tpu.vector_store_idx %arg21[%get3A_141], %get3A_156 masked %lt3A_144 : memref<2048xf32, #tpu.memory_space<vmem>>[vector<16xi32>], vector<16xf32>, vector<16xi1>
      }
      %scan3A_13 = arith.constant 96 : i32
      "tpu.region"() ({
        %run_scoped3A = tpu.sem_alloc : memref<!tpu.dma_semaphore, #tpu.memory_space<semaphore_mem>>
        tpu.enqueue_dma source(%arg18 : memref<2048xf32, #tpu.memory_space<vmem>>) target(%arg8 : memref<2048xf32, #tpu.memory_space<hbm>>) target_semaphore(%run_scoped3A : memref<!tpu.dma_semaphore, #tpu.memory_space<semaphore_mem>>)
        tpu.wait_dma2 semaphore(%run_scoped3A : memref<!tpu.dma_semaphore, #tpu.memory_space<semaphore_mem>>) src(%arg18 : memref<2048xf32, #tpu.memory_space<vmem>>) dst(%arg8 : memref<2048xf32, #tpu.memory_space<hbm>>)
        tpu.yield
      }) : () -> ()
      "tpu.region"() ({
        %run_scoped3A = tpu.sem_alloc : memref<!tpu.dma_semaphore, #tpu.memory_space<semaphore_mem>>
        tpu.enqueue_dma source(%arg19 : memref<2048xf32, #tpu.memory_space<vmem>>) target(%arg9 : memref<2048xf32, #tpu.memory_space<hbm>>) target_semaphore(%run_scoped3A : memref<!tpu.dma_semaphore, #tpu.memory_space<semaphore_mem>>)
        tpu.wait_dma2 semaphore(%run_scoped3A : memref<!tpu.dma_semaphore, #tpu.memory_space<semaphore_mem>>) src(%arg19 : memref<2048xf32, #tpu.memory_space<vmem>>) dst(%arg9 : memref<2048xf32, #tpu.memory_space<hbm>>)
        tpu.yield
      }) : () -> ()
      "tpu.region"() ({
        %run_scoped3A = tpu.sem_alloc : memref<!tpu.dma_semaphore, #tpu.memory_space<semaphore_mem>>
        tpu.enqueue_dma source(%arg20 : memref<2048xf32, #tpu.memory_space<vmem>>) target(%arg10 : memref<2048xf32, #tpu.memory_space<hbm>>) target_semaphore(%run_scoped3A : memref<!tpu.dma_semaphore, #tpu.memory_space<semaphore_mem>>)
        tpu.wait_dma2 semaphore(%run_scoped3A : memref<!tpu.dma_semaphore, #tpu.memory_space<semaphore_mem>>) src(%arg20 : memref<2048xf32, #tpu.memory_space<vmem>>) dst(%arg10 : memref<2048xf32, #tpu.memory_space<hbm>>)
        tpu.yield
      }) : () -> ()
      "tpu.region"() ({
        %run_scoped3A = tpu.sem_alloc : memref<!tpu.dma_semaphore, #tpu.memory_space<semaphore_mem>>
        tpu.enqueue_dma source(%arg21 : memref<2048xf32, #tpu.memory_space<vmem>>) target(%arg11 : memref<2048xf32, #tpu.memory_space<hbm>>) target_semaphore(%run_scoped3A : memref<!tpu.dma_semaphore, #tpu.memory_space<semaphore_mem>>)
        tpu.wait_dma2 semaphore(%run_scoped3A : memref<!tpu.dma_semaphore, #tpu.memory_space<semaphore_mem>>) src(%arg21 : memref<2048xf32, #tpu.memory_space<vmem>>) dst(%arg11 : memref<2048xf32, #tpu.memory_space<hbm>>)
        tpu.yield
      }) : () -> ()
    } else {
    }
    return
  }
}

module attributes {stable_mosaic.version = 14 : i64} {
  func.func @_conv1_body(%arg0: i32, %arg1: memref<512x4608xf32, #tpu.memory_space<vmem>>, %arg2: memref<512x1xf32, #tpu.memory_space<vmem>>, %arg3: memref<4608x512xf32, #tpu.memory_space<vmem>>, %arg4: memref<512x512xf32, #tpu.memory_space<vmem>>) attributes {dimension_semantics = [#tpu.dimension_semantics<arbitrary>], iteration_bounds = array<i64: 5>, scalar_prefetch = 0 : i64, scratch_operands = 0 : i64, tpu.core_type = #tpu.core_type<tc>, window_params = [{pipeline_mode = #tpu.pipeline_mode<synchronous>, transform_indices = @transform_0, window_bounds = array<i64: 512, 4608>}, {pipeline_mode = #tpu.pipeline_mode<synchronous>, transform_indices = @transform_1, window_bounds = array<i64: 512, 1>}, {transform_indices = @transform_2, window_bounds = array<i64: 4608, 512>}, {transform_indices = @transform_3, window_bounds = array<i64: 512, 512>}]} {
    %get3A = arith.constant 0 : index
    %get3A_0 = arith.constant 0 : index
    %get3A_1 = vector.load %arg1[%get3A, %get3A_0] : memref<512x4608xf32, #tpu.memory_space<vmem>>, vector<512x4608xf32>
    %get3A_2 = arith.constant 0 : index
    %get3A_3 = arith.constant 0 : index
    %get3A_4 = vector.load %arg3[%get3A_2, %get3A_3] : memref<4608x512xf32, #tpu.memory_space<vmem>>, vector<4608x512xf32>
    %dot_general3A = arith.constant dense<0.000000e+00> : vector<512x512xf32>
    %dot_general3A_5 = tpu.matmul %get3A_1, %get3A_4, %dot_general3A {dimension_numbers = #tpu.dot_dimension_numbers<[1], [0], [0], [1], [0, 0, 1, 1], [], []>, transpose_lhs_hint = false} : vector<512x4608xf32>, vector<4608x512xf32>, vector<512x512xf32> -> vector<512x512xf32>
    %get3A_6 = arith.constant 0 : index
    %get3A_7 = arith.constant 0 : index
    %get3A_8 = vector.load %arg2[%get3A_6, %get3A_7] : memref<512x1xf32, #tpu.memory_space<vmem>>, vector<512x1xf32>
    %add3A = vector.broadcast %get3A_8 : vector<512x1xf32> to vector<512x512xf32>
    %add3A_9 = arith.addf %dot_general3A_5, %add3A : vector<512x512xf32>
    %max3A = arith.constant 0.000000e+00 : f32
    %max3A_10 = vector.broadcast %max3A : f32 to vector<512x512xf32>
    %max3A_11 = arith.maximumf %add3A_9, %max3A_10 : vector<512x512xf32>
    %swap3A = arith.constant 0 : index
    %swap3A_12 = arith.constant 0 : index
    %swap3A_13 = vector.load %arg4[%swap3A, %swap3A_12] : memref<512x512xf32, #tpu.memory_space<vmem>>, vector<512x512xf32>
    tpu.vector_store %arg4[%swap3A, %swap3A_12], %max3A_11 {strides = array<i32>} : memref<512x512xf32, #tpu.memory_space<vmem>>, vector<512x512xf32>,
    return
  }
  func.func @transform_0(%arg0: i32) -> (i32, i32) {
    %c0_i32 = arith.constant 0 : i32
    %c0_i32_0 = arith.constant 0 : i32
    %c0_i32_1 = arith.constant 0 : i32
    return %c0_i32, %c0_i32_0 : i32, i32
  }
  func.func @transform_1(%arg0: i32) -> (i32, i32) {
    %c0_i32 = arith.constant 0 : i32
    %c0_i32_0 = arith.constant 0 : i32
    %c0_i32_1 = arith.constant 0 : i32
    return %c0_i32, %c0_i32_0 : i32, i32
  }
  func.func @transform_2(%arg0: i32) -> (i32, i32) {
    %c0_i32 = arith.constant 0 : i32
    %c0_i32_0 = arith.constant 0 : i32
    return %c0_i32, %arg0 : i32, i32
  }
  func.func @transform_3(%arg0: i32) -> (i32, i32) {
    %c0_i32 = arith.constant 0 : i32
    %c0_i32_0 = arith.constant 0 : i32
    return %c0_i32, %arg0 : i32, i32
  }
}

module attributes {stable_mosaic.version = 14 : i64} {
  func.func @_decode_body(%arg0: i32, %arg1: memref<40x512xf32, #tpu.memory_space<vmem>>, %arg2: memref<40x1xf32, #tpu.memory_space<vmem>>, %arg3: memref<24x512xf32, #tpu.memory_space<vmem>>, %arg4: memref<24x1xf32, #tpu.memory_space<vmem>>, %arg5: memref<1x1xf32, #tpu.memory_space<vmem>>, %arg6: memref<512x512xf32, #tpu.memory_space<vmem>>, %arg7: memref<40x512xf32, #tpu.memory_space<vmem>>, %arg8: memref<24x512xf32, #tpu.memory_space<vmem>>, %arg9: memref<40x512xf32, #tpu.memory_space<vmem>>) attributes {dimension_semantics = [#tpu.dimension_semantics<arbitrary>], iteration_bounds = array<i64: 5>, scalar_prefetch = 0 : i64, scratch_operands = 0 : i64, tpu.core_type = #tpu.core_type<tc>, window_params = [{pipeline_mode = #tpu.pipeline_mode<synchronous>, transform_indices = @transform_0, window_bounds = array<i64: 40, 512>}, {pipeline_mode = #tpu.pipeline_mode<synchronous>, transform_indices = @transform_1, window_bounds = array<i64: 40, 1>}, {pipeline_mode = #tpu.pipeline_mode<synchronous>, transform_indices = @transform_2, window_bounds = array<i64: 24, 512>}, {pipeline_mode = #tpu.pipeline_mode<synchronous>, transform_indices = @transform_3, window_bounds = array<i64: 24, 1>}, {pipeline_mode = #tpu.pipeline_mode<synchronous>, transform_indices = @transform_4, window_bounds = array<i64: 1, 1>}, {transform_indices = @transform_5, window_bounds = array<i64: 512, 512>}, {transform_indices = @transform_6, window_bounds = array<i64: 40, 512>}, {transform_indices = @transform_7, window_bounds = array<i64: 24, 512>}, {transform_indices = @transform_8, window_bounds = array<i64: 40, 512>}]} {
    %get3A = arith.constant 0 : index
    %get3A_0 = arith.constant 0 : index
    %get3A_1 = vector.load %arg6[%get3A, %get3A_0] : memref<512x512xf32, #tpu.memory_space<vmem>>, vector<512x512xf32>
    %get3A_2 = arith.constant 0 : index
    %get3A_3 = arith.constant 0 : index
    %get3A_4 = vector.load %arg1[%get3A_2, %get3A_3] : memref<40x512xf32, #tpu.memory_space<vmem>>, vector<40x512xf32>
    %dot_general3A = arith.constant dense<0.000000e+00> : vector<40x512xf32>
    %dot_general3A_5 = tpu.matmul %get3A_4, %get3A_1, %dot_general3A {dimension_numbers = #tpu.dot_dimension_numbers<[1], [0], [0], [1], [0, 0, 1, 1], [], []>, transpose_lhs_hint = false} : vector<40x512xf32>, vector<512x512xf32>, vector<40x512xf32> -> vector<40x512xf32>
    %get3A_6 = arith.constant 0 : index
    %get3A_7 = arith.constant 0 : index
    %get3A_8 = vector.load %arg2[%get3A_6, %get3A_7] : memref<40x1xf32, #tpu.memory_space<vmem>>, vector<40x1xf32>
    %add3A = vector.broadcast %get3A_8 : vector<40x1xf32> to vector<40x512xf32>
    %add3A_9 = arith.addf %dot_general3A_5, %add3A : vector<40x512xf32>
    %get3A_10 = arith.constant 0 : index
    %get3A_11 = arith.constant 0 : index
    %get3A_12 = vector.load %arg3[%get3A_10, %get3A_11] : memref<24x512xf32, #tpu.memory_space<vmem>>, vector<24x512xf32>
    %dot_general3A_13 = arith.constant dense<0.000000e+00> : vector<24x512xf32>
    %dot_general3A_14 = tpu.matmul %get3A_12, %get3A_1, %dot_general3A_13 {dimension_numbers = #tpu.dot_dimension_numbers<[1], [0], [0], [1], [0, 0, 1, 1], [], []>, transpose_lhs_hint = false} : vector<24x512xf32>, vector<512x512xf32>, vector<24x512xf32> -> vector<24x512xf32>
    %get3A_15 = arith.constant 0 : index
    %get3A_16 = arith.constant 0 : index
    %get3A_17 = vector.load %arg4[%get3A_15, %get3A_16] : memref<24x1xf32, #tpu.memory_space<vmem>>, vector<24x1xf32>
    %add3A_18 = vector.broadcast %get3A_17 : vector<24x1xf32> to vector<24x512xf32>
    %add3A_19 = arith.addf %dot_general3A_14, %add3A_18 : vector<24x512xf32>
    %swap3A = arith.constant 0 : index
    %swap3A_20 = arith.constant 0 : index
    %swap3A_21 = vector.load %arg7[%swap3A, %swap3A_20] : memref<40x512xf32, #tpu.memory_space<vmem>>, vector<40x512xf32>
    tpu.vector_store %arg7[%swap3A, %swap3A_20], %add3A_9 {strides = array<i32>} : memref<40x512xf32, #tpu.memory_space<vmem>>, vector<40x512xf32>,
    %swap3A_22 = arith.constant 0 : index
    %swap3A_23 = arith.constant 0 : index
    %swap3A_24 = vector.load %arg8[%swap3A_22, %swap3A_23] : memref<24x512xf32, #tpu.memory_space<vmem>>, vector<24x512xf32>
    tpu.vector_store %arg8[%swap3A_22, %swap3A_23], %add3A_19 {strides = array<i32>} : memref<24x512xf32, #tpu.memory_space<vmem>>, vector<24x512xf32>,
    %get3A_25 = arith.constant 0 : index
    %get3A_26 = arith.constant 0 : index
    %get3A_27 = vector.load %arg5[%get3A_25, %get3A_26] : memref<1x1xf32, #tpu.memory_space<vmem>>, vector<1x1xf32>
    %get3A_28 = vector.extract %get3A_27[0, 0] : f32 from vector<1x1xf32>
    %mul3A = arith.constant 512 : i32
    %mul3A_29 = arith.muli %arg0, %mul3A : i32
    %iota3A = tpu.iota {dimensions = array<i32: 1>} : vector<1x512xi32>
    %add3A_30 = vector.broadcast %mul3A_29 : i32 to vector<1x512xi32>
    %add3A_31 = arith.addi %add3A_30, %iota3A : vector<1x512xi32>
    %jit3A = arith.constant 50 : i32
    %div3A = vector.broadcast %jit3A : i32 to vector<1x512xi32>
    %div3A_32 = arith.divsi %add3A_31, %div3A : vector<1x512xi32>
    %sign3A = arith.constant 0 : i32
    %sign3A_33 = vector.broadcast %sign3A : i32 to vector<1x512xi32>
    %sign3A_34 = arith.cmpi sgt, %add3A_31, %sign3A_33 : vector<1x512xi32>
    %sign3A_35 = arith.extui %sign3A_34 : vector<1x512xi1> to vector<1x512xi32>
    %sign3A_36 = arith.constant 0 : i32
    %sign3A_37 = vector.broadcast %sign3A_36 : i32 to vector<1x512xi32>
    %sign3A_38 = arith.cmpi slt, %add3A_31, %sign3A_37 : vector<1x512xi32>
    %sign3A_39 = arith.extui %sign3A_38 : vector<1x512xi1> to vector<1x512xi32>
    %sign3A_40 = arith.subi %sign3A_35, %sign3A_39 : vector<1x512xi32>
    %sign3A_41 = arith.constant 0 : i32
    %sign3A_42 = arith.cmpi sgt, %jit3A, %sign3A_41 : i32
    %sign3A_43 = arith.extui %sign3A_42 : i1 to i32
    %sign3A_44 = arith.constant 0 : i32
    %sign3A_45 = arith.cmpi slt, %jit3A, %sign3A_44 : i32
    %sign3A_46 = arith.extui %sign3A_45 : i1 to i32
    %sign3A_47 = arith.subi %sign3A_43, %sign3A_46 : i32
    %ne3A = vector.broadcast %sign3A_47 : i32 to vector<1x512xi32>
    %ne3A_48 = arith.cmpi ne, %sign3A_40, %ne3A : vector<1x512xi32>
    %rem3A = vector.broadcast %jit3A : i32 to vector<1x512xi32>
    %rem3A_49 = arith.remsi %add3A_31, %rem3A : vector<1x512xi32>
    %ne3A_50 = arith.constant 0 : i32
    %ne3A_51 = vector.broadcast %ne3A_50 : i32 to vector<1x512xi32>
    %ne3A_52 = arith.cmpi ne, %rem3A_49, %ne3A_51 : vector<1x512xi32>
    %and3A = arith.andi %ne3A_48, %ne3A_52 : vector<1x512xi1>
    %sub3A = arith.constant 1 : i32
    %sub3A_53 = vector.broadcast %sub3A : i32 to vector<1x512xi32>
    %sub3A_54 = arith.subi %div3A_32, %sub3A_53 : vector<1x512xi32>
    %select_n3A = arith.select %and3A, %sub3A_54, %div3A_32 : vector<1x512xi1>, vector<1x512xi32>
    %mul3A_55 = arith.constant 16 : i32
    %mul3A_56 = vector.broadcast %mul3A_55 : i32 to vector<1x512xi32>
    %mul3A_57 = arith.muli %select_n3A, %mul3A_56 : vector<1x512xi32>
    %convert_element_type3A = arith.sitofp %mul3A_57 : vector<1x512xi32> to vector<1x512xf32>
    %jit3A_58 = arith.constant 50 : i32
    %eq3A = arith.constant 0 : i32
    %eq3A_59 = arith.cmpi eq, %jit3A_58, %eq3A : i32
    %jit3A_60 = arith.constant 1 : i32
    %select_n3A_61 = arith.select %eq3A_59, %jit3A_60, %jit3A_58 : i32
    %rem3A_62 = vector.broadcast %select_n3A_61 : i32 to vector<1x512xi32>
    %rem3A_63 = arith.remsi %add3A_31, %rem3A_62 : vector<1x512xi32>
    %ne3A_64 = arith.constant 0 : i32
    %ne3A_65 = vector.broadcast %ne3A_64 : i32 to vector<1x512xi32>
    %ne3A_66 = arith.cmpi ne, %rem3A_63, %ne3A_65 : vector<1x512xi32>
    %lt3A = arith.constant 0 : i32
    %lt3A_67 = vector.broadcast %lt3A : i32 to vector<1x512xi32>
    %lt3A_68 = arith.cmpi slt, %rem3A_63, %lt3A_67 : vector<1x512xi32>
    %lt3A_69 = arith.constant 0 : i32
    %lt3A_70 = arith.cmpi slt, %select_n3A_61, %lt3A_69 : i32
    %ne3A_71 = vector.broadcast %lt3A_70 : i1 to vector<1x512xi1>
    %ne3A_72 = vector.broadcast %ne3A_71 : vector<1x512xi1> to vector<1x512xi1>
    %ne3A_73 = arith.xori %lt3A_68, %ne3A_72 : vector<1x512xi1>
    %and3A_74 = arith.andi %ne3A_73, %ne3A_66 : vector<1x512xi1>
    %add3A_75 = vector.broadcast %select_n3A_61 : i32 to vector<1x512xi32>
    %add3A_76 = arith.addi %rem3A_63, %add3A_75 : vector<1x512xi32>
    %select_n3A_77 = arith.select %and3A_74, %add3A_76, %rem3A_63 : vector<1x512xi1>, vector<1x512xi32>
    %mul3A_78 = arith.constant 16 : i32
    %mul3A_79 = vector.broadcast %mul3A_78 : i32 to vector<1x512xi32>
    %mul3A_80 = arith.muli %select_n3A_77, %mul3A_79 : vector<1x512xi32>
    %convert_element_type3A_81 = arith.sitofp %mul3A_80 : vector<1x512xi32> to vector<1x512xf32>
    %add3A_82 = arith.constant -37.2548332 : f32
    %add3A_83 = vector.broadcast %add3A_82 : f32 to vector<1x512xf32>
    %add3A_84 = arith.addf %convert_element_type3A, %add3A_83 : vector<1x512xf32>
    %add3A_85 = arith.constant -82.5096664 : f32
    %add3A_86 = vector.broadcast %add3A_85 : f32 to vector<1x512xf32>
    %add3A_87 = arith.addf %convert_element_type3A_81, %add3A_86 : vector<1x512xf32>
    %add3A_88 = arith.constant 53.2548332 : f32
    %add3A_89 = vector.broadcast %add3A_88 : f32 to vector<1x512xf32>
    %add3A_90 = arith.addf %convert_element_type3A, %add3A_89 : vector<1x512xf32>
    %add3A_91 = arith.constant 98.5096664 : f32
    %add3A_92 = vector.broadcast %add3A_91 : f32 to vector<1x512xf32>
    %add3A_93 = arith.addf %convert_element_type3A_81, %add3A_92 : vector<1x512xf32>
    %sub3A_94 = arith.subf %add3A_90, %add3A_84 : vector<1x512xf32>
    %sub3A_95 = arith.subf %add3A_93, %add3A_87 : vector<1x512xf32>
    %mul3A_96 = arith.constant 5.000000e-01 : f32
    %mul3A_97 = vector.broadcast %mul3A_96 : f32 to vector<1x512xf32>
    %mul3A_98 = arith.mulf %mul3A_97, %sub3A_94 : vector<1x512xf32>
    %add3A_99 = arith.addf %add3A_84, %mul3A_98 : vector<1x512xf32>
    %mul3A_100 = arith.constant 5.000000e-01 : f32
    %mul3A_101 = vector.broadcast %mul3A_100 : f32 to vector<1x512xf32>
    %mul3A_102 = arith.mulf %mul3A_101, %sub3A_95 : vector<1x512xf32>
    %add3A_103 = arith.addf %add3A_87, %mul3A_102 : vector<1x512xf32>
    %slice3A = vector.extract_strided_slice %add3A_9 {offsets = [0, 0], sizes = [1, 512], strides = [1, 1]} : vector<40x512xf32> to vector<1x512xf32>
    %slice3A_104 = vector.extract_strided_slice %add3A_9 {offsets = [1, 0], sizes = [1, 512], strides = [1, 1]} : vector<40x512xf32> to vector<1x512xf32>
    %slice3A_105 = vector.extract_strided_slice %add3A_9 {offsets = [2, 0], sizes = [1, 512], strides = [1, 1]} : vector<40x512xf32> to vector<1x512xf32>
    %slice3A_106 = vector.extract_strided_slice %add3A_9 {offsets = [3, 0], sizes = [1, 512], strides = [1, 1]} : vector<40x512xf32> to vector<1x512xf32>
    %mul3A_107 = arith.mulf %slice3A, %sub3A_94 : vector<1x512xf32>
    %add3A_108 = arith.addf %mul3A_107, %add3A_99 : vector<1x512xf32>
    %mul3A_109 = arith.mulf %slice3A_104, %sub3A_95 : vector<1x512xf32>
    %add3A_110 = arith.addf %mul3A_109, %add3A_103 : vector<1x512xf32>
    %exp3A = math.exp %slice3A_105 : vector<1x512xf32>
    %mul3A_111 = arith.mulf %exp3A, %sub3A_94 : vector<1x512xf32>
    %exp3A_112 = math.exp %slice3A_106 : vector<1x512xf32>
    %mul3A_113 = arith.mulf %exp3A_112, %sub3A_95 : vector<1x512xf32>
    %mul3A_114 = arith.constant 5.000000e-01 : f32
    %mul3A_115 = vector.broadcast %mul3A_114 : f32 to vector<1x512xf32>
    %mul3A_116 = arith.mulf %mul3A_115, %mul3A_111 : vector<1x512xf32>
    %sub3A_117 = arith.subf %add3A_108, %mul3A_116 : vector<1x512xf32>
    %mul3A_118 = arith.constant 5.000000e-01 : f32
    %mul3A_119 = vector.broadcast %mul3A_118 : f32 to vector<1x512xf32>
    %mul3A_120 = arith.mulf %mul3A_119, %mul3A_113 : vector<1x512xf32>
    %sub3A_121 = arith.subf %add3A_110, %mul3A_120 : vector<1x512xf32>
    %mul3A_122 = arith.constant 5.000000e-01 : f32
    %mul3A_123 = vector.broadcast %mul3A_122 : f32 to vector<1x512xf32>
    %mul3A_124 = arith.mulf %mul3A_123, %mul3A_111 : vector<1x512xf32>
    %add3A_125 = arith.addf %add3A_108, %mul3A_124 : vector<1x512xf32>
    %mul3A_126 = arith.constant 5.000000e-01 : f32
    %mul3A_127 = vector.broadcast %mul3A_126 : f32 to vector<1x512xf32>
    %mul3A_128 = arith.mulf %mul3A_127, %mul3A_113 : vector<1x512xf32>
    %add3A_129 = arith.addf %add3A_110, %mul3A_128 : vector<1x512xf32>
    %concatenate3A = tpu.concatenate %sub3A_117, %sub3A_121, %add3A_125, %add3A_129 in 0 : vector<1x512xf32>, vector<1x512xf32>, vector<1x512xf32>, vector<1x512xf32> -> vector<4x512xf32>
    %max3A = arith.constant 0.000000e+00 : f32
    %max3A_130 = vector.broadcast %max3A : f32 to vector<4x512xf32>
    %max3A_131 = arith.maximumf %concatenate3A, %max3A_130 : vector<4x512xf32>
    %min3A = vector.broadcast %get3A_28 : f32 to vector<4x512xf32>
    %min3A_132 = arith.minimumf %max3A_131, %min3A : vector<4x512xf32>
    %swap3A_133 = arith.constant 0 : index
    %swap3A_134 = arith.constant 0 : index
    %swap3A_135 = vector.load %arg9[%swap3A_133, %swap3A_134] : memref<40x512xf32, #tpu.memory_space<vmem>>, vector<4x512xf32>
    tpu.vector_store %arg9[%swap3A_133, %swap3A_134], %min3A_132 {strides = array<i32>} : memref<40x512xf32, #tpu.memory_space<vmem>>, vector<4x512xf32>,
    %add3A_136 = arith.constant -82.5096664 : f32
    %add3A_137 = vector.broadcast %add3A_136 : f32 to vector<1x512xf32>
    %add3A_138 = arith.addf %convert_element_type3A, %add3A_137 : vector<1x512xf32>
    %add3A_139 = arith.constant -173.019333 : f32
    %add3A_140 = vector.broadcast %add3A_139 : f32 to vector<1x512xf32>
    %add3A_141 = arith.addf %convert_element_type3A_81, %add3A_140 : vector<1x512xf32>
    %add3A_142 = arith.constant 98.5096664 : f32
    %add3A_143 = vector.broadcast %add3A_142 : f32 to vector<1x512xf32>
    %add3A_144 = arith.addf %convert_element_type3A, %add3A_143 : vector<1x512xf32>
    %add3A_145 = arith.constant 189.019333 : f32
    %add3A_146 = vector.broadcast %add3A_145 : f32 to vector<1x512xf32>
    %add3A_147 = arith.addf %convert_element_type3A_81, %add3A_146 : vector<1x512xf32>
    %sub3A_148 = arith.subf %add3A_144, %add3A_138 : vector<1x512xf32>
    %sub3A_149 = arith.subf %add3A_147, %add3A_141 : vector<1x512xf32>
    %mul3A_150 = arith.constant 5.000000e-01 : f32
    %mul3A_151 = vector.broadcast %mul3A_150 : f32 to vector<1x512xf32>
    %mul3A_152 = arith.mulf %mul3A_151, %sub3A_148 : vector<1x512xf32>
    %add3A_153 = arith.addf %add3A_138, %mul3A_152 : vector<1x512xf32>
    %mul3A_154 = arith.constant 5.000000e-01 : f32
    %mul3A_155 = vector.broadcast %mul3A_154 : f32 to vector<1x512xf32>
    %mul3A_156 = arith.mulf %mul3A_155, %sub3A_149 : vector<1x512xf32>
    %add3A_157 = arith.addf %add3A_141, %mul3A_156 : vector<1x512xf32>
    %slice3A_158 = vector.extract_strided_slice %add3A_9 {offsets = [4, 0], sizes = [1, 512], strides = [1, 1]} : vector<40x512xf32> to vector<1x512xf32>
    %slice3A_159 = vector.extract_strided_slice %add3A_9 {offsets = [5, 0], sizes = [1, 512], strides = [1, 1]} : vector<40x512xf32> to vector<1x512xf32>
    %slice3A_160 = vector.extract_strided_slice %add3A_9 {offsets = [6, 0], sizes = [1, 512], strides = [1, 1]} : vector<40x512xf32> to vector<1x512xf32>
    %slice3A_161 = vector.extract_strided_slice %add3A_9 {offsets = [7, 0], sizes = [1, 512], strides = [1, 1]} : vector<40x512xf32> to vector<1x512xf32>
    %mul3A_162 = arith.mulf %slice3A_158, %sub3A_148 : vector<1x512xf32>
    %add3A_163 = arith.addf %mul3A_162, %add3A_153 : vector<1x512xf32>
    %mul3A_164 = arith.mulf %slice3A_159, %sub3A_149 : vector<1x512xf32>
    %add3A_165 = arith.addf %mul3A_164, %add3A_157 : vector<1x512xf32>
    %exp3A_166 = math.exp %slice3A_160 : vector<1x512xf32>
    %mul3A_167 = arith.mulf %exp3A_166, %sub3A_148 : vector<1x512xf32>
    %exp3A_168 = math.exp %slice3A_161 : vector<1x512xf32>
    %mul3A_169 = arith.mulf %exp3A_168, %sub3A_149 : vector<1x512xf32>
    %mul3A_170 = arith.constant 5.000000e-01 : f32
    %mul3A_171 = vector.broadcast %mul3A_170 : f32 to vector<1x512xf32>
    %mul3A_172 = arith.mulf %mul3A_171, %mul3A_167 : vector<1x512xf32>
    %sub3A_173 = arith.subf %add3A_163, %mul3A_172 : vector<1x512xf32>
    %mul3A_174 = arith.constant 5.000000e-01 : f32
    %mul3A_175 = vector.broadcast %mul3A_174 : f32 to vector<1x512xf32>
    %mul3A_176 = arith.mulf %mul3A_175, %mul3A_169 : vector<1x512xf32>
    %sub3A_177 = arith.subf %add3A_165, %mul3A_176 : vector<1x512xf32>
    %mul3A_178 = arith.constant 5.000000e-01 : f32
    %mul3A_179 = vector.broadcast %mul3A_178 : f32 to vector<1x512xf32>
    %mul3A_180 = arith.mulf %mul3A_179, %mul3A_167 : vector<1x512xf32>
    %add3A_181 = arith.addf %add3A_163, %mul3A_180 : vector<1x512xf32>
    %mul3A_182 = arith.constant 5.000000e-01 : f32
    %mul3A_183 = vector.broadcast %mul3A_182 : f32 to vector<1x512xf32>
    %mul3A_184 = arith.mulf %mul3A_183, %mul3A_169 : vector<1x512xf32>
    %add3A_185 = arith.addf %add3A_165, %mul3A_184 : vector<1x512xf32>
    %concatenate3A_186 = tpu.concatenate %sub3A_173, %sub3A_177, %add3A_181, %add3A_185 in 0 : vector<1x512xf32>, vector<1x512xf32>, vector<1x512xf32>, vector<1x512xf32> -> vector<4x512xf32>
    %max3A_187 = arith.constant 0.000000e+00 : f32
    %max3A_188 = vector.broadcast %max3A_187 : f32 to vector<4x512xf32>
    %max3A_189 = arith.maximumf %concatenate3A_186, %max3A_188 : vector<4x512xf32>
    %min3A_190 = vector.broadcast %get3A_28 : f32 to vector<4x512xf32>
    %min3A_191 = arith.minimumf %max3A_189, %min3A_190 : vector<4x512xf32>
    %swap3A_192 = arith.constant 4 : index
    %swap3A_193 = arith.constant 0 : index
    %swap3A_194 = vector.load %arg9[%swap3A_192, %swap3A_193] : memref<40x512xf32, #tpu.memory_space<vmem>>, vector<4x512xf32>
    tpu.vector_store %arg9[%swap3A_192, %swap3A_193], %min3A_191 {strides = array<i32>} : memref<40x512xf32, #tpu.memory_space<vmem>>, vector<4x512xf32>,
    %add3A_195 = arith.constant -173.019333 : f32
    %add3A_196 = vector.broadcast %add3A_195 : f32 to vector<1x512xf32>
    %add3A_197 = arith.addf %convert_element_type3A, %add3A_196 : vector<1x512xf32>
    %add3A_198 = arith.constant -354.038666 : f32
    %add3A_199 = vector.broadcast %add3A_198 : f32 to vector<1x512xf32>
    %add3A_200 = arith.addf %convert_element_type3A_81, %add3A_199 : vector<1x512xf32>
    %add3A_201 = arith.constant 189.019333 : f32
    %add3A_202 = vector.broadcast %add3A_201 : f32 to vector<1x512xf32>
    %add3A_203 = arith.addf %convert_element_type3A, %add3A_202 : vector<1x512xf32>
    %add3A_204 = arith.constant 370.038666 : f32
    %add3A_205 = vector.broadcast %add3A_204 : f32 to vector<1x512xf32>
    %add3A_206 = arith.addf %convert_element_type3A_81, %add3A_205 : vector<1x512xf32>
    %sub3A_207 = arith.subf %add3A_203, %add3A_197 : vector<1x512xf32>
    %sub3A_208 = arith.subf %add3A_206, %add3A_200 : vector<1x512xf32>
    %mul3A_209 = arith.constant 5.000000e-01 : f32
    %mul3A_210 = vector.broadcast %mul3A_209 : f32 to vector<1x512xf32>
    %mul3A_211 = arith.mulf %mul3A_210, %sub3A_207 : vector<1x512xf32>
    %add3A_212 = arith.addf %add3A_197, %mul3A_211 : vector<1x512xf32>
    %mul3A_213 = arith.constant 5.000000e-01 : f32
    %mul3A_214 = vector.broadcast %mul3A_213 : f32 to vector<1x512xf32>
    %mul3A_215 = arith.mulf %mul3A_214, %sub3A_208 : vector<1x512xf32>
    %add3A_216 = arith.addf %add3A_200, %mul3A_215 : vector<1x512xf32>
    %slice3A_217 = vector.extract_strided_slice %add3A_9 {offsets = [8, 0], sizes = [1, 512], strides = [1, 1]} : vector<40x512xf32> to vector<1x512xf32>
    %slice3A_218 = vector.extract_strided_slice %add3A_9 {offsets = [9, 0], sizes = [1, 512], strides = [1, 1]} : vector<40x512xf32> to vector<1x512xf32>
    %slice3A_219 = vector.extract_strided_slice %add3A_9 {offsets = [10, 0], sizes = [1, 512], strides = [1, 1]} : vector<40x512xf32> to vector<1x512xf32>
    %slice3A_220 = vector.extract_strided_slice %add3A_9 {offsets = [11, 0], sizes = [1, 512], strides = [1, 1]} : vector<40x512xf32> to vector<1x512xf32>
    %mul3A_221 = arith.mulf %slice3A_217, %sub3A_207 : vector<1x512xf32>
    %add3A_222 = arith.addf %mul3A_221, %add3A_212 : vector<1x512xf32>
    %mul3A_223 = arith.mulf %slice3A_218, %sub3A_208 : vector<1x512xf32>
    %add3A_224 = arith.addf %mul3A_223, %add3A_216 : vector<1x512xf32>
    %exp3A_225 = math.exp %slice3A_219 : vector<1x512xf32>
    %mul3A_226 = arith.mulf %exp3A_225, %sub3A_207 : vector<1x512xf32>
    %exp3A_227 = math.exp %slice3A_220 : vector<1x512xf32>
    %mul3A_228 = arith.mulf %exp3A_227, %sub3A_208 : vector<1x512xf32>
    %mul3A_229 = arith.constant 5.000000e-01 : f32
    %mul3A_230 = vector.broadcast %mul3A_229 : f32 to vector<1x512xf32>
    %mul3A_231 = arith.mulf %mul3A_230, %mul3A_226 : vector<1x512xf32>
    %sub3A_232 = arith.subf %add3A_222, %mul3A_231 : vector<1x512xf32>
    %mul3A_233 = arith.constant 5.000000e-01 : f32
    %mul3A_234 = vector.broadcast %mul3A_233 : f32 to vector<1x512xf32>
    %mul3A_235 = arith.mulf %mul3A_234, %mul3A_228 : vector<1x512xf32>
    %sub3A_236 = arith.subf %add3A_224, %mul3A_235 : vector<1x512xf32>
    %mul3A_237 = arith.constant 5.000000e-01 : f32
    %mul3A_238 = vector.broadcast %mul3A_237 : f32 to vector<1x512xf32>
    %mul3A_239 = arith.mulf %mul3A_238, %mul3A_226 : vector<1x512xf32>
    %add3A_240 = arith.addf %add3A_222, %mul3A_239 : vector<1x512xf32>
    %mul3A_241 = arith.constant 5.000000e-01 : f32
    %mul3A_242 = vector.broadcast %mul3A_241 : f32 to vector<1x512xf32>
    %mul3A_243 = arith.mulf %mul3A_242, %mul3A_228 : vector<1x512xf32>
    %add3A_244 = arith.addf %add3A_224, %mul3A_243 : vector<1x512xf32>
    %concatenate3A_245 = tpu.concatenate %sub3A_232, %sub3A_236, %add3A_240, %add3A_244 in 0 : vector<1x512xf32>, vector<1x512xf32>, vector<1x512xf32>, vector<1x512xf32> -> vector<4x512xf32>
    %max3A_246 = arith.constant 0.000000e+00 : f32
    %max3A_247 = vector.broadcast %max3A_246 : f32 to vector<4x512xf32>
    %max3A_248 = arith.maximumf %concatenate3A_245, %max3A_247 : vector<4x512xf32>
    %min3A_249 = vector.broadcast %get3A_28 : f32 to vector<4x512xf32>
    %min3A_250 = arith.minimumf %max3A_248, %min3A_249 : vector<4x512xf32>
    %swap3A_251 = arith.constant 8 : index
    %swap3A_252 = arith.constant 0 : index
    %swap3A_253 = vector.load %arg9[%swap3A_251, %swap3A_252] : memref<40x512xf32, #tpu.memory_space<vmem>>, vector<4x512xf32>
    tpu.vector_store %arg9[%swap3A_251, %swap3A_252], %min3A_250 {strides = array<i32>} : memref<40x512xf32, #tpu.memory_space<vmem>>, vector<4x512xf32>,
    %add3A_254 = arith.constant -5.600000e+01 : f32
    %add3A_255 = vector.broadcast %add3A_254 : f32 to vector<1x512xf32>
    %add3A_256 = arith.addf %convert_element_type3A, %add3A_255 : vector<1x512xf32>
    %add3A_257 = arith.constant -5.600000e+01 : f32
    %add3A_258 = vector.broadcast %add3A_257 : f32 to vector<1x512xf32>
    %add3A_259 = arith.addf %convert_element_type3A_81, %add3A_258 : vector<1x512xf32>
    %add3A_260 = arith.constant 7.200000e+01 : f32
    %add3A_261 = vector.broadcast %add3A_260 : f32 to vector<1x512xf32>
    %add3A_262 = arith.addf %convert_element_type3A, %add3A_261 : vector<1x512xf32>
    %add3A_263 = arith.constant 7.200000e+01 : f32
    %add3A_264 = vector.broadcast %add3A_263 : f32 to vector<1x512xf32>
    %add3A_265 = arith.addf %convert_element_type3A_81, %add3A_264 : vector<1x512xf32>
    %sub3A_266 = arith.subf %add3A_262, %add3A_256 : vector<1x512xf32>
    %sub3A_267 = arith.subf %add3A_265, %add3A_259 : vector<1x512xf32>
    %mul3A_268 = arith.constant 5.000000e-01 : f32
    %mul3A_269 = vector.broadcast %mul3A_268 : f32 to vector<1x512xf32>
    %mul3A_270 = arith.mulf %mul3A_269, %sub3A_266 : vector<1x512xf32>
    %add3A_271 = arith.addf %add3A_256, %mul3A_270 : vector<1x512xf32>
    %mul3A_272 = arith.constant 5.000000e-01 : f32
    %mul3A_273 = vector.broadcast %mul3A_272 : f32 to vector<1x512xf32>
    %mul3A_274 = arith.mulf %mul3A_273, %sub3A_267 : vector<1x512xf32>
    %add3A_275 = arith.addf %add3A_259, %mul3A_274 : vector<1x512xf32>
    %slice3A_276 = vector.extract_strided_slice %add3A_9 {offsets = [12, 0], sizes = [1, 512], strides = [1, 1]} : vector<40x512xf32> to vector<1x512xf32>
    %slice3A_277 = vector.extract_strided_slice %add3A_9 {offsets = [13, 0], sizes = [1, 512], strides = [1, 1]} : vector<40x512xf32> to vector<1x512xf32>
    %slice3A_278 = vector.extract_strided_slice %add3A_9 {offsets = [14, 0], sizes = [1, 512], strides = [1, 1]} : vector<40x512xf32> to vector<1x512xf32>
    %slice3A_279 = vector.extract_strided_slice %add3A_9 {offsets = [15, 0], sizes = [1, 512], strides = [1, 1]} : vector<40x512xf32> to vector<1x512xf32>
    %mul3A_280 = arith.mulf %slice3A_276, %sub3A_266 : vector<1x512xf32>
    %add3A_281 = arith.addf %mul3A_280, %add3A_271 : vector<1x512xf32>
    %mul3A_282 = arith.mulf %slice3A_277, %sub3A_267 : vector<1x512xf32>
    %add3A_283 = arith.addf %mul3A_282, %add3A_275 : vector<1x512xf32>
    %exp3A_284 = math.exp %slice3A_278 : vector<1x512xf32>
    %mul3A_285 = arith.mulf %exp3A_284, %sub3A_266 : vector<1x512xf32>
    %exp3A_286 = math.exp %slice3A_279 : vector<1x512xf32>
    %mul3A_287 = arith.mulf %exp3A_286, %sub3A_267 : vector<1x512xf32>
    %mul3A_288 = arith.constant 5.000000e-01 : f32
    %mul3A_289 = vector.broadcast %mul3A_288 : f32 to vector<1x512xf32>
    %mul3A_290 = arith.mulf %mul3A_289, %mul3A_285 : vector<1x512xf32>
    %sub3A_291 = arith.subf %add3A_281, %mul3A_290 : vector<1x512xf32>
    %mul3A_292 = arith.constant 5.000000e-01 : f32
    %mul3A_293 = vector.broadcast %mul3A_292 : f32 to vector<1x512xf32>
    %mul3A_294 = arith.mulf %mul3A_293, %mul3A_287 : vector<1x512xf32>
    %sub3A_295 = arith.subf %add3A_283, %mul3A_294 : vector<1x512xf32>
    %mul3A_296 = arith.constant 5.000000e-01 : f32
    %mul3A_297 = vector.broadcast %mul3A_296 : f32 to vector<1x512xf32>
    %mul3A_298 = arith.mulf %mul3A_297, %mul3A_285 : vector<1x512xf32>
    %add3A_299 = arith.addf %add3A_281, %mul3A_298 : vector<1x512xf32>
    %mul3A_300 = arith.constant 5.000000e-01 : f32
    %mul3A_301 = vector.broadcast %mul3A_300 : f32 to vector<1x512xf32>
    %mul3A_302 = arith.mulf %mul3A_301, %mul3A_287 : vector<1x512xf32>
    %add3A_303 = arith.addf %add3A_283, %mul3A_302 : vector<1x512xf32>
    %concatenate3A_304 = tpu.concatenate %sub3A_291, %sub3A_295, %add3A_299, %add3A_303 in 0 : vector<1x512xf32>, vector<1x512xf32>, vector<1x512xf32>, vector<1x512xf32> -> vector<4x512xf32>
    %max3A_305 = arith.constant 0.000000e+00 : f32
    %max3A_306 = vector.broadcast %max3A_305 : f32 to vector<4x512xf32>
    %max3A_307 = arith.maximumf %concatenate3A_304, %max3A_306 : vector<4x512xf32>
    %min3A_308 = vector.broadcast %get3A_28 : f32 to vector<4x512xf32>
    %min3A_309 = arith.minimumf %max3A_307, %min3A_308 : vector<4x512xf32>
    %swap3A_310 = arith.constant 12 : index
    %swap3A_311 = arith.constant 0 : index
    %swap3A_312 = vector.load %arg9[%swap3A_310, %swap3A_311] : memref<40x512xf32, #tpu.memory_space<vmem>>, vector<4x512xf32>
    tpu.vector_store %arg9[%swap3A_310, %swap3A_311], %min3A_309 {strides = array<i32>} : memref<40x512xf32, #tpu.memory_space<vmem>>, vector<4x512xf32>,
    %add3A_313 = arith.constant -1.200000e+02 : f32
    %add3A_314 = vector.broadcast %add3A_313 : f32 to vector<1x512xf32>
    %add3A_315 = arith.addf %convert_element_type3A, %add3A_314 : vector<1x512xf32>
    %add3A_316 = arith.constant -1.200000e+02 : f32
    %add3A_317 = vector.broadcast %add3A_316 : f32 to vector<1x512xf32>
    %add3A_318 = arith.addf %convert_element_type3A_81, %add3A_317 : vector<1x512xf32>
    %add3A_319 = arith.constant 1.360000e+02 : f32
    %add3A_320 = vector.broadcast %add3A_319 : f32 to vector<1x512xf32>
    %add3A_321 = arith.addf %convert_element_type3A, %add3A_320 : vector<1x512xf32>
    %add3A_322 = arith.constant 1.360000e+02 : f32
    %add3A_323 = vector.broadcast %add3A_322 : f32 to vector<1x512xf32>
    %add3A_324 = arith.addf %convert_element_type3A_81, %add3A_323 : vector<1x512xf32>
    %sub3A_325 = arith.subf %add3A_321, %add3A_315 : vector<1x512xf32>
    %sub3A_326 = arith.subf %add3A_324, %add3A_318 : vector<1x512xf32>
    %mul3A_327 = arith.constant 5.000000e-01 : f32
    %mul3A_328 = vector.broadcast %mul3A_327 : f32 to vector<1x512xf32>
    %mul3A_329 = arith.mulf %mul3A_328, %sub3A_325 : vector<1x512xf32>
    %add3A_330 = arith.addf %add3A_315, %mul3A_329 : vector<1x512xf32>
    %mul3A_331 = arith.constant 5.000000e-01 : f32
    %mul3A_332 = vector.broadcast %mul3A_331 : f32 to vector<1x512xf32>
    %mul3A_333 = arith.mulf %mul3A_332, %sub3A_326 : vector<1x512xf32>
    %add3A_334 = arith.addf %add3A_318, %mul3A_333 : vector<1x512xf32>
    %slice3A_335 = vector.extract_strided_slice %add3A_9 {offsets = [16, 0], sizes = [1, 512], strides = [1, 1]} : vector<40x512xf32> to vector<1x512xf32>
    %slice3A_336 = vector.extract_strided_slice %add3A_9 {offsets = [17, 0], sizes = [1, 512], strides = [1, 1]} : vector<40x512xf32> to vector<1x512xf32>
    %slice3A_337 = vector.extract_strided_slice %add3A_9 {offsets = [18, 0], sizes = [1, 512], strides = [1, 1]} : vector<40x512xf32> to vector<1x512xf32>
    %slice3A_338 = vector.extract_strided_slice %add3A_9 {offsets = [19, 0], sizes = [1, 512], strides = [1, 1]} : vector<40x512xf32> to vector<1x512xf32>
    %mul3A_339 = arith.mulf %slice3A_335, %sub3A_325 : vector<1x512xf32>
    %add3A_340 = arith.addf %mul3A_339, %add3A_330 : vector<1x512xf32>
    %mul3A_341 = arith.mulf %slice3A_336, %sub3A_326 : vector<1x512xf32>
    %add3A_342 = arith.addf %mul3A_341, %add3A_334 : vector<1x512xf32>
    %exp3A_343 = math.exp %slice3A_337 : vector<1x512xf32>
    %mul3A_344 = arith.mulf %exp3A_343, %sub3A_325 : vector<1x512xf32>
    %exp3A_345 = math.exp %slice3A_338 : vector<1x512xf32>
    %mul3A_346 = arith.mulf %exp3A_345, %sub3A_326 : vector<1x512xf32>
    %mul3A_347 = arith.constant 5.000000e-01 : f32
    %mul3A_348 = vector.broadcast %mul3A_347 : f32 to vector<1x512xf32>
    %mul3A_349 = arith.mulf %mul3A_348, %mul3A_344 : vector<1x512xf32>
    %sub3A_350 = arith.subf %add3A_340, %mul3A_349 : vector<1x512xf32>
    %mul3A_351 = arith.constant 5.000000e-01 : f32
    %mul3A_352 = vector.broadcast %mul3A_351 : f32 to vector<1x512xf32>
    %mul3A_353 = arith.mulf %mul3A_352, %mul3A_346 : vector<1x512xf32>
    %sub3A_354 = arith.subf %add3A_342, %mul3A_353 : vector<1x512xf32>
    %mul3A_355 = arith.constant 5.000000e-01 : f32
    %mul3A_356 = vector.broadcast %mul3A_355 : f32 to vector<1x512xf32>
    %mul3A_357 = arith.mulf %mul3A_356, %mul3A_344 : vector<1x512xf32>
    %add3A_358 = arith.addf %add3A_340, %mul3A_357 : vector<1x512xf32>
    %mul3A_359 = arith.constant 5.000000e-01 : f32
    %mul3A_360 = vector.broadcast %mul3A_359 : f32 to vector<1x512xf32>
    %mul3A_361 = arith.mulf %mul3A_360, %mul3A_346 : vector<1x512xf32>
    %add3A_362 = arith.addf %add3A_342, %mul3A_361 : vector<1x512xf32>
    %concatenate3A_363 = tpu.concatenate %sub3A_350, %sub3A_354, %add3A_358, %add3A_362 in 0 : vector<1x512xf32>, vector<1x512xf32>, vector<1x512xf32>, vector<1x512xf32> -> vector<4x512xf32>
    %max3A_364 = arith.constant 0.000000e+00 : f32
    %max3A_365 = vector.broadcast %max3A_364 : f32 to vector<4x512xf32>
    %max3A_366 = arith.maximumf %concatenate3A_363, %max3A_365 : vector<4x512xf32>
    %min3A_367 = vector.broadcast %get3A_28 : f32 to vector<4x512xf32>
    %min3A_368 = arith.minimumf %max3A_366, %min3A_367 : vector<4x512xf32>
    %swap3A_369 = arith.constant 16 : index
    %swap3A_370 = arith.constant 0 : index
    %swap3A_371 = vector.load %arg9[%swap3A_369, %swap3A_370] : memref<40x512xf32, #tpu.memory_space<vmem>>, vector<4x512xf32>
    tpu.vector_store %arg9[%swap3A_369, %swap3A_370], %min3A_368 {strides = array<i32>} : memref<40x512xf32, #tpu.memory_space<vmem>>, vector<4x512xf32>,
    %add3A_372 = arith.constant -2.480000e+02 : f32
    %add3A_373 = vector.broadcast %add3A_372 : f32 to vector<1x512xf32>
    %add3A_374 = arith.addf %convert_element_type3A, %add3A_373 : vector<1x512xf32>
    %add3A_375 = arith.constant -2.480000e+02 : f32
    %add3A_376 = vector.broadcast %add3A_375 : f32 to vector<1x512xf32>
    %add3A_377 = arith.addf %convert_element_type3A_81, %add3A_376 : vector<1x512xf32>
    %add3A_378 = arith.constant 2.640000e+02 : f32
    %add3A_379 = vector.broadcast %add3A_378 : f32 to vector<1x512xf32>
    %add3A_380 = arith.addf %convert_element_type3A, %add3A_379 : vector<1x512xf32>
    %add3A_381 = arith.constant 2.640000e+02 : f32
    %add3A_382 = vector.broadcast %add3A_381 : f32 to vector<1x512xf32>
    %add3A_383 = arith.addf %convert_element_type3A_81, %add3A_382 : vector<1x512xf32>
    %sub3A_384 = arith.subf %add3A_380, %add3A_374 : vector<1x512xf32>
    %sub3A_385 = arith.subf %add3A_383, %add3A_377 : vector<1x512xf32>
    %mul3A_386 = arith.constant 5.000000e-01 : f32
    %mul3A_387 = vector.broadcast %mul3A_386 : f32 to vector<1x512xf32>
    %mul3A_388 = arith.mulf %mul3A_387, %sub3A_384 : vector<1x512xf32>
    %add3A_389 = arith.addf %add3A_374, %mul3A_388 : vector<1x512xf32>
    %mul3A_390 = arith.constant 5.000000e-01 : f32
    %mul3A_391 = vector.broadcast %mul3A_390 : f32 to vector<1x512xf32>
    %mul3A_392 = arith.mulf %mul3A_391, %sub3A_385 : vector<1x512xf32>
    %add3A_393 = arith.addf %add3A_377, %mul3A_392 : vector<1x512xf32>
    %slice3A_394 = vector.extract_strided_slice %add3A_9 {offsets = [20, 0], sizes = [1, 512], strides = [1, 1]} : vector<40x512xf32> to vector<1x512xf32>
    %slice3A_395 = vector.extract_strided_slice %add3A_9 {offsets = [21, 0], sizes = [1, 512], strides = [1, 1]} : vector<40x512xf32> to vector<1x512xf32>
    %slice3A_396 = vector.extract_strided_slice %add3A_9 {offsets = [22, 0], sizes = [1, 512], strides = [1, 1]} : vector<40x512xf32> to vector<1x512xf32>
    %slice3A_397 = vector.extract_strided_slice %add3A_9 {offsets = [23, 0], sizes = [1, 512], strides = [1, 1]} : vector<40x512xf32> to vector<1x512xf32>
    %mul3A_398 = arith.mulf %slice3A_394, %sub3A_384 : vector<1x512xf32>
    %add3A_399 = arith.addf %mul3A_398, %add3A_389 : vector<1x512xf32>
    %mul3A_400 = arith.mulf %slice3A_395, %sub3A_385 : vector<1x512xf32>
    %add3A_401 = arith.addf %mul3A_400, %add3A_393 : vector<1x512xf32>
    %exp3A_402 = math.exp %slice3A_396 : vector<1x512xf32>
    %mul3A_403 = arith.mulf %exp3A_402, %sub3A_384 : vector<1x512xf32>
    %exp3A_404 = math.exp %slice3A_397 : vector<1x512xf32>
    %mul3A_405 = arith.mulf %exp3A_404, %sub3A_385 : vector<1x512xf32>
    %mul3A_406 = arith.constant 5.000000e-01 : f32
    %mul3A_407 = vector.broadcast %mul3A_406 : f32 to vector<1x512xf32>
    %mul3A_408 = arith.mulf %mul3A_407, %mul3A_403 : vector<1x512xf32>
    %sub3A_409 = arith.subf %add3A_399, %mul3A_408 : vector<1x512xf32>
    %mul3A_410 = arith.constant 5.000000e-01 : f32
    %mul3A_411 = vector.broadcast %mul3A_410 : f32 to vector<1x512xf32>
    %mul3A_412 = arith.mulf %mul3A_411, %mul3A_405 : vector<1x512xf32>
    %sub3A_413 = arith.subf %add3A_401, %mul3A_412 : vector<1x512xf32>
    %mul3A_414 = arith.constant 5.000000e-01 : f32
    %mul3A_415 = vector.broadcast %mul3A_414 : f32 to vector<1x512xf32>
    %mul3A_416 = arith.mulf %mul3A_415, %mul3A_403 : vector<1x512xf32>
    %add3A_417 = arith.addf %add3A_399, %mul3A_416 : vector<1x512xf32>
    %mul3A_418 = arith.constant 5.000000e-01 : f32
    %mul3A_419 = vector.broadcast %mul3A_418 : f32 to vector<1x512xf32>
    %mul3A_420 = arith.mulf %mul3A_419, %mul3A_405 : vector<1x512xf32>
    %add3A_421 = arith.addf %add3A_401, %mul3A_420 : vector<1x512xf32>
    %concatenate3A_422 = tpu.concatenate %sub3A_409, %sub3A_413, %add3A_417, %add3A_421 in 0 : vector<1x512xf32>, vector<1x512xf32>, vector<1x512xf32>, vector<1x512xf32> -> vector<4x512xf32>
    %max3A_423 = arith.constant 0.000000e+00 : f32
    %max3A_424 = vector.broadcast %max3A_423 : f32 to vector<4x512xf32>
    %max3A_425 = arith.maximumf %concatenate3A_422, %max3A_424 : vector<4x512xf32>
    %min3A_426 = vector.broadcast %get3A_28 : f32 to vector<4x512xf32>
    %min3A_427 = arith.minimumf %max3A_425, %min3A_426 : vector<4x512xf32>
    %swap3A_428 = arith.constant 20 : index
    %swap3A_429 = arith.constant 0 : index
    %swap3A_430 = vector.load %arg9[%swap3A_428, %swap3A_429] : memref<40x512xf32, #tpu.memory_space<vmem>>, vector<4x512xf32>
    tpu.vector_store %arg9[%swap3A_428, %swap3A_429], %min3A_427 {strides = array<i32>} : memref<40x512xf32, #tpu.memory_space<vmem>>, vector<4x512xf32>,
    %add3A_431 = arith.constant -82.5096664 : f32
    %add3A_432 = vector.broadcast %add3A_431 : f32 to vector<1x512xf32>
    %add3A_433 = arith.addf %convert_element_type3A, %add3A_432 : vector<1x512xf32>
    %add3A_434 = arith.constant -37.2548332 : f32
    %add3A_435 = vector.broadcast %add3A_434 : f32 to vector<1x512xf32>
    %add3A_436 = arith.addf %convert_element_type3A_81, %add3A_435 : vector<1x512xf32>
    %add3A_437 = arith.constant 98.5096664 : f32
    %add3A_438 = vector.broadcast %add3A_437 : f32 to vector<1x512xf32>
    %add3A_439 = arith.addf %convert_element_type3A, %add3A_438 : vector<1x512xf32>
    %add3A_440 = arith.constant 53.2548332 : f32
    %add3A_441 = vector.broadcast %add3A_440 : f32 to vector<1x512xf32>
    %add3A_442 = arith.addf %convert_element_type3A_81, %add3A_441 : vector<1x512xf32>
    %sub3A_443 = arith.subf %add3A_439, %add3A_433 : vector<1x512xf32>
    %sub3A_444 = arith.subf %add3A_442, %add3A_436 : vector<1x512xf32>
    %mul3A_445 = arith.constant 5.000000e-01 : f32
    %mul3A_446 = vector.broadcast %mul3A_445 : f32 to vector<1x512xf32>
    %mul3A_447 = arith.mulf %mul3A_446, %sub3A_443 : vector<1x512xf32>
    %add3A_448 = arith.addf %add3A_433, %mul3A_447 : vector<1x512xf32>
    %mul3A_449 = arith.constant 5.000000e-01 : f32
    %mul3A_450 = vector.broadcast %mul3A_449 : f32 to vector<1x512xf32>
    %mul3A_451 = arith.mulf %mul3A_450, %sub3A_444 : vector<1x512xf32>
    %add3A_452 = arith.addf %add3A_436, %mul3A_451 : vector<1x512xf32>
    %slice3A_453 = vector.extract_strided_slice %add3A_9 {offsets = [24, 0], sizes = [1, 512], strides = [1, 1]} : vector<40x512xf32> to vector<1x512xf32>
    %slice3A_454 = vector.extract_strided_slice %add3A_9 {offsets = [25, 0], sizes = [1, 512], strides = [1, 1]} : vector<40x512xf32> to vector<1x512xf32>
    %slice3A_455 = vector.extract_strided_slice %add3A_9 {offsets = [26, 0], sizes = [1, 512], strides = [1, 1]} : vector<40x512xf32> to vector<1x512xf32>
    %slice3A_456 = vector.extract_strided_slice %add3A_9 {offsets = [27, 0], sizes = [1, 512], strides = [1, 1]} : vector<40x512xf32> to vector<1x512xf32>
    %mul3A_457 = arith.mulf %slice3A_453, %sub3A_443 : vector<1x512xf32>
    %add3A_458 = arith.addf %mul3A_457, %add3A_448 : vector<1x512xf32>
    %mul3A_459 = arith.mulf %slice3A_454, %sub3A_444 : vector<1x512xf32>
    %add3A_460 = arith.addf %mul3A_459, %add3A_452 : vector<1x512xf32>
    %exp3A_461 = math.exp %slice3A_455 : vector<1x512xf32>
    %mul3A_462 = arith.mulf %exp3A_461, %sub3A_443 : vector<1x512xf32>
    %exp3A_463 = math.exp %slice3A_456 : vector<1x512xf32>
    %mul3A_464 = arith.mulf %exp3A_463, %sub3A_444 : vector<1x512xf32>
    %mul3A_465 = arith.constant 5.000000e-01 : f32
    %mul3A_466 = vector.broadcast %mul3A_465 : f32 to vector<1x512xf32>
    %mul3A_467 = arith.mulf %mul3A_466, %mul3A_462 : vector<1x512xf32>
    %sub3A_468 = arith.subf %add3A_458, %mul3A_467 : vector<1x512xf32>
    %mul3A_469 = arith.constant 5.000000e-01 : f32
    %mul3A_470 = vector.broadcast %mul3A_469 : f32 to vector<1x512xf32>
    %mul3A_471 = arith.mulf %mul3A_470, %mul3A_464 : vector<1x512xf32>
    %sub3A_472 = arith.subf %add3A_460, %mul3A_471 : vector<1x512xf32>
    %mul3A_473 = arith.constant 5.000000e-01 : f32
    %mul3A_474 = vector.broadcast %mul3A_473 : f32 to vector<1x512xf32>
    %mul3A_475 = arith.mulf %mul3A_474, %mul3A_462 : vector<1x512xf32>
    %add3A_476 = arith.addf %add3A_458, %mul3A_475 : vector<1x512xf32>
    %mul3A_477 = arith.constant 5.000000e-01 : f32
    %mul3A_478 = vector.broadcast %mul3A_477 : f32 to vector<1x512xf32>
    %mul3A_479 = arith.mulf %mul3A_478, %mul3A_464 : vector<1x512xf32>
    %add3A_480 = arith.addf %add3A_460, %mul3A_479 : vector<1x512xf32>
    %concatenate3A_481 = tpu.concatenate %sub3A_468, %sub3A_472, %add3A_476, %add3A_480 in 0 : vector<1x512xf32>, vector<1x512xf32>, vector<1x512xf32>, vector<1x512xf32> -> vector<4x512xf32>
    %max3A_482 = arith.constant 0.000000e+00 : f32
    %max3A_483 = vector.broadcast %max3A_482 : f32 to vector<4x512xf32>
    %max3A_484 = arith.maximumf %concatenate3A_481, %max3A_483 : vector<4x512xf32>
    %min3A_485 = vector.broadcast %get3A_28 : f32 to vector<4x512xf32>
    %min3A_486 = arith.minimumf %max3A_484, %min3A_485 : vector<4x512xf32>
    %swap3A_487 = arith.constant 24 : index
    %swap3A_488 = arith.constant 0 : index
    %swap3A_489 = vector.load %arg9[%swap3A_487, %swap3A_488] : memref<40x512xf32, #tpu.memory_space<vmem>>, vector<4x512xf32>
    tpu.vector_store %arg9[%swap3A_487, %swap3A_488], %min3A_486 {strides = array<i32>} : memref<40x512xf32, #tpu.memory_space<vmem>>, vector<4x512xf32>,
    %add3A_490 = arith.constant -173.019333 : f32
    %add3A_491 = vector.broadcast %add3A_490 : f32 to vector<1x512xf32>
    %add3A_492 = arith.addf %convert_element_type3A, %add3A_491 : vector<1x512xf32>
    %add3A_493 = arith.constant -82.5096664 : f32
    %add3A_494 = vector.broadcast %add3A_493 : f32 to vector<1x512xf32>
    %add3A_495 = arith.addf %convert_element_type3A_81, %add3A_494 : vector<1x512xf32>
    %add3A_496 = arith.constant 189.019333 : f32
    %add3A_497 = vector.broadcast %add3A_496 : f32 to vector<1x512xf32>
    %add3A_498 = arith.addf %convert_element_type3A, %add3A_497 : vector<1x512xf32>
    %add3A_499 = arith.constant 98.5096664 : f32
    %add3A_500 = vector.broadcast %add3A_499 : f32 to vector<1x512xf32>
    %add3A_501 = arith.addf %convert_element_type3A_81, %add3A_500 : vector<1x512xf32>
    %sub3A_502 = arith.subf %add3A_498, %add3A_492 : vector<1x512xf32>
    %sub3A_503 = arith.subf %add3A_501, %add3A_495 : vector<1x512xf32>
    %mul3A_504 = arith.constant 5.000000e-01 : f32
    %mul3A_505 = vector.broadcast %mul3A_504 : f32 to vector<1x512xf32>
    %mul3A_506 = arith.mulf %mul3A_505, %sub3A_502 : vector<1x512xf32>
    %add3A_507 = arith.addf %add3A_492, %mul3A_506 : vector<1x512xf32>
    %mul3A_508 = arith.constant 5.000000e-01 : f32
    %mul3A_509 = vector.broadcast %mul3A_508 : f32 to vector<1x512xf32>
    %mul3A_510 = arith.mulf %mul3A_509, %sub3A_503 : vector<1x512xf32>
    %add3A_511 = arith.addf %add3A_495, %mul3A_510 : vector<1x512xf32>
    %slice3A_512 = vector.extract_strided_slice %add3A_9 {offsets = [28, 0], sizes = [1, 512], strides = [1, 1]} : vector<40x512xf32> to vector<1x512xf32>
    %slice3A_513 = vector.extract_strided_slice %add3A_9 {offsets = [29, 0], sizes = [1, 512], strides = [1, 1]} : vector<40x512xf32> to vector<1x512xf32>
    %slice3A_514 = vector.extract_strided_slice %add3A_9 {offsets = [30, 0], sizes = [1, 512], strides = [1, 1]} : vector<40x512xf32> to vector<1x512xf32>
    %slice3A_515 = vector.extract_strided_slice %add3A_9 {offsets = [31, 0], sizes = [1, 512], strides = [1, 1]} : vector<40x512xf32> to vector<1x512xf32>
    %mul3A_516 = arith.mulf %slice3A_512, %sub3A_502 : vector<1x512xf32>
    %add3A_517 = arith.addf %mul3A_516, %add3A_507 : vector<1x512xf32>
    %mul3A_518 = arith.mulf %slice3A_513, %sub3A_503 : vector<1x512xf32>
    %add3A_519 = arith.addf %mul3A_518, %add3A_511 : vector<1x512xf32>
    %exp3A_520 = math.exp %slice3A_514 : vector<1x512xf32>
    %mul3A_521 = arith.mulf %exp3A_520, %sub3A_502 : vector<1x512xf32>
    %exp3A_522 = math.exp %slice3A_515 : vector<1x512xf32>
    %mul3A_523 = arith.mulf %exp3A_522, %sub3A_503 : vector<1x512xf32>
    %mul3A_524 = arith.constant 5.000000e-01 : f32
    %mul3A_525 = vector.broadcast %mul3A_524 : f32 to vector<1x512xf32>
    %mul3A_526 = arith.mulf %mul3A_525, %mul3A_521 : vector<1x512xf32>
    %sub3A_527 = arith.subf %add3A_517, %mul3A_526 : vector<1x512xf32>
    %mul3A_528 = arith.constant 5.000000e-01 : f32
    %mul3A_529 = vector.broadcast %mul3A_528 : f32 to vector<1x512xf32>
    %mul3A_530 = arith.mulf %mul3A_529, %mul3A_523 : vector<1x512xf32>
    %sub3A_531 = arith.subf %add3A_519, %mul3A_530 : vector<1x512xf32>
    %mul3A_532 = arith.constant 5.000000e-01 : f32
    %mul3A_533 = vector.broadcast %mul3A_532 : f32 to vector<1x512xf32>
    %mul3A_534 = arith.mulf %mul3A_533, %mul3A_521 : vector<1x512xf32>
    %add3A_535 = arith.addf %add3A_517, %mul3A_534 : vector<1x512xf32>
    %mul3A_536 = arith.constant 5.000000e-01 : f32
    %mul3A_537 = vector.broadcast %mul3A_536 : f32 to vector<1x512xf32>
    %mul3A_538 = arith.mulf %mul3A_537, %mul3A_523 : vector<1x512xf32>
    %add3A_539 = arith.addf %add3A_519, %mul3A_538 : vector<1x512xf32>
    %concatenate3A_540 = tpu.concatenate %sub3A_527, %sub3A_531, %add3A_535, %add3A_539 in 0 : vector<1x512xf32>, vector<1x512xf32>, vector<1x512xf32>, vector<1x512xf32> -> vector<4x512xf32>
    %max3A_541 = arith.constant 0.000000e+00 : f32
    %max3A_542 = vector.broadcast %max3A_541 : f32 to vector<4x512xf32>
    %max3A_543 = arith.maximumf %concatenate3A_540, %max3A_542 : vector<4x512xf32>
    %min3A_544 = vector.broadcast %get3A_28 : f32 to vector<4x512xf32>
    %min3A_545 = arith.minimumf %max3A_543, %min3A_544 : vector<4x512xf32>
    %swap3A_546 = arith.constant 28 : index
    %swap3A_547 = arith.constant 0 : index
    %swap3A_548 = vector.load %arg9[%swap3A_546, %swap3A_547] : memref<40x512xf32, #tpu.memory_space<vmem>>, vector<4x512xf32>
    tpu.vector_store %arg9[%swap3A_546, %swap3A_547], %min3A_545 {strides = array<i32>} : memref<40x512xf32, #tpu.memory_space<vmem>>, vector<4x512xf32>,
    %add3A_549 = arith.constant -354.038666 : f32
    %add3A_550 = vector.broadcast %add3A_549 : f32 to vector<1x512xf32>
    %add3A_551 = arith.addf %convert_element_type3A, %add3A_550 : vector<1x512xf32>
    %add3A_552 = arith.constant -173.019333 : f32
    %add3A_553 = vector.broadcast %add3A_552 : f32 to vector<1x512xf32>
    %add3A_554 = arith.addf %convert_element_type3A_81, %add3A_553 : vector<1x512xf32>
    %add3A_555 = arith.constant 370.038666 : f32
    %add3A_556 = vector.broadcast %add3A_555 : f32 to vector<1x512xf32>
    %add3A_557 = arith.addf %convert_element_type3A, %add3A_556 : vector<1x512xf32>
    %add3A_558 = arith.constant 189.019333 : f32
    %add3A_559 = vector.broadcast %add3A_558 : f32 to vector<1x512xf32>
    %add3A_560 = arith.addf %convert_element_type3A_81, %add3A_559 : vector<1x512xf32>
    %sub3A_561 = arith.subf %add3A_557, %add3A_551 : vector<1x512xf32>
    %sub3A_562 = arith.subf %add3A_560, %add3A_554 : vector<1x512xf32>
    %mul3A_563 = arith.constant 5.000000e-01 : f32
    %mul3A_564 = vector.broadcast %mul3A_563 : f32 to vector<1x512xf32>
    %mul3A_565 = arith.mulf %mul3A_564, %sub3A_561 : vector<1x512xf32>
    %add3A_566 = arith.addf %add3A_551, %mul3A_565 : vector<1x512xf32>
    %mul3A_567 = arith.constant 5.000000e-01 : f32
    %mul3A_568 = vector.broadcast %mul3A_567 : f32 to vector<1x512xf32>
    %mul3A_569 = arith.mulf %mul3A_568, %sub3A_562 : vector<1x512xf32>
    %add3A_570 = arith.addf %add3A_554, %mul3A_569 : vector<1x512xf32>
    %slice3A_571 = vector.extract_strided_slice %add3A_9 {offsets = [32, 0], sizes = [1, 512], strides = [1, 1]} : vector<40x512xf32> to vector<1x512xf32>
    %slice3A_572 = vector.extract_strided_slice %add3A_9 {offsets = [33, 0], sizes = [1, 512], strides = [1, 1]} : vector<40x512xf32> to vector<1x512xf32>
    %slice3A_573 = vector.extract_strided_slice %add3A_9 {offsets = [34, 0], sizes = [1, 512], strides = [1, 1]} : vector<40x512xf32> to vector<1x512xf32>
    %slice3A_574 = vector.extract_strided_slice %add3A_9 {offsets = [35, 0], sizes = [1, 512], strides = [1, 1]} : vector<40x512xf32> to vector<1x512xf32>
    %mul3A_575 = arith.mulf %slice3A_571, %sub3A_561 : vector<1x512xf32>
    %add3A_576 = arith.addf %mul3A_575, %add3A_566 : vector<1x512xf32>
    %mul3A_577 = arith.mulf %slice3A_572, %sub3A_562 : vector<1x512xf32>
    %add3A_578 = arith.addf %mul3A_577, %add3A_570 : vector<1x512xf32>
    %exp3A_579 = math.exp %slice3A_573 : vector<1x512xf32>
    %mul3A_580 = arith.mulf %exp3A_579, %sub3A_561 : vector<1x512xf32>
    %exp3A_581 = math.exp %slice3A_574 : vector<1x512xf32>
    %mul3A_582 = arith.mulf %exp3A_581, %sub3A_562 : vector<1x512xf32>
    %mul3A_583 = arith.constant 5.000000e-01 : f32
    %mul3A_584 = vector.broadcast %mul3A_583 : f32 to vector<1x512xf32>
    %mul3A_585 = arith.mulf %mul3A_584, %mul3A_580 : vector<1x512xf32>
    %sub3A_586 = arith.subf %add3A_576, %mul3A_585 : vector<1x512xf32>
    %mul3A_587 = arith.constant 5.000000e-01 : f32
    %mul3A_588 = vector.broadcast %mul3A_587 : f32 to vector<1x512xf32>
    %mul3A_589 = arith.mulf %mul3A_588, %mul3A_582 : vector<1x512xf32>
    %sub3A_590 = arith.subf %add3A_578, %mul3A_589 : vector<1x512xf32>
    %mul3A_591 = arith.constant 5.000000e-01 : f32
    %mul3A_592 = vector.broadcast %mul3A_591 : f32 to vector<1x512xf32>
    %mul3A_593 = arith.mulf %mul3A_592, %mul3A_580 : vector<1x512xf32>
    %add3A_594 = arith.addf %add3A_576, %mul3A_593 : vector<1x512xf32>
    %mul3A_595 = arith.constant 5.000000e-01 : f32
    %mul3A_596 = vector.broadcast %mul3A_595 : f32 to vector<1x512xf32>
    %mul3A_597 = arith.mulf %mul3A_596, %mul3A_582 : vector<1x512xf32>
    %add3A_598 = arith.addf %add3A_578, %mul3A_597 : vector<1x512xf32>
    %concatenate3A_599 = tpu.concatenate %sub3A_586, %sub3A_590, %add3A_594, %add3A_598 in 0 : vector<1x512xf32>, vector<1x512xf32>, vector<1x512xf32>, vector<1x512xf32> -> vector<4x512xf32>
    %max3A_600 = arith.constant 0.000000e+00 : f32
    %max3A_601 = vector.broadcast %max3A_600 : f32 to vector<4x512xf32>
    %max3A_602 = arith.maximumf %concatenate3A_599, %max3A_601 : vector<4x512xf32>
    %min3A_603 = vector.broadcast %get3A_28 : f32 to vector<4x512xf32>
    %min3A_604 = arith.minimumf %max3A_602, %min3A_603 : vector<4x512xf32>
    %swap3A_605 = arith.constant 32 : index
    %swap3A_606 = arith.constant 0 : index
    %swap3A_607 = vector.load %arg9[%swap3A_605, %swap3A_606] : memref<40x512xf32, #tpu.memory_space<vmem>>, vector<4x512xf32>
    tpu.vector_store %arg9[%swap3A_605, %swap3A_606], %min3A_604 {strides = array<i32>} : memref<40x512xf32, #tpu.memory_space<vmem>>, vector<4x512xf32>,
    %broadcast_in_dim3A = arith.constant 0.000000e+00 : f32
    %broadcast_in_dim3A_608 = vector.broadcast %broadcast_in_dim3A : f32 to vector<4x512xf32>
    %swap3A_609 = arith.constant 36 : index
    %swap3A_610 = arith.constant 0 : index
    %swap3A_611 = vector.load %arg9[%swap3A_609, %swap3A_610] : memref<40x512xf32, #tpu.memory_space<vmem>>, vector<4x512xf32>
    tpu.vector_store %arg9[%swap3A_609, %swap3A_610], %broadcast_in_dim3A_608 {strides = array<i32>} : memref<40x512xf32, #tpu.memory_space<vmem>>, vector<4x512xf32>,
    return
  }
  func.func @transform_0(%arg0: i32) -> (i32, i32) {
    %c0_i32 = arith.constant 0 : i32
    %c0_i32_0 = arith.constant 0 : i32
    %c0_i32_1 = arith.constant 0 : i32
    return %c0_i32, %c0_i32_0 : i32, i32
  }
  func.func @transform_1(%arg0: i32) -> (i32, i32) {
    %c0_i32 = arith.constant 0 : i32
    %c0_i32_0 = arith.constant 0 : i32
    %c0_i32_1 = arith.constant 0 : i32
    return %c0_i32, %c0_i32_0 : i32, i32
  }
  func.func @transform_2(%arg0: i32) -> (i32, i32) {
    %c0_i32 = arith.constant 0 : i32
    %c0_i32_0 = arith.constant 0 : i32
    %c0_i32_1 = arith.constant 0 : i32
    return %c0_i32, %c0_i32_0 : i32, i32
  }
  func.func @transform_3(%arg0: i32) -> (i32, i32) {
    %c0_i32 = arith.constant 0 : i32
    %c0_i32_0 = arith.constant 0 : i32
    %c0_i32_1 = arith.constant 0 : i32
    return %c0_i32, %c0_i32_0 : i32, i32
  }
  func.func @transform_4(%arg0: i32) -> (i32, i32) {
    %c0_i32 = arith.constant 0 : i32
    %c0_i32_0 = arith.constant 0 : i32
    %c0_i32_1 = arith.constant 0 : i32
    return %c0_i32, %c0_i32_0 : i32, i32
  }
  func.func @transform_5(%arg0: i32) -> (i32, i32) {
    %c0_i32 = arith.constant 0 : i32
    %c0_i32_0 = arith.constant 0 : i32
    return %c0_i32, %arg0 : i32, i32
  }
  func.func @transform_6(%arg0: i32) -> (i32, i32) {
    %c0_i32 = arith.constant 0 : i32
    %c0_i32_0 = arith.constant 0 : i32
    return %c0_i32, %arg0 : i32, i32
  }
  func.func @transform_7(%arg0: i32) -> (i32, i32) {
    %c0_i32 = arith.constant 0 : i32
    %c0_i32_0 = arith.constant 0 : i32
    return %c0_i32, %arg0 : i32, i32
  }
  func.func @transform_8(%arg0: i32) -> (i32, i32) {
    %c0_i32 = arith.constant 0 : i32
    %c0_i32_0 = arith.constant 0 : i32
    return %c0_i32, %arg0 : i32, i32
  }
}

module attributes {stable_mosaic.version = 14 : i64} {
  func.func @_nms_body(%arg0: i32, %arg1: memref<96x128xf32, #tpu.memory_space<vmem>>, %arg2: memref<96x128xf32, #tpu.memory_space<vmem>>, %arg3: memref<96x128xf32, #tpu.memory_space<vmem>>, %arg4: memref<96x128xf32, #tpu.memory_space<vmem>>, %arg5: memref<1x128x1xf32, #tpu.memory_space<vmem>>, %arg6: memref<1x128x1xf32, #tpu.memory_space<vmem>>, %arg7: memref<1x128x1xf32, #tpu.memory_space<vmem>>, %arg8: memref<1x128x1xf32, #tpu.memory_space<vmem>>, %arg9: memref<96x128xf32, #tpu.memory_space<vmem>>, %arg10: memref<96x128xi32, #tpu.memory_space<vmem>>, %arg11: memref<1xi32, #tpu.memory_space<smem>>) attributes {dimension_semantics = [#tpu.dimension_semantics<arbitrary>], iteration_bounds = array<i64: 96>, scalar_prefetch = 0 : i64, scratch_operands = 1 : i64, tpu.core_type = #tpu.core_type<tc>, window_params = [{pipeline_mode = #tpu.pipeline_mode<synchronous>, transform_indices = @transform_0, window_bounds = array<i64: 96, 128>}, {pipeline_mode = #tpu.pipeline_mode<synchronous>, transform_indices = @transform_1, window_bounds = array<i64: 96, 128>}, {pipeline_mode = #tpu.pipeline_mode<synchronous>, transform_indices = @transform_2, window_bounds = array<i64: 96, 128>}, {pipeline_mode = #tpu.pipeline_mode<synchronous>, transform_indices = @transform_3, window_bounds = array<i64: 96, 128>}, {transform_indices = @transform_4, window_bounds = array<i64: 1, 128, 1>}, {transform_indices = @transform_5, window_bounds = array<i64: 1, 128, 1>}, {transform_indices = @transform_6, window_bounds = array<i64: 1, 128, 1>}, {transform_indices = @transform_7, window_bounds = array<i64: 1, 128, 1>}, {pipeline_mode = #tpu.pipeline_mode<synchronous>, transform_indices = @transform_8, window_bounds = array<i64: 96, 128>}, {pipeline_mode = #tpu.pipeline_mode<synchronous>, transform_indices = @transform_9, window_bounds = array<i64: 96, 128>}]} {
    %eq3A = arith.constant 0 : i32
    %eq3A_0 = arith.cmpi eq, %arg0, %eq3A : i32
    %convert_element_type3A = arith.extui %eq3A_0 : i1 to i32
    %cond3A = arith.constant 0 : i32
    %cond3A_1 = arith.cmpi ne, %convert_element_type3A, %cond3A : i32
    scf.if %cond3A_1 {
      %broadcast_in_dim3A = arith.constant 0.000000e+00 : f32
      %broadcast_in_dim3A_7 = vector.broadcast %broadcast_in_dim3A : f32 to vector<96x128xf32>
      %swap3A = arith.constant 0 : index
      %swap3A_8 = arith.constant 0 : index
      %swap3A_9 = vector.load %arg9[%swap3A, %swap3A_8] : memref<96x128xf32, #tpu.memory_space<vmem>>, vector<96x128xf32>
      tpu.vector_store %arg9[%swap3A, %swap3A_8], %broadcast_in_dim3A_7 {strides = array<i32>} : memref<96x128xf32, #tpu.memory_space<vmem>>, vector<96x128xf32>,
      %broadcast_in_dim3A_10 = arith.constant 2047 : i32
      %broadcast_in_dim3A_11 = vector.broadcast %broadcast_in_dim3A_10 : i32 to vector<96x128xi32>
      %swap3A_12 = arith.constant 0 : index
      %swap3A_13 = arith.constant 0 : index
      %swap3A_14 = vector.load %arg10[%swap3A_12, %swap3A_13] : memref<96x128xi32, #tpu.memory_space<vmem>>, vector<96x128xi32>
      tpu.vector_store %arg10[%swap3A_12, %swap3A_13], %broadcast_in_dim3A_11 {strides = array<i32>} : memref<96x128xi32, #tpu.memory_space<vmem>>, vector<96x128xi32>,
      %swap3A_15 = arith.constant 0 : i32
      %swap3A_16 = arith.constant 0 : index
      %swap3A_17 = memref.load %arg11[%swap3A_16] : memref<1xi32, #tpu.memory_space<smem>>
      memref.store %swap3A_15, %arg11[%swap3A_16] : memref<1xi32, #tpu.memory_space<smem>>
    } else {
    }
    %get3A = arith.constant 0 : index
    %get3A_2 = memref.load %arg11[%get3A] : memref<1xi32, #tpu.memory_space<smem>>
    %lt3A = arith.constant 1000 : i32
    %lt3A_3 = arith.cmpi slt, %get3A_2, %lt3A : i32
    %convert_element_type3A_4 = arith.extui %lt3A_3 : i1 to i32
    %cond3A_5 = arith.constant 0 : i32
    %cond3A_6 = arith.cmpi ne, %convert_element_type3A_4, %cond3A_5 : i32
    scf.if %cond3A_6 {
      %get3A_7 = arith.constant 0 : index
      %get3A_8 = arith.constant 0 : index
      %get3A_9 = arith.constant 0 : index
      %get3A_10 = vector.load %arg5[%get3A_7, %get3A_8, %get3A_9] : memref<1x128x1xf32, #tpu.memory_space<vmem>>, vector<1x128x1xf32>
      %get3A_11 = vector.shape_cast %get3A_10 : vector<1x128x1xf32> to vector<128x1xf32>
      %get3A_12 = arith.constant 0 : index
      %get3A_13 = arith.constant 0 : index
      %get3A_14 = arith.constant 0 : index
      %get3A_15 = vector.load %arg6[%get3A_12, %get3A_13, %get3A_14] : memref<1x128x1xf32, #tpu.memory_space<vmem>>, vector<1x128x1xf32>
      %get3A_16 = vector.shape_cast %get3A_15 : vector<1x128x1xf32> to vector<128x1xf32>
      %get3A_17 = arith.constant 0 : index
      %get3A_18 = arith.constant 0 : index
      %get3A_19 = arith.constant 0 : index
      %get3A_20 = vector.load %arg7[%get3A_17, %get3A_18, %get3A_19] : memref<1x128x1xf32, #tpu.memory_space<vmem>>, vector<1x128x1xf32>
      %get3A_21 = vector.shape_cast %get3A_20 : vector<1x128x1xf32> to vector<128x1xf32>
      %get3A_22 = arith.constant 0 : index
      %get3A_23 = arith.constant 0 : index
      %get3A_24 = arith.constant 0 : index
      %get3A_25 = vector.load %arg8[%get3A_22, %get3A_23, %get3A_24] : memref<1x128x1xf32, #tpu.memory_space<vmem>>, vector<1x128x1xf32>
      %get3A_26 = vector.shape_cast %get3A_25 : vector<1x128x1xf32> to vector<128x1xf32>
      %sub3A = arith.subf %get3A_21, %get3A_11 : vector<128x1xf32>
      %sub3A_27 = arith.subf %get3A_26, %get3A_16 : vector<128x1xf32>
      %mul3A = arith.mulf %sub3A, %sub3A_27 : vector<128x1xf32>
      %iota3A = tpu.iota {dimensions = array<i32: 0>} : vector<128x128xi32>
      %iota3A_28 = tpu.iota {dimensions = array<i32: 1>} : vector<128x128xi32>
      %eq3A_29 = arith.cmpi eq, %iota3A, %iota3A_28 : vector<128x128xi32>
      %jit3A = arith.constant 1.000000e+00 : f32
      %jit3A_30 = arith.constant 0.000000e+00 : f32
      %broadcast_in_dim3A = vector.broadcast %jit3A : f32 to vector<128x128xf32>
      %broadcast_in_dim3A_31 = vector.broadcast %jit3A_30 : f32 to vector<128x128xf32>
      %select_n3A = arith.select %eq3A_29, %broadcast_in_dim3A, %broadcast_in_dim3A_31 : vector<128x128xi1>, vector<128x128xf32>
      %broadcast_in_dim3A_32 = arith.constant 0.000000e+00 : f32
      %broadcast_in_dim3A_33 = vector.broadcast %broadcast_in_dim3A_32 : f32 to vector<128x1xf32>
      %while3A = arith.constant 0 : i32
      %while3A_34 = arith.subi %arg0, %while3A : i32
      %while3A_35 = arith.addi %while3A, %while3A_34 : i32
      %while3A_36 = arith.constant 1 : i32
      %while3A_37 = arith.divsi %while3A_34, %while3A_36 : i32
      %while3A_38 = arith.muli %while3A_37, %while3A_36 : i32
      %while3A_39 = arith.addi %while3A, %while3A_38 : i32
      %while3A_40 = arith.constant 1 : i32
      %while3A_41 = scf.for %while3A_162 = %while3A to %while3A_39 step %while3A_40 iter_args(%while3A_163 = %broadcast_in_dim3A_33) -> (vector<128x1xf32>)  : i32 {
        %get3A_164 = arith.index_cast %while3A_162 : i32 to index
        %get3A_165 = arith.constant 0 : index
        %get3A_166 = vector.load %arg9[%get3A_164, %get3A_165] : memref<96x128xf32, #tpu.memory_space<vmem>>, vector<1x128xf32>
        %reduce_sum3A_167 = vector.shape_cast %get3A_166 : vector<1x128xf32> to vector<1x1x128xf32>
        %reduce_sum3A_168 = arith.constant dense<0.000000e+00> : vector<1xf32>
        %reduce_sum3A_169 = vector.multi_reduction <add>, %reduce_sum3A_167, %reduce_sum3A_168 [1, 2] : vector<1x1x128xf32> to vector<1xf32>
        %reduce_sum3A_170 = vector.shape_cast %reduce_sum3A_169 : vector<1xf32> to vector<1x1x1xf32>
        %reduce_sum3A_171 = vector.extract %reduce_sum3A_170[0, 0, 0] : f32 from vector<1x1x1xf32>
        %gt3A_172 = arith.constant 0.000000e+00 : f32
        %gt3A_173 = arith.cmpf ogt, %reduce_sum3A_171, %gt3A_172 : f32
        %convert_element_type3A_174 = arith.extui %gt3A_173 : i1 to i32
        %cond3A_175 = arith.constant 0 : i32
        %cond3A_176 = arith.cmpi ne, %convert_element_type3A_174, %cond3A_175 : i32
        %cond3A_177 = scf.if %cond3A_176 -> (vector<128x1xf32>) {
          %get3A_178 = arith.index_cast %while3A_162 : i32 to index
          %get3A_179 = arith.constant 0 : index
          %get3A_180 = vector.load %arg1[%get3A_178, %get3A_179] : memref<96x128xf32, #tpu.memory_space<vmem>>, vector<1x128xf32>
          %get3A_181 = arith.index_cast %while3A_162 : i32 to index
          %get3A_182 = arith.constant 0 : index
          %get3A_183 = vector.load %arg2[%get3A_181, %get3A_182] : memref<96x128xf32, #tpu.memory_space<vmem>>, vector<1x128xf32>
          %get3A_184 = arith.index_cast %while3A_162 : i32 to index
          %get3A_185 = arith.constant 0 : index
          %get3A_186 = vector.load %arg3[%get3A_184, %get3A_185] : memref<96x128xf32, #tpu.memory_space<vmem>>, vector<1x128xf32>
          %get3A_187 = arith.index_cast %while3A_162 : i32 to index
          %get3A_188 = arith.constant 0 : index
          %get3A_189 = vector.load %arg4[%get3A_187, %get3A_188] : memref<96x128xf32, #tpu.memory_space<vmem>>, vector<1x128xf32>
          %sub3A_190 = arith.subf %get3A_186, %get3A_180 : vector<1x128xf32>
          %sub3A_191 = arith.subf %get3A_189, %get3A_183 : vector<1x128xf32>
          %mul3A_192 = arith.mulf %sub3A_190, %sub3A_191 : vector<1x128xf32>
          %max3A_193 = vector.broadcast %get3A_11 : vector<128x1xf32> to vector<128x128xf32>
          %max3A_194 = vector.broadcast %get3A_180 : vector<1x128xf32> to vector<128x128xf32>
          %max3A_195 = arith.maximumf %max3A_193, %max3A_194 : vector<128x128xf32>
          %max3A_196 = vector.broadcast %get3A_16 : vector<128x1xf32> to vector<128x128xf32>
          %max3A_197 = vector.broadcast %get3A_183 : vector<1x128xf32> to vector<128x128xf32>
          %max3A_198 = arith.maximumf %max3A_196, %max3A_197 : vector<128x128xf32>
          %min3A_199 = vector.broadcast %get3A_21 : vector<128x1xf32> to vector<128x128xf32>
          %min3A_200 = vector.broadcast %get3A_186 : vector<1x128xf32> to vector<128x128xf32>
          %min3A_201 = arith.minimumf %min3A_199, %min3A_200 : vector<128x128xf32>
          %min3A_202 = vector.broadcast %get3A_26 : vector<128x1xf32> to vector<128x128xf32>
          %min3A_203 = vector.broadcast %get3A_189 : vector<1x128xf32> to vector<128x128xf32>
          %min3A_204 = arith.minimumf %min3A_202, %min3A_203 : vector<128x128xf32>
          %sub3A_205 = arith.subf %min3A_201, %max3A_195 : vector<128x128xf32>
          %max3A_206 = arith.constant 0.000000e+00 : f32
          %max3A_207 = vector.broadcast %max3A_206 : f32 to vector<128x128xf32>
          %max3A_208 = arith.maximumf %sub3A_205, %max3A_207 : vector<128x128xf32>
          %sub3A_209 = arith.subf %min3A_204, %max3A_198 : vector<128x128xf32>
          %max3A_210 = arith.constant 0.000000e+00 : f32
          %max3A_211 = vector.broadcast %max3A_210 : f32 to vector<128x128xf32>
          %max3A_212 = arith.maximumf %sub3A_209, %max3A_211 : vector<128x128xf32>
          %mul3A_213 = arith.mulf %max3A_208, %max3A_212 : vector<128x128xf32>
          %add3A_214 = vector.broadcast %mul3A_192 : vector<1x128xf32> to vector<128x128xf32>
          %add3A_215 = vector.broadcast %mul3A : vector<128x1xf32> to vector<128x128xf32>
          %add3A_216 = arith.addf %add3A_214, %add3A_215 : vector<128x128xf32>
          %sub3A_217 = arith.subf %add3A_216, %mul3A_213 : vector<128x128xf32>
          %add3A_218 = arith.constant 9.99999971E-10 : f32
          %add3A_219 = vector.broadcast %add3A_218 : f32 to vector<128x128xf32>
          %add3A_220 = arith.addf %sub3A_217, %add3A_219 : vector<128x128xf32>
          %div3A_221 = arith.divf %mul3A_213, %add3A_220 : vector<128x128xf32>
          %gt3A_222 = arith.constant 0.699999988 : f32
          %gt3A_223 = vector.broadcast %gt3A_222 : f32 to vector<128x128xf32>
          %gt3A_224 = arith.cmpf ogt, %div3A_221, %gt3A_223 : vector<128x128xf32>
          %jit3A_225 = arith.constant 1.000000e+00 : f32
          %jit3A_226 = arith.constant 0.000000e+00 : f32
          %broadcast_in_dim3A_227 = vector.broadcast %jit3A_225 : f32 to vector<128x128xf32>
          %broadcast_in_dim3A_228 = vector.broadcast %jit3A_226 : f32 to vector<128x128xf32>
          %select_n3A_229 = arith.select %gt3A_224, %broadcast_in_dim3A_227, %broadcast_in_dim3A_228 : vector<128x128xi1>, vector<128x128xf32>
          %mul3A_230 = vector.broadcast %get3A_166 : vector<1x128xf32> to vector<128x128xf32>
          %mul3A_231 = arith.mulf %select_n3A_229, %mul3A_230 : vector<128x128xf32>
          %reduce_sum3A_232 = arith.constant dense<0.000000e+00> : vector<128xf32>
          %reduce_sum3A_233 = vector.multi_reduction <add>, %mul3A_231, %reduce_sum3A_232 [1] : vector<128x128xf32> to vector<128xf32>
          %broadcast_in_dim3A_234 = vector.shape_cast %reduce_sum3A_233 : vector<128xf32> to vector<128x1xf32>
          %add3A_235 = arith.addf %while3A_163, %broadcast_in_dim3A_234 : vector<128x1xf32>
          scf.yield %add3A_235 : vector<128x1xf32>
        } else {
          scf.yield %while3A_163 : vector<128x1xf32>
        }
        scf.yield %cond3A_177 : vector<128x1xf32>
      }
      %while3A_42 = arith.constant 1 : i32
      %while3A_43 = scf.for %while3A_162 = %while3A_39 to %while3A_35 step %while3A_42 iter_args(%while3A_163 = %while3A_41) -> (vector<128x1xf32>)  : i32 {
        %get3A_164 = arith.index_cast %while3A_162 : i32 to index
        %get3A_165 = arith.constant 0 : index
        %get3A_166 = vector.load %arg9[%get3A_164, %get3A_165] : memref<96x128xf32, #tpu.memory_space<vmem>>, vector<1x128xf32>
        %reduce_sum3A_167 = vector.shape_cast %get3A_166 : vector<1x128xf32> to vector<1x1x128xf32>
        %reduce_sum3A_168 = arith.constant dense<0.000000e+00> : vector<1xf32>
        %reduce_sum3A_169 = vector.multi_reduction <add>, %reduce_sum3A_167, %reduce_sum3A_168 [1, 2] : vector<1x1x128xf32> to vector<1xf32>
        %reduce_sum3A_170 = vector.shape_cast %reduce_sum3A_169 : vector<1xf32> to vector<1x1x1xf32>
        %reduce_sum3A_171 = vector.extract %reduce_sum3A_170[0, 0, 0] : f32 from vector<1x1x1xf32>
        %gt3A_172 = arith.constant 0.000000e+00 : f32
        %gt3A_173 = arith.cmpf ogt, %reduce_sum3A_171, %gt3A_172 : f32
        %convert_element_type3A_174 = arith.extui %gt3A_173 : i1 to i32
        %cond3A_175 = arith.constant 0 : i32
        %cond3A_176 = arith.cmpi ne, %convert_element_type3A_174, %cond3A_175 : i32
        %cond3A_177 = scf.if %cond3A_176 -> (vector<128x1xf32>) {
          %get3A_178 = arith.index_cast %while3A_162 : i32 to index
          %get3A_179 = arith.constant 0 : index
          %get3A_180 = vector.load %arg1[%get3A_178, %get3A_179] : memref<96x128xf32, #tpu.memory_space<vmem>>, vector<1x128xf32>
          %get3A_181 = arith.index_cast %while3A_162 : i32 to index
          %get3A_182 = arith.constant 0 : index
          %get3A_183 = vector.load %arg2[%get3A_181, %get3A_182] : memref<96x128xf32, #tpu.memory_space<vmem>>, vector<1x128xf32>
          %get3A_184 = arith.index_cast %while3A_162 : i32 to index
          %get3A_185 = arith.constant 0 : index
          %get3A_186 = vector.load %arg3[%get3A_184, %get3A_185] : memref<96x128xf32, #tpu.memory_space<vmem>>, vector<1x128xf32>
          %get3A_187 = arith.index_cast %while3A_162 : i32 to index
          %get3A_188 = arith.constant 0 : index
          %get3A_189 = vector.load %arg4[%get3A_187, %get3A_188] : memref<96x128xf32, #tpu.memory_space<vmem>>, vector<1x128xf32>
          %sub3A_190 = arith.subf %get3A_186, %get3A_180 : vector<1x128xf32>
          %sub3A_191 = arith.subf %get3A_189, %get3A_183 : vector<1x128xf32>
          %mul3A_192 = arith.mulf %sub3A_190, %sub3A_191 : vector<1x128xf32>
          %max3A_193 = vector.broadcast %get3A_11 : vector<128x1xf32> to vector<128x128xf32>
          %max3A_194 = vector.broadcast %get3A_180 : vector<1x128xf32> to vector<128x128xf32>
          %max3A_195 = arith.maximumf %max3A_193, %max3A_194 : vector<128x128xf32>
          %max3A_196 = vector.broadcast %get3A_16 : vector<128x1xf32> to vector<128x128xf32>
          %max3A_197 = vector.broadcast %get3A_183 : vector<1x128xf32> to vector<128x128xf32>
          %max3A_198 = arith.maximumf %max3A_196, %max3A_197 : vector<128x128xf32>
          %min3A_199 = vector.broadcast %get3A_21 : vector<128x1xf32> to vector<128x128xf32>
          %min3A_200 = vector.broadcast %get3A_186 : vector<1x128xf32> to vector<128x128xf32>
          %min3A_201 = arith.minimumf %min3A_199, %min3A_200 : vector<128x128xf32>
          %min3A_202 = vector.broadcast %get3A_26 : vector<128x1xf32> to vector<128x128xf32>
          %min3A_203 = vector.broadcast %get3A_189 : vector<1x128xf32> to vector<128x128xf32>
          %min3A_204 = arith.minimumf %min3A_202, %min3A_203 : vector<128x128xf32>
          %sub3A_205 = arith.subf %min3A_201, %max3A_195 : vector<128x128xf32>
          %max3A_206 = arith.constant 0.000000e+00 : f32
          %max3A_207 = vector.broadcast %max3A_206 : f32 to vector<128x128xf32>
          %max3A_208 = arith.maximumf %sub3A_205, %max3A_207 : vector<128x128xf32>
          %sub3A_209 = arith.subf %min3A_204, %max3A_198 : vector<128x128xf32>
          %max3A_210 = arith.constant 0.000000e+00 : f32
          %max3A_211 = vector.broadcast %max3A_210 : f32 to vector<128x128xf32>
          %max3A_212 = arith.maximumf %sub3A_209, %max3A_211 : vector<128x128xf32>
          %mul3A_213 = arith.mulf %max3A_208, %max3A_212 : vector<128x128xf32>
          %add3A_214 = vector.broadcast %mul3A_192 : vector<1x128xf32> to vector<128x128xf32>
          %add3A_215 = vector.broadcast %mul3A : vector<128x1xf32> to vector<128x128xf32>
          %add3A_216 = arith.addf %add3A_214, %add3A_215 : vector<128x128xf32>
          %sub3A_217 = arith.subf %add3A_216, %mul3A_213 : vector<128x128xf32>
          %add3A_218 = arith.constant 9.99999971E-10 : f32
          %add3A_219 = vector.broadcast %add3A_218 : f32 to vector<128x128xf32>
          %add3A_220 = arith.addf %sub3A_217, %add3A_219 : vector<128x128xf32>
          %div3A_221 = arith.divf %mul3A_213, %add3A_220 : vector<128x128xf32>
          %gt3A_222 = arith.constant 0.699999988 : f32
          %gt3A_223 = vector.broadcast %gt3A_222 : f32 to vector<128x128xf32>
          %gt3A_224 = arith.cmpf ogt, %div3A_221, %gt3A_223 : vector<128x128xf32>
          %jit3A_225 = arith.constant 1.000000e+00 : f32
          %jit3A_226 = arith.constant 0.000000e+00 : f32
          %broadcast_in_dim3A_227 = vector.broadcast %jit3A_225 : f32 to vector<128x128xf32>
          %broadcast_in_dim3A_228 = vector.broadcast %jit3A_226 : f32 to vector<128x128xf32>
          %select_n3A_229 = arith.select %gt3A_224, %broadcast_in_dim3A_227, %broadcast_in_dim3A_228 : vector<128x128xi1>, vector<128x128xf32>
          %mul3A_230 = vector.broadcast %get3A_166 : vector<1x128xf32> to vector<128x128xf32>
          %mul3A_231 = arith.mulf %select_n3A_229, %mul3A_230 : vector<128x128xf32>
          %reduce_sum3A_232 = arith.constant dense<0.000000e+00> : vector<128xf32>
          %reduce_sum3A_233 = vector.multi_reduction <add>, %mul3A_231, %reduce_sum3A_232 [1] : vector<128x128xf32> to vector<128xf32>
          %broadcast_in_dim3A_234 = vector.shape_cast %reduce_sum3A_233 : vector<128xf32> to vector<128x1xf32>
          %add3A_235 = arith.addf %while3A_163, %broadcast_in_dim3A_234 : vector<128x1xf32>
          scf.yield %add3A_235 : vector<128x1xf32>
        } else {
          scf.yield %while3A_163 : vector<128x1xf32>
        }
        scf.yield %cond3A_177 : vector<128x1xf32>
      }
      %mul3A_44 = arith.constant 128 : i32
      %mul3A_45 = arith.muli %arg0, %mul3A_44 : i32
      %iota3A_46 = tpu.iota {dimensions = array<i32: 0>} : vector<128x1xi32>
      %add3A = vector.broadcast %mul3A_45 : i32 to vector<128x1xi32>
      %add3A_47 = arith.addi %add3A, %iota3A_46 : vector<128x1xi32>
      %eq3A_48 = arith.constant 0.000000e+00 : f32
      %eq3A_49 = vector.broadcast %eq3A_48 : f32 to vector<128x1xf32>
      %eq3A_50 = arith.cmpf oeq, %while3A_43, %eq3A_49 : vector<128x1xf32>
      %lt3A_51 = arith.constant 12000 : i32
      %lt3A_52 = vector.broadcast %lt3A_51 : i32 to vector<128x1xi32>
      %lt3A_53 = arith.cmpi slt, %add3A_47, %lt3A_52 : vector<128x1xi32>
      %and3A = arith.andi %eq3A_50, %lt3A_53 : vector<128x1xi1>
      %jit3A_54 = arith.constant 1.000000e+00 : f32
      %jit3A_55 = arith.constant 0.000000e+00 : f32
      %broadcast_in_dim3A_56 = vector.broadcast %jit3A_54 : f32 to vector<128x1xf32>
      %broadcast_in_dim3A_57 = vector.broadcast %jit3A_55 : f32 to vector<128x1xf32>
      %select_n3A_58 = arith.select %and3A, %broadcast_in_dim3A_56, %broadcast_in_dim3A_57 : vector<128x1xi1>, vector<128x1xf32>
      %get3A_59 = arith.index_cast %arg0 : i32 to index
      %get3A_60 = arith.constant 0 : index
      %get3A_61 = vector.load %arg1[%get3A_59, %get3A_60] : memref<96x128xf32, #tpu.memory_space<vmem>>, vector<1x128xf32>
      %get3A_62 = arith.index_cast %arg0 : i32 to index
      %get3A_63 = arith.constant 0 : index
      %get3A_64 = vector.load %arg2[%get3A_62, %get3A_63] : memref<96x128xf32, #tpu.memory_space<vmem>>, vector<1x128xf32>
      %get3A_65 = arith.index_cast %arg0 : i32 to index
      %get3A_66 = arith.constant 0 : index
      %get3A_67 = vector.load %arg3[%get3A_65, %get3A_66] : memref<96x128xf32, #tpu.memory_space<vmem>>, vector<1x128xf32>
      %get3A_68 = arith.index_cast %arg0 : i32 to index
      %get3A_69 = arith.constant 0 : index
      %get3A_70 = vector.load %arg4[%get3A_68, %get3A_69] : memref<96x128xf32, #tpu.memory_space<vmem>>, vector<1x128xf32>
      %sub3A_71 = arith.subf %get3A_67, %get3A_61 : vector<1x128xf32>
      %sub3A_72 = arith.subf %get3A_70, %get3A_64 : vector<1x128xf32>
      %mul3A_73 = arith.mulf %sub3A_71, %sub3A_72 : vector<1x128xf32>
      %max3A = vector.broadcast %get3A_11 : vector<128x1xf32> to vector<128x128xf32>
      %max3A_74 = vector.broadcast %get3A_61 : vector<1x128xf32> to vector<128x128xf32>
      %max3A_75 = arith.maximumf %max3A, %max3A_74 : vector<128x128xf32>
      %max3A_76 = vector.broadcast %get3A_16 : vector<128x1xf32> to vector<128x128xf32>
      %max3A_77 = vector.broadcast %get3A_64 : vector<1x128xf32> to vector<128x128xf32>
      %max3A_78 = arith.maximumf %max3A_76, %max3A_77 : vector<128x128xf32>
      %min3A = vector.broadcast %get3A_21 : vector<128x1xf32> to vector<128x128xf32>
      %min3A_79 = vector.broadcast %get3A_67 : vector<1x128xf32> to vector<128x128xf32>
      %min3A_80 = arith.minimumf %min3A, %min3A_79 : vector<128x128xf32>
      %min3A_81 = vector.broadcast %get3A_26 : vector<128x1xf32> to vector<128x128xf32>
      %min3A_82 = vector.broadcast %get3A_70 : vector<1x128xf32> to vector<128x128xf32>
      %min3A_83 = arith.minimumf %min3A_81, %min3A_82 : vector<128x128xf32>
      %sub3A_84 = arith.subf %min3A_80, %max3A_75 : vector<128x128xf32>
      %max3A_85 = arith.constant 0.000000e+00 : f32
      %max3A_86 = vector.broadcast %max3A_85 : f32 to vector<128x128xf32>
      %max3A_87 = arith.maximumf %sub3A_84, %max3A_86 : vector<128x128xf32>
      %sub3A_88 = arith.subf %min3A_83, %max3A_78 : vector<128x128xf32>
      %max3A_89 = arith.constant 0.000000e+00 : f32
      %max3A_90 = vector.broadcast %max3A_89 : f32 to vector<128x128xf32>
      %max3A_91 = arith.maximumf %sub3A_88, %max3A_90 : vector<128x128xf32>
      %mul3A_92 = arith.mulf %max3A_87, %max3A_91 : vector<128x128xf32>
      %add3A_93 = vector.broadcast %mul3A_73 : vector<1x128xf32> to vector<128x128xf32>
      %add3A_94 = vector.broadcast %mul3A : vector<128x1xf32> to vector<128x128xf32>
      %add3A_95 = arith.addf %add3A_93, %add3A_94 : vector<128x128xf32>
      %sub3A_96 = arith.subf %add3A_95, %mul3A_92 : vector<128x128xf32>
      %add3A_97 = arith.constant 9.99999971E-10 : f32
      %add3A_98 = vector.broadcast %add3A_97 : f32 to vector<128x128xf32>
      %add3A_99 = arith.addf %sub3A_96, %add3A_98 : vector<128x128xf32>
      %div3A = arith.divf %mul3A_92, %add3A_99 : vector<128x128xf32>
      %gt3A = arith.constant 0.699999988 : f32
      %gt3A_100 = vector.broadcast %gt3A : f32 to vector<128x128xf32>
      %gt3A_101 = arith.cmpf ogt, %div3A, %gt3A_100 : vector<128x128xf32>
      %jit3A_102 = arith.constant 1.000000e+00 : f32
      %jit3A_103 = arith.constant 0.000000e+00 : f32
      %broadcast_in_dim3A_104 = vector.broadcast %jit3A_102 : f32 to vector<128x128xf32>
      %broadcast_in_dim3A_105 = vector.broadcast %jit3A_103 : f32 to vector<128x128xf32>
      %select_n3A_106 = arith.select %gt3A_101, %broadcast_in_dim3A_104, %broadcast_in_dim3A_105 : vector<128x128xi1>, vector<128x128xf32>
      %iota3A_107 = tpu.iota {dimensions = array<i32: 1>} : vector<128x128xi32>
      %iota3A_108 = tpu.iota {dimensions = array<i32: 0>} : vector<128x128xi32>
      %lt3A_109 = arith.cmpi slt, %iota3A_107, %iota3A_108 : vector<128x128xi32>
      %jit3A_110 = arith.constant 1.000000e+00 : f32
      %jit3A_111 = arith.constant 0.000000e+00 : f32
      %broadcast_in_dim3A_112 = vector.broadcast %jit3A_110 : f32 to vector<128x128xf32>
      %broadcast_in_dim3A_113 = vector.broadcast %jit3A_111 : f32 to vector<128x128xf32>
      %select_n3A_114 = arith.select %lt3A_109, %broadcast_in_dim3A_112, %broadcast_in_dim3A_113 : vector<128x128xi1>, vector<128x128xf32>
      %mul3A_115 = arith.mulf %select_n3A_106, %select_n3A_114 : vector<128x128xf32>
      %while3A_116 = arith.constant true
      %while3A_117:2 = scf.while (%while3A_162 = %select_n3A_58, %while3A_163 = %while3A_116) : (vector<128x1xf32>, i1) -> (vector<128x1xf32>, i1) {
        scf.condition(%while3A_163) %while3A_162, %while3A_163 : vector<128x1xf32>, i1
      } do {
      ^bb0(%while3A_162: vector<128x1xf32>, %while3A_163: i1):
        %dot_general3A_164 = arith.constant dense<0.000000e+00> : vector<128x1xf32>
        %dot_general3A_165 = tpu.matmul %mul3A_115, %while3A_162, %dot_general3A_164 {dimension_numbers = #tpu.dot_dimension_numbers<[1], [0], [0], [1], [0, 0, 1, 1], [], []>, transpose_lhs_hint = false} : vector<128x128xf32>, vector<128x1xf32>, vector<128x1xf32> -> vector<128x1xf32>
        %eq3A_166 = arith.constant 0.000000e+00 : f32
        %eq3A_167 = vector.broadcast %eq3A_166 : f32 to vector<128x1xf32>
        %eq3A_168 = arith.cmpf oeq, %dot_general3A_165, %eq3A_167 : vector<128x1xf32>
        %jit3A_169 = arith.constant 1.000000e+00 : f32
        %jit3A_170 = arith.constant 0.000000e+00 : f32
        %broadcast_in_dim3A_171 = vector.broadcast %jit3A_169 : f32 to vector<128x1xf32>
        %broadcast_in_dim3A_172 = vector.broadcast %jit3A_170 : f32 to vector<128x1xf32>
        %select_n3A_173 = arith.select %eq3A_168, %broadcast_in_dim3A_171, %broadcast_in_dim3A_172 : vector<128x1xi1>, vector<128x1xf32>
        %mul3A_174 = arith.mulf %select_n3A_58, %select_n3A_173 : vector<128x1xf32>
        %ne3A = arith.cmpf one, %mul3A_174, %while3A_162 : vector<128x1xf32>
        %reduce_or3A = arith.constant 1.000000e+00 : f32
        %reduce_or3A_175 = arith.constant 0.000000e+00 : f32
        %reduce_or3A_176 = vector.broadcast %reduce_or3A : f32 to vector<128x1xf32>
        %reduce_or3A_177 = vector.broadcast %reduce_or3A_175 : f32 to vector<128x1xf32>
        %reduce_or3A_178 = arith.select %ne3A, %reduce_or3A_176, %reduce_or3A_177 : vector<128x1xi1>, vector<128x1xf32>
        %reduce_or3A_179 = vector.shape_cast %reduce_or3A_178 : vector<128x1xf32> to vector<1x128x1xf32>
        %reduce_or3A_180 = arith.constant dense<0xFF800000> : vector<1xf32>
        %reduce_or3A_181 = vector.multi_reduction <maximumf>, %reduce_or3A_179, %reduce_or3A_180 [1, 2] : vector<1x128x1xf32> to vector<1xf32>
        %reduce_or3A_182 = vector.shape_cast %reduce_or3A_181 : vector<1xf32> to vector<1x1x1xf32>
        %reduce_or3A_183 = vector.extract %reduce_or3A_182[0, 0, 0] : f32 from vector<1x1x1xf32>
        %reduce_or3A_184 = arith.constant 0.000000e+00 : f32
        %reduce_or3A_185 = arith.cmpf ogt, %reduce_or3A_183, %reduce_or3A_184 : f32
        scf.yield %mul3A_174, %reduce_or3A_185 : vector<128x1xf32>, i1
      }
      %dot_general3A = arith.constant dense<0.000000e+00> : vector<1x128xf32>
      %dot_general3A_118 = tpu.matmul %while3A_117#0, %select_n3A, %dot_general3A {dimension_numbers = #tpu.dot_dimension_numbers<[0], [0], [1], [1], [0, 1, 1, 1], [], []>, transpose_lhs_hint = false} : vector<128x1xf32>, vector<128x128xf32>, vector<1x128xf32> -> vector<1x128xf32>
      %swap3A = arith.index_cast %arg0 : i32 to index
      %swap3A_119 = arith.constant 0 : index
      %swap3A_120 = vector.load %arg9[%swap3A, %swap3A_119] : memref<96x128xf32, #tpu.memory_space<vmem>>, vector<1x128xf32>
      tpu.vector_store %arg9[%swap3A, %swap3A_119], %dot_general3A_118 {strides = array<i32>} : memref<96x128xf32, #tpu.memory_space<vmem>>, vector<1x128xf32>,
      %iota3A_121 = tpu.iota {dimensions = array<i32: 1>} : vector<128x128xi32>
      %iota3A_122 = tpu.iota {dimensions = array<i32: 0>} : vector<128x128xi32>
      %le3A = arith.cmpi sle, %iota3A_121, %iota3A_122 : vector<128x128xi32>
      %jit3A_123 = arith.constant 1.000000e+00 : f32
      %jit3A_124 = arith.constant 0.000000e+00 : f32
      %broadcast_in_dim3A_125 = vector.broadcast %jit3A_123 : f32 to vector<128x128xf32>
      %broadcast_in_dim3A_126 = vector.broadcast %jit3A_124 : f32 to vector<128x128xf32>
      %select_n3A_127 = arith.select %le3A, %broadcast_in_dim3A_125, %broadcast_in_dim3A_126 : vector<128x128xi1>, vector<128x128xf32>
      %dot_general3A_128 = arith.constant dense<0.000000e+00> : vector<128x1xf32>
      %dot_general3A_129 = tpu.matmul %select_n3A_127, %while3A_117#0, %dot_general3A_128 {dimension_numbers = #tpu.dot_dimension_numbers<[1], [0], [0], [1], [0, 0, 1, 1], [], []>, transpose_lhs_hint = false} : vector<128x128xf32>, vector<128x1xf32>, vector<128x1xf32> -> vector<128x1xf32>
      %dot_general3A_130 = arith.constant dense<0.000000e+00> : vector<1x128xf32>
      %dot_general3A_131 = tpu.matmul %dot_general3A_129, %select_n3A, %dot_general3A_130 {dimension_numbers = #tpu.dot_dimension_numbers<[0], [0], [1], [1], [0, 1, 1, 1], [], []>, transpose_lhs_hint = false} : vector<128x1xf32>, vector<128x128xf32>, vector<1x128xf32> -> vector<1x128xf32>
      %get3A_132 = arith.constant 0 : index
      %get3A_133 = memref.load %arg11[%get3A_132] : memref<1xi32, #tpu.memory_space<smem>>
      %convert_element_type3A_134 = arith.fptosi %dot_general3A_131 : vector<1x128xf32> to vector<1x128xi32>
      %add3A_135 = vector.broadcast %get3A_133 : i32 to vector<1x128xi32>
      %add3A_136 = arith.addi %add3A_135, %convert_element_type3A_134 : vector<1x128xi32>
      %sub3A_137 = arith.constant 1 : i32
      %sub3A_138 = vector.broadcast %sub3A_137 : i32 to vector<1x128xi32>
      %sub3A_139 = arith.subi %add3A_136, %sub3A_138 : vector<1x128xi32>
      %gt3A_140 = arith.constant 0.000000e+00 : f32
      %gt3A_141 = vector.broadcast %gt3A_140 : f32 to vector<1x128xf32>
      %gt3A_142 = arith.cmpf ogt, %dot_general3A_118, %gt3A_141 : vector<1x128xf32>
      %min3A_143 = arith.constant 2047 : i32
      %min3A_144 = vector.broadcast %min3A_143 : i32 to vector<1x128xi32>
      %min3A_145 = arith.minsi %sub3A_139, %min3A_144 : vector<1x128xi32>
      %jit3A_146 = arith.constant 2047 : i32
      %broadcast_in_dim3A_147 = vector.broadcast %jit3A_146 : i32 to vector<1x128xi32>
      %select_n3A_148 = arith.select %gt3A_142, %min3A_145, %broadcast_in_dim3A_147 : vector<1x128xi1>, vector<1x128xi32>
      %swap3A_149 = arith.index_cast %arg0 : i32 to index
      %swap3A_150 = arith.constant 0 : index
      %swap3A_151 = vector.load %arg10[%swap3A_149, %swap3A_150] : memref<96x128xi32, #tpu.memory_space<vmem>>, vector<1x128xi32>
      tpu.vector_store %arg10[%swap3A_149, %swap3A_150], %select_n3A_148 {strides = array<i32>} : memref<96x128xi32, #tpu.memory_space<vmem>>, vector<1x128xi32>,
      %get3A_152 = arith.constant 0 : index
      %get3A_153 = memref.load %arg11[%get3A_152] : memref<1xi32, #tpu.memory_space<smem>>
      %reduce_sum3A = vector.shape_cast %while3A_117#0 : vector<128x1xf32> to vector<1x128x1xf32>
      %reduce_sum3A_154 = arith.constant dense<0.000000e+00> : vector<1xf32>
      %reduce_sum3A_155 = vector.multi_reduction <add>, %reduce_sum3A, %reduce_sum3A_154 [1, 2] : vector<1x128x1xf32> to vector<1xf32>
      %reduce_sum3A_156 = vector.shape_cast %reduce_sum3A_155 : vector<1xf32> to vector<1x1x1xf32>
      %reduce_sum3A_157 = vector.extract %reduce_sum3A_156[0, 0, 0] : f32 from vector<1x1x1xf32>
      %convert_element_type3A_158 = arith.fptosi %reduce_sum3A_157 : f32 to i32
      %add3A_159 = arith.addi %get3A_153, %convert_element_type3A_158 : i32
      %swap3A_160 = arith.constant 0 : index
      %swap3A_161 = memref.load %arg11[%swap3A_160] : memref<1xi32, #tpu.memory_space<smem>>
      memref.store %add3A_159, %arg11[%swap3A_160] : memref<1xi32, #tpu.memory_space<smem>>
    } else {
    }
    return
  }
  func.func @transform_0(%arg0: i32) -> (i32, i32) {
    %c0_i32 = arith.constant 0 : i32
    %c0_i32_0 = arith.constant 0 : i32
    %c0_i32_1 = arith.constant 0 : i32
    return %c0_i32, %c0_i32_0 : i32, i32
  }
  func.func @transform_1(%arg0: i32) -> (i32, i32) {
    %c0_i32 = arith.constant 0 : i32
    %c0_i32_0 = arith.constant 0 : i32
    %c0_i32_1 = arith.constant 0 : i32
    return %c0_i32, %c0_i32_0 : i32, i32
  }
  func.func @transform_2(%arg0: i32) -> (i32, i32) {
    %c0_i32 = arith.constant 0 : i32
    %c0_i32_0 = arith.constant 0 : i32
    %c0_i32_1 = arith.constant 0 : i32
    return %c0_i32, %c0_i32_0 : i32, i32
  }
  func.func @transform_3(%arg0: i32) -> (i32, i32) {
    %c0_i32 = arith.constant 0 : i32
    %c0_i32_0 = arith.constant 0 : i32
    %c0_i32_1 = arith.constant 0 : i32
    return %c0_i32, %c0_i32_0 : i32, i32
  }
  func.func @transform_4(%arg0: i32) -> (i32, i32, i32) {
    %c0_i32 = arith.constant 0 : i32
    %c0_i32_0 = arith.constant 0 : i32
    %c0_i32_1 = arith.constant 0 : i32
    return %arg0, %c0_i32, %c0_i32_0 : i32, i32, i32
  }
  func.func @transform_5(%arg0: i32) -> (i32, i32, i32) {
    %c0_i32 = arith.constant 0 : i32
    %c0_i32_0 = arith.constant 0 : i32
    %c0_i32_1 = arith.constant 0 : i32
    return %arg0, %c0_i32, %c0_i32_0 : i32, i32, i32
  }
  func.func @transform_6(%arg0: i32) -> (i32, i32, i32) {
    %c0_i32 = arith.constant 0 : i32
    %c0_i32_0 = arith.constant 0 : i32
    %c0_i32_1 = arith.constant 0 : i32
    return %arg0, %c0_i32, %c0_i32_0 : i32, i32, i32
  }
  func.func @transform_7(%arg0: i32) -> (i32, i32, i32) {
    %c0_i32 = arith.constant 0 : i32
    %c0_i32_0 = arith.constant 0 : i32
    %c0_i32_1 = arith.constant 0 : i32
    return %arg0, %c0_i32, %c0_i32_0 : i32, i32, i32
  }
  func.func @transform_8(%arg0: i32) -> (i32, i32) {
    %c0_i32 = arith.constant 0 : i32
    %c0_i32_0 = arith.constant 0 : i32
    %c0_i32_1 = arith.constant 0 : i32
    return %c0_i32, %c0_i32_0 : i32, i32
  }
  func.func @transform_9(%arg0: i32) -> (i32, i32) {
    %c0_i32 = arith.constant 0 : i32
    %c0_i32_0 = arith.constant 0 : i32
    %c0_i32_1 = arith.constant 0 : i32
    return %c0_i32, %c0_i32_0 : i32, i32
  }
}

</mosaic_0001>

<sc_bundles>
// kernel: kernel.10.cloned.1.call-start
scs
__scs_entry_jumppad:
0x0: {  	(pc) =	sbr.rel $0x88, $3  }
0x1: {  	(tag) =	ssettag $0x0;
	lr =	simm.s32 $0x1  }
0x2: {  	[smem:$0x3F99] =	sst lr;
	_ =	strace $0xD0000000  }
0x3: {  	_ = 	snop  }
0x4: {  	_ = 	snop  }
0x5: {  	_ = 	snop  }
0x6: {  	_ = 	snop  }
0x7: {  	_ = 	snop  }
__scs_overlays_trampoline_lowered:
0x8: {  	[smem:$0x3FA8] =	sst s0  }
0x9: {  	[smem:$0x3FA9] =	sst s1  }
0xa: {  	[smem:$0x3FAA] =	sst s2  }
0xb: {  	[smem:$0x3FAB] =	sst s3  }
0xc: {  	[smem:$0x3FAC] =	sst s4  }
0xd: {  	[smem:$0x3FAD] =	sst s5  }
0xe: {  	[smem:$0x3FAE] =	sst s6  }
0xf: {  	[smem:$0x3FAF] =	sst s7  }
0x10: {  	[smem:$0x3FB0] =	sst s8  }
0x11: {  	[smem:$0x3FB1] =	sst s9;
	s0 =	simm.s32 @!p0 $0x0  }
0x12: {  	s1 =	sld [smem:$0x3F97];
	s0 =	simm.s32 @p0 $0x1  }
0x13: {  	[smem:$0x3FB2] =	sst s0;
	s0 =	simm.s32 @!p1 $0x0  }
0x14: {  	s2 =	sld [smem:$0x3F96];
	s0 =	simm.s32 @p1 $0x1  }
0x15: {  	[smem:$0x3FB3] =	sst s0;
	s0 =	simm.s32 @!p2 $0x0  }
0x16: {  	s3 =	sld [smem:$0x3FDB];
	s0 =	simm.s32 @p2 $0x1  }
0x17: {  	s4 =	simm.s32 $0x1BF5;
	[smem:$0x3FB5] =	sst s0  }
0x18: {  	s0 =	sld [smem:$0x3F98];
	_ =	swait.ge [sflag:s4], $0x0  }
0x19: {  	s7 =	sld [smem:$0x3F99]  }
0x1a: {  	s8 =	sadd.s32 $0xFFFFE003, lr  }
0x1b: {  	s9 =	sadd.s32 $0xFFFFFEF7, lr;
	s5 =	simm.s32 $0xFFFFFFFF;
	p2 =	slt.u32 s8, $0xFFFFF086  }
0x1c: {  	p1 =	slt.u32 s9, $0xF7A;
	s5 =	simm.s32 @!p2 $0x0  }
0x1d: {  	s5 =	simm.s32 @p1 $0x1;
	p0 =	seq.s32 s7, s2  }
0x1e: {  	s7 =	smul.u32 @!p0 $0xF7A, s2;
	p2 =	seq.s32 @!p0 s5, $0x0  }
0x1f: {  	s9 =	smul.u32 $0xF7A, s1;
	s8 =	simm.s32 @!p0 $0x1BF5;
	p2 =	por !p2, p0  }
0x20: {  	[sflag:s8] =	ssyncset.s32 @!p0 $0xFFFFF086;
	s6 =	sadd.s32 @!p0 s3, s7;
	s7 =	simm.s32 @!p0 $0x108  }
0x21: {  	s3 =	sadd.s32 s3, s9;
	s6 =	sadd.s32 @!p0 $0x88, s6;
	s7 =	simm.s32 @p2 $0x1082  }
0x22: {  	[simem:s7], [sflag:s8] =	dma.local @!p0 [hbm:s6], $0xF7A  }
0x23: {  	s9 =	sor.u32 $0xD0000000, s2;
	s6 =	simm.s32 $0x108;
	_ =	swait.ge @!p0 [sflag:s8], $0x0  }
0x24: {  	s3 =	sadd.s32 $0x88, s3;
	s6 =	simm.s32 @!p1 $0x1082;
	[sflag:s4] =	ssyncset.s32 $0xFFFFF086  }
0x25: {  	[simem:s6], [sflag:s4] =	dma.local [hbm:s3], $0xF7A  }
0x26: {  	[smem:$0x3F99] =	sst s1;
	(tag) =	ssettag s2;
	_ =	strace s9  }
0x27: {  	s1 =	sld [smem:$0x3FA9]  }
0x28: {  	s2 =	sld [smem:$0x3FAA]  }
0x29: {  	s4 =	sld [smem:$0x3FAC]  }
0x2a: {  	p0 =	seq.s32 s5, $0x0;
	s5 =	sld [smem:$0x3FAD]  }
0x2b: {  	s6 =	sld [smem:$0x3FAE]  }
0x2c: {  	s7 =	sld [smem:$0x3FAF]  }
0x2d: {  	s3 =	simm.s32 $0x108;
	s8 =	sld [smem:$0x3FB0]  }
0x2e: {  	s3 =	simm.s32 @!p0 $0x1082;
	s9 =	sld [smem:$0x3FB1]  }
0x2f: {  	lr =	sadd.s32 s0, s3;
	s0 =	sld [smem:$0x3FA8]  }
0x30: {  	s3 =	sld [smem:$0x3FAB]  }
0x31: {  	[smem:$0x3FB4] =	sst s10  }
0x32: {  	s10 =	sld [smem:$0x3FB2];
	_ =	sdelay $0x3  }
0x33: {  	p0 =	seq.s32 s10, $0x1;
	s10 =	sld [smem:$0x3FB4];
	_ =	sdelay $0x3  }
0x34: {  	[smem:$0x3FB4] =	sst s10  }
0x35: {  	s10 =	sld [smem:$0x3FB3];
	_ =	sdelay $0x3  }
0x36: {  	p1 =	seq.s32 s10, $0x1;
	s10 =	sld [smem:$0x3FB4];
	_ =	sdelay $0x3  }
0x37: {  	[smem:$0x3FB4] =	sst s10  }
0x38: {  	s10 =	sld [smem:$0x3FB5]  }
0x39: {  	_ = 	snop;
	(pc) =	sbr.ind lr, $3  }
0x3a: {  	_ = 	snop  }
0x3b: {  	_ = 	snop  }
0x3c: {  	p2 =	seq.s32 s10, $0x1;
	s10 =	sld [smem:$0x3FB4]  }
0x3d: {  	_ =	shalt  }
0x3e: {  	_ =	shalt  }
0x3f: {  	_ =	shalt  }
0x40: {  	_ =	shalt  }
0x41: {  	_ =	shalt  }
0x42: {  	_ =	shalt  }
0x43: {  	_ =	shalt  }
0x44: {  	_ =	shalt  }
0x45: {  	_ =	shalt  }
0x46: {  	_ =	shalt  }
0x47: {  	_ =	shalt  }
0x48: {  	_ =	shalt  }
0x49: {  	_ =	shalt  }
0x4a: {  	_ =	shalt  }
0x4b: {  	_ =	shalt  }
0x4c: {  	_ =	shalt  }
0x4d: {  	_ =	shalt  }
0x4e: {  	_ =	shalt  }
0x4f: {  	_ =	shalt  }
0x50: {  	_ =	shalt  }
0x51: {  	_ =	shalt  }
0x52: {  	_ =	shalt  }
0x53: {  	_ =	shalt  }
0x54: {  	_ =	shalt  }
0x55: {  	_ =	shalt  }
0x56: {  	_ =	shalt  }
0x57: {  	_ =	shalt  }
0x58: {  	_ =	shalt  }
0x59: {  	_ =	shalt  }
0x5a: {  	_ =	shalt  }
0x5b: {  	_ =	shalt  }
0x5c: {  	_ =	shalt  }
0x5d: {  	_ =	shalt  }
0x5e: {  	_ =	shalt  }
0x5f: {  	_ =	shalt  }
0x60: {  	_ =	shalt  }
0x61: {  	_ =	shalt  }
0x62: {  	_ =	shalt  }
0x63: {  	_ =	shalt  }
0x64: {  	_ =	shalt  }
0x65: {  	_ =	shalt  }
0x66: {  	_ =	shalt  }
0x67: {  	_ =	shalt  }
0x68: {  	_ =	shalt  }
0x69: {  	_ =	shalt  }
0x6a: {  	_ =	shalt  }
0x6b: {  	_ =	shalt  }
0x6c: {  	_ =	shalt  }
0x6d: {  	_ =	shalt  }
0x6e: {  	_ =	shalt  }
0x6f: {  	_ =	shalt  }
0x70: {  	_ =	shalt  }
0x71: {  	_ =	shalt  }
0x72: {  	_ =	shalt  }
0x73: {  	_ =	shalt  }
0x74: {  	_ =	shalt  }
0x75: {  	_ =	shalt  }
0x76: {  	_ =	shalt  }
0x77: {  	_ =	shalt  }
0x78: {  	_ =	shalt  }
0x79: {  	_ =	shalt  }
0x7a: {  	_ =	shalt  }
0x7b: {  	_ =	shalt  }
0x7c: {  	_ =	shalt  }
0x7d: {  	_ =	shalt  }
0x7e: {  	_ =	shalt  }
0x7f: {  	_ =	shalt  }
0x80: {  	_ =	shalt  }
0x81: {  	_ =	shalt  }
0x82: {  	_ =	shalt  }
0x83: {  	_ =	shalt  }
0x84: {  	_ =	shalt  }
0x85: {  	_ =	shalt  }
0x86: {  	_ =	shalt  }
0x87: {  	_ =	shalt  }
.Lfunc_end0:
.L_simem_size_0:
called_computation.1_lowered:
.L_overlay_start_0:
0x88: {  	s2 =	sld [smem:$0x3FD9]  }
0x89: {  	s3 =	sld [smem:$0x3FFE];
	_ =	sdelay $0x1  }
0x8a: {  	s1 =	srdreg.scid  }
0x8b: {  	s0 =	sand.u32 $0x1, s1  }
0x8c: {  	s14 =	sshll.u32 s0, $0xA;
	s2 =	sadd.s32 s3, s2  }
0x8d: {  	s2 =	sadd.s32 s2, s14  }
0x8e: {  	[smem:$0x3FC0] =	sst s2  }
0x8f: {  	_ = 	snop  }
0x90: {  	s2 =	sld [smem:$0x3FD0];
	_ =	sdelay $0x2  }
0x91: {  	s15 =	simm.s32 $0xA;
	s4 =	simm.s32 $0x10  }
0x92: {  	[smem:s4], [sflag:s15] =	dma.local [hbm:s2], $0x1  }
0x93: {  	_ =	swait.eq [sflag:s15], $0x1  }
0x94: {  	[sflag:s15] =	ssyncset.done $0x0  }
0x95: {  	[sflag:s15] =	ssyncadd.s32 $0xFFFFFFFF  }
0x96: {  	s16 =	sld [smem:$0x12];
	(tm) =	ssettm $0x1  }
0x97: {  	s17 =	sld [smem:$0x3FFB];
	_ =	sdelay $0x3  }
0x98: {  	_ =	strace s17  }
0x99: {  	s3 =	sld [smem:$0x3FFC];
	_ =	sdelay $0x3  }
0x9a: {  	_ =	strace s3  }
0x9b: {  	s3 =	sld [smem:$0x3FFD];
	_ =	sdelay $0x3  }
0x9c: {  	_ =	strace s3  }
0x9d: {  	_ =	strace $0x8FFFFFFF  }
0x9e: {  	s18 =	sld [smem:$0x3FDB];
	_ =	sdelay $0x1  }
0x9f: {  	s19 =	simm.s32 $_scs_section_size  }
0xa0: {  	s5 =	simm.s32 $_size__tile_overlayer_lowered;
	s6 =	simm.s32 $_tile_overlayer_lowered  }
0xa1: {  	s22 =	simm.s32 $0x1BFF;
	s21 =	sshll.u32 s6, $0x1;
	s3 =	sadd.s32 s19, s18  }
0xa2: {  	s7 =	simm.s32 $0x0;
	s20 =	sshll.u32 s5, $0x1;
	s5 =	sadd.s32 s21, s3  }
0xa3: {  	[timem:s7], [sflag:s22] =	dma.local [hbm:s5], s20  }
0xa4: {  	_ =	swait.ge [sflag:s22], s20  }
0xa5: {  	s4 =	ssub.s32 $0x0, s20;
	[sflag:s22] =	ssyncset.done $0x0  }
0xa6: {  	[sflag:s22] =	ssyncadd.s32 s4;
	_ =	sdelay $0x1  }
0xa7: {  	s23 =	simm.s32 $0x1B8B  }
0xa8: {  	_ =	swait.ge [sflag:s23], $0x1  }
0xa9: {  	[sflag:s23] =	ssyncset.done $0x0  }
0xaa: {  	s25 =	simm.s32 $0x1B8E;
	s24 =	sld [smem:$0x3FFE];
	[sflag:s23] =	ssyncadd.s32 $0xFFFFFFFF  }
0xab: {  	s26 =	simm.s32 $execute0_lowered;
	[smem:$0x3FD2] =	sst s25  }
0xac: {  	s5 =	sshll.u32 s26, $0x1;
	_ =	strace $0x80000049;
	[dreg:$0x1] =	wrdreg $0xFFFFFFFF  }
0xad: {  	s28 =	simm.s32 $_size_execute0_lowered;
	s3 =	sadd.s32 s3, s5;
	[dreg:$0x0] =	wrdreg $0x0  }
0xae: {  	s5 =	sshll.u32 s28, $0x1;
	[dreg:$0x2] =	wrdreg s3  }
0xaf: {  	[dreg:$0x3] =	wrdreg s5  }
0xb0: {  	[dreg:$0x4] =	wrdreg $0xC0  }
0xb1: {  	_ =	task [dreg:s7], $0x5FFFF  }
0xb2: {  	[dreg:$0x1] =	wrdreg $0xFFFFFFFF  }
0xb3: {  	[dreg:$0x0] =	wrdreg $0x60  }
0xb4: {  	[dreg:$0x2] =	wrdreg s24  }
0xb5: {  	[dreg:$0x3] =	wrdreg s16  }
0xb6: {  	[dreg:$0x4] =	wrdreg $0x9  }
0xb7: {  	_ =	task.clear_ibuf [dreg:s7], $0x5FFFF;
	_ =	strace $0x90000049  }
0xb8: {  	s29 =	simm.s32 $0x9;
	_ =	strace $0x8000004B  }
0xb9: {  	_ =	swait.ge [sflag:s29], $0x1  }
0xba: {  	[sflag:s29] =	ssyncadd.s32 $0xFFFFFFFF  }
0xbb: {  	_ =	strace $0x9000004B  }
0xbc: {  	_ =	sfence  }
0xbd: {  	s30 =	sld [smem:$0x0];
	_ =	sdelay $0x2  }
0xbe: {  	s31 =	sshll.u32 s1, $0xD;
	s1 =	sshrl.u32 s1, $0x2  }
0xbf: {  	s3 =	sand.u32 $0x4000, s31;
	s1 =	sadd.s32 s1, s30  }
0xc0: {  	s0 =	sor.u32 s3, s0;
	s1 =	sshll.u32 s1, $0x11  }
0xc1: {  	s0 =	sor.u32 s1, s0  }
0xc2: {  	s0 =	sadd.s32 $0x8F2B, s0  }
0xc3: {  	[sflag:s0] =	ssyncadd.remote.s32 $0x1  }
0xc4: {  	_ =	sfence.sel $0xFFFF  }
0xc5: {  	[dreg:$0x0] =	wrdreg $0xFFFFFFFF;
	(pc) =	sbr.abs _section_cstart, $3  }
0xc6: {  	[dreg:$0x1] =	wrdreg $0xFFFFFFFF  }
0xc7: {  	_ =	task.clear_ibuf [dreg:s7], $0x2FFFF;
	_ =	strace $0x9FFFFFFF  }
0xc8: {  	(tm) =	ssettm $0x7FFFFFFF  }
0xc9: {  	_ =	shalt  }
tec
execute0_lowered:
.L_overlay_start_1:
0x0: {  	(tag) =	ssettag $0x1  }
0x1: {  	s0 =	srdreg.scid  }
0x2: {  	s6 =	sand.u32 $0x1, s0;
	s0 =	stileid.u32  }
0x3: {  	s3 =	sshll.u32 s0, $0x1;
	s4 =	ssub.s32 $0x0, s6  }
0x4: {  	p0 =	sne.s32 s3, s4  }
.Ltmp0:
0x5: {  	_ = 	snop;
	(pc) =	sbr.rel @p0 .LBB2_7-.Ltmp0, $4  }
0x6: {  	_ = 	snop  }
0x7: {  	s11 =	rddreg [dreg:$0x0]  }
0x8: {  	s2 =	rddreg [dreg:$0x1]  }
0x9: {  	s1 =	rddreg [dreg:$0x2];
	_ =	strace $0x8000004A  }
0xa: {  	s3 =	sadd.s32 $0x4000, s11  }
0xb: {  	s4 =	sadd.s32 $0x5E00, s11;
	s5 =	sadd.s32 $0x6400, s11;
	s10 =	ssub.s32 $0x2, s6  }
0xc: {  	s6 =	sadd.s32 $0x6A00, s11;
	s7 =	sadd.s32 $0x7000, s11;
	s8 =	sadd.s32 $0x7600, s11  }
0xd: {  	s9 =	sadd.s32 $0x4600, s11;
	s13 =	simm.s32 $0x0;
	s14 =	simm.s32 $0x1  }
0xe: {  	s15 =	simm.s32 $0x3000;
	s16 =	simm.s32 $0x6000;
	s17 =	simm.s32 $0x9000  }
0xf: {  	s18 =	simm.s32 $0xC000;
	s19 =	simm.s32 $0xF000;
	s20 =	simm.s32 $0xF080  }
0x10: {  	s21 =	simm.s32 $0xF880;
	s22 =	simm.s32 $0x10080;
	s12 =	sshrl.u32 s10, $0x1  }
0x11: {  	s23 =	simm.s32 $0x10880;
	s24 =	simm.s32 $0x0;
	s12 =	ssub.s32 s10, s12  }
0x12: {  	s10 =	sadd.s32 $0x4800, s11;
	s11 =	sadd.s32 $0x4A00, s11;
	s12 =	smax.u32 s12, $0x1  }
.LBB2_2:
0x13: {  	[tilespmem:s13], [sflag:$0x1] =	stream.linear.gather [hbm4b:s3+s13], $0x3000, $0x38;
	[tilespmem:$0x11080] =	vst v63  }
0x14: {  	_ =	swait.ge [sflag:s14], $0x3000  }
0x15: {  	[sflag:s14] =	ssyncset.done $0x0  }
0x16: {  	[sflag:s14] =	ssyncadd.s32 $0xFFFFD000  }
0x17: {  	[tilespmem:s15], [sflag:$0x1] =	stream.linear.gather [hbm4b:s4+s13], $0x3000, $0x38;
	[tilespmem:$0x11080] =	vst v63  }
0x18: {  	_ =	swait.ge [sflag:s14], $0x3000  }
0x19: {  	[sflag:s14] =	ssyncset.done $0x0  }
0x1a: {  	[sflag:s14] =	ssyncadd.s32 $0xFFFFD000  }
0x1b: {  	[tilespmem:s16], [sflag:$0x1] =	stream.linear.gather [hbm4b:s5+s13], $0x3000, $0x38;
	[tilespmem:$0x11080] =	vst v63  }
0x1c: {  	_ =	swait.ge [sflag:s14], $0x3000  }
0x1d: {  	[sflag:s14] =	ssyncset.done $0x0  }
0x1e: {  	[sflag:s14] =	ssyncadd.s32 $0xFFFFD000  }
0x1f: {  	[tilespmem:s17], [sflag:$0x1] =	stream.linear.gather [hbm4b:s6+s13], $0x3000, $0x38;
	[tilespmem:$0x11080] =	vst v63  }
0x20: {  	_ =	swait.ge [sflag:s14], $0x3000  }
0x21: {  	[sflag:s14] =	ssyncset.done $0x0  }
0x22: {  	[sflag:s14] =	ssyncadd.s32 $0xFFFFD000  }
0x23: {  	[tilespmem:s18], [sflag:$0x1] =	stream.linear.gather [hbm4b:s7+s13], $0x3000, $0x38;
	[tilespmem:$0x11080] =	vst v63  }
0x24: {  	_ =	swait.ge [sflag:s14], $0x3000  }
0x25: {  	[sflag:s14] =	ssyncset.done $0x0  }
0x26: {  	[sflag:s14] =	ssyncadd.s32 $0xFFFFD000  }
0x27: {  	[tilespmem:s19], [sflag:$0x1] =	stream.linear.gather [hbm4b:s8+s13], $0x80, $0x38;
	[tilespmem:$0x11080] =	vst v63  }
0x28: {  	_ =	swait.ge [sflag:s14], $0x80  }
0x29: {  	[sflag:s14] =	ssyncset.done $0x0  }
0x2a: {  	[sflag:s14] =	ssyncadd.s32 $0xFFFFFF80  }
0x2b: {  	s25 =	simm.s32 $0x40;
	s26 =	simm.s32 $0x0;
	v0 =	vld [tilespmem:$0xF000]  }
.LBB2_3:
0x2c: {  	p0 =	sne.s32 s25, $0x1FC0;
	_ =	sdelay $0x2  }
0x2d: {  	s28 =	sshra.s32 s26, $0x2;
	s26 =	smov.u32 s25  }
0x2e: {  	[tilespmem:s28+$0xF080] =	vst v0  }
0x2f: {  	v0 =	vld [tilespmem:$0xF010];
	_ =	sdelay $0x4  }
0x30: {  	[tilespmem:s28+$0xF880] =	vst v0  }
0x31: {  	v0 =	vld [tilespmem:$0xF020];
	_ =	sdelay $0x4  }
0x32: {  	[tilespmem:s28+$0x10080] =	vst v0  }
0x33: {  	v0 =	vld [tilespmem:$0xF030];
	_ =	sdelay $0x1  }
.Ltmp1:
0x34: {  	(pc) =	sbr.rel @p0 .LBB2_3-.Ltmp1, $3  }
0x35: {  	_ =	sdelay $0x1  }
0x36: {  	[tilespmem:s28+$0x10880] =	vst v0  }
0x37: {  	s25 =	sadd.s32 $0x40, s25;
	v0 =	vld [tilespmem:$0xF000]  }
0x38: {  	_ =	sdelay $0x2  }
0x39: {  	s25 =	sshra.s32 s26, $0x2  }
0x3a: {  	[tilespmem:s25+$0xF080] =	vst v0  }
0x3b: {  	v0 =	vld [tilespmem:$0xF010];
	_ =	sdelay $0x4  }
0x3c: {  	[tilespmem:s25+$0xF880] =	vst v0  }
0x3d: {  	v0 =	vld [tilespmem:$0xF020];
	_ =	sdelay $0x4  }
0x3e: {  	[tilespmem:s25+$0x10080] =	vst v0  }
0x3f: {  	v0 =	vld [tilespmem:$0xF030];
	_ =	sdelay $0x4  }
0x40: {  	[tilespmem:s25+$0x10880] =	vst v0;
	s25 =	simm.s32 $0x0  }
.LBB2_5:
0x41: {  	s26 =	sshra.s32 s25, $0x2  }
0x42: {  	v0 =	vld [tilespmem:s26+$0x0];
	_ =	sdelay $0x4  }
0x43: {  	vm0 =	vlt.s32 v0, $0x7FF  }
0x44: {  	v1 =	vld [tilespmem:s26+$0x3000];
	_ =	sdelay $0x4  }
0x45: {  	[tilespmem:v0+s20+$0x0] =	vst.idx.msk vm0, v1  }
0x46: {  	v1 =	vld [tilespmem:s26+$0x6000];
	_ =	sdelay $0x4  }
0x47: {  	[tilespmem:v0+s21+$0x0] =	vst.idx.msk vm0, v1  }
0x48: {  	v1 =	vld [tilespmem:s26+$0x9000];
	_ =	sdelay $0x4  }
0x49: {  	[tilespmem:v0+s22+$0x0] =	vst.idx.msk vm0, v1  }
0x4a: {  	v1 =	vld [tilespmem:s26+$0xC000];
	_ =	sdelay $0x4  }
0x4b: {  	[tilespmem:v0+s23+$0x0] =	vst.idx.msk vm0, v1  }
0x4c: {  	v0 =	vld [tilespmem:s26+$0x10];
	_ =	sdelay $0x4  }
0x4d: {  	vm9 =	vlt.s32 v0, $0x7FF  }
0x4e: {  	v1 =	vld [tilespmem:s26+$0x3010];
	_ =	sdelay $0x4  }
0x4f: {  	[tilespmem:v0+s20+$0x0] =	vst.idx.msk vm9, v1  }
0x50: {  	v1 =	vld [tilespmem:s26+$0x6010];
	_ =	sdelay $0x4  }
0x51: {  	[tilespmem:v0+s21+$0x0] =	vst.idx.msk vm9, v1  }
0x52: {  	v1 =	vld [tilespmem:s26+$0x9010];
	_ =	sdelay $0x4  }
0x53: {  	[tilespmem:v0+s22+$0x0] =	vst.idx.msk vm9, v1  }
0x54: {  	v1 =	vld [tilespmem:s26+$0xC010];
	_ =	sdelay $0x4  }
0x55: {  	[tilespmem:v0+s23+$0x0] =	vst.idx.msk vm9, v1  }
0x56: {  	v0 =	vld [tilespmem:s26+$0x20];
	_ =	sdelay $0x4  }
0x57: {  	vm10 =	vlt.s32 v0, $0x7FF  }
0x58: {  	v1 =	vld [tilespmem:s26+$0x3020];
	_ =	sdelay $0x4  }
0x59: {  	[tilespmem:v0+s20+$0x0] =	vst.idx.msk vm10, v1  }
0x5a: {  	v1 =	vld [tilespmem:s26+$0x6020];
	_ =	sdelay $0x4  }
0x5b: {  	[tilespmem:v0+s21+$0x0] =	vst.idx.msk vm10, v1  }
0x5c: {  	v1 =	vld [tilespmem:s26+$0x9020];
	_ =	sdelay $0x4  }
0x5d: {  	[tilespmem:v0+s22+$0x0] =	vst.idx.msk vm10, v1  }
0x5e: {  	v1 =	vld [tilespmem:s26+$0xC020];
	_ =	sdelay $0x4  }
0x5f: {  	[tilespmem:v0+s23+$0x0] =	vst.idx.msk vm10, v1  }
0x60: {  	v0 =	vld [tilespmem:s26+$0x30];
	_ =	sdelay $0x4  }
0x61: {  	vm11 =	vlt.s32 v0, $0x7FF  }
0x62: {  	v1 =	vld [tilespmem:s26+$0x3030];
	_ =	sdelay $0x4  }
0x63: {  	[tilespmem:v0+s20+$0x0] =	vst.idx.msk vm11, v1  }
0x64: {  	v1 =	vld [tilespmem:s26+$0x6030];
	_ =	sdelay $0x4  }
0x65: {  	[tilespmem:v0+s21+$0x0] =	vst.idx.msk vm11, v1  }
0x66: {  	v1 =	vld [tilespmem:s26+$0x9030];
	_ =	sdelay $0x4  }
0x67: {  	[tilespmem:v0+s22+$0x0] =	vst.idx.msk vm11, v1  }
0x68: {  	v1 =	vld [tilespmem:s26+$0xC030];
	_ =	sdelay $0x4  }
0x69: {  	[tilespmem:v0+s23+$0x0] =	vst.idx.msk vm11, v1  }
0x6a: {  	v0 =	vld [tilespmem:s26+$0x40];
	_ =	sdelay $0x4  }
0x6b: {  	vm12 =	vlt.s32 v0, $0x7FF  }
0x6c: {  	v1 =	vld [tilespmem:s26+$0x3040];
	_ =	sdelay $0x4  }
0x6d: {  	[tilespmem:v0+s20+$0x0] =	vst.idx.msk vm12, v1  }
0x6e: {  	v1 =	vld [tilespmem:s26+$0x6040];
	_ =	sdelay $0x4  }
0x6f: {  	[tilespmem:v0+s21+$0x0] =	vst.idx.msk vm12, v1  }
0x70: {  	v1 =	vld [tilespmem:s26+$0x9040];
	_ =	sdelay $0x4  }
0x71: {  	[tilespmem:v0+s22+$0x0] =	vst.idx.msk vm12, v1  }
0x72: {  	v1 =	vld [tilespmem:s26+$0xC040];
	_ =	sdelay $0x4  }
0x73: {  	[tilespmem:v0+s23+$0x0] =	vst.idx.msk vm12, v1  }
0x74: {  	v0 =	vld [tilespmem:s26+$0x50];
	_ =	sdelay $0x4  }
0x75: {  	vm13 =	vlt.s32 v0, $0x7FF  }
0x76: {  	v1 =	vld [tilespmem:s26+$0x3050];
	_ =	sdelay $0x4  }
0x77: {  	[tilespmem:v0+s20+$0x0] =	vst.idx.msk vm13, v1  }
0x78: {  	v1 =	vld [tilespmem:s26+$0x6050];
	_ =	sdelay $0x4  }
0x79: {  	[tilespmem:v0+s21+$0x0] =	vst.idx.msk vm13, v1  }
0x7a: {  	v1 =	vld [tilespmem:s26+$0x9050];
	_ =	sdelay $0x4  }
0x7b: {  	[tilespmem:v0+s22+$0x0] =	vst.idx.msk vm13, v1  }
0x7c: {  	v1 =	vld [tilespmem:s26+$0xC050];
	_ =	sdelay $0x4  }
0x7d: {  	[tilespmem:v0+s23+$0x0] =	vst.idx.msk vm13, v1  }
0x7e: {  	v0 =	vld [tilespmem:s26+$0x60];
	_ =	sdelay $0x4  }
0x7f: {  	vm14 =	vlt.s32 v0, $0x7FF  }
0x80: {  	v1 =	vld [tilespmem:s26+$0x3060];
	_ =	sdelay $0x4  }
0x81: {  	[tilespmem:v0+s20+$0x0] =	vst.idx.msk vm14, v1  }
0x82: {  	v1 =	vld [tilespmem:s26+$0x6060];
	_ =	sdelay $0x4  }
0x83: {  	[tilespmem:v0+s21+$0x0] =	vst.idx.msk vm14, v1  }
0x84: {  	v1 =	vld [tilespmem:s26+$0x9060];
	_ =	sdelay $0x4  }
0x85: {  	[tilespmem:v0+s22+$0x0] =	vst.idx.msk vm14, v1  }
0x86: {  	v1 =	vld [tilespmem:s26+$0xC060];
	_ =	sdelay $0x4  }
0x87: {  	[tilespmem:v0+s23+$0x0] =	vst.idx.msk vm14, v1  }
0x88: {  	v0 =	vld [tilespmem:s26+$0x70];
	_ =	sdelay $0x4  }
0x89: {  	vm15 =	vlt.s32 v0, $0x7FF  }
0x8a: {  	v1 =	vld [tilespmem:s26+$0x3070];
	_ =	sdelay $0x4  }
0x8b: {  	[tilespmem:v0+s20+$0x0] =	vst.idx.msk vm15, v1  }
0x8c: {  	v1 =	vld [tilespmem:s26+$0x6070];
	_ =	sdelay $0x4  }
0x8d: {  	[tilespmem:v0+s21+$0x0] =	vst.idx.msk vm15, v1  }
0x8e: {  	v1 =	vld [tilespmem:s26+$0x9070];
	_ =	sdelay $0x4  }
0x8f: {  	[tilespmem:v0+s22+$0x0] =	vst.idx.msk vm15, v1  }
0x90: {  	p0 =	sne.s32 s25, $0xBE00;
	v1 =	vld [tilespmem:s26+$0xC070]  }
.Ltmp2:
0x91: {  	_ = 	snop;
	(pc) =	sbr.rel @p0 .LBB2_5-.Ltmp2, $2  }
0x92: {  	_ =	sdelay $0x2  }
0x93: {  	s25 =	sadd.s32 $0x200, s25;
	[tilespmem:v0+s23+$0x0] =	vst.idx.msk vm15, v1  }
0x94: {  	[hbm4b:s2+s13] =	stream.linear.scatter [tilespmem:s20], [sflag:$0x1], $0x800, $0x38;
	[tilespmem:$0x11080] =	vst v63  }
0x95: {  	_ =	swait.ge [sflag:s14], $0x800  }
0x96: {  	[sflag:s14] =	ssyncset.done $0x0  }
0x97: {  	[sflag:s14] =	ssyncadd.s32 $0xFFFFF800  }
0x98: {  	[hbm4b:s9+s13] =	stream.linear.scatter [tilespmem:s21], [sflag:$0x1], $0x800, $0x38;
	[tilespmem:$0x11080] =	vst v63  }
0x99: {  	_ =	swait.ge [sflag:s14], $0x800  }
0x9a: {  	[sflag:s14] =	ssyncset.done $0x0  }
0x9b: {  	[sflag:s14] =	ssyncadd.s32 $0xFFFFF800  }
0x9c: {  	[hbm4b:s10+s13] =	stream.linear.scatter [tilespmem:s22], [sflag:$0x1], $0x800, $0x38;
	[tilespmem:$0x11080] =	vst v63  }
0x9d: {  	s24 =	sadd.s32 $0x1, s24;
	_ =	swait.ge [sflag:s14], $0x800  }
0x9e: {  	p0 =	sne.s32 s24, s12;
	[sflag:s14] =	ssyncset.done $0x0  }
.Ltmp3:
0x9f: {  	[sflag:s14] =	ssyncadd.s32 $0xFFFFF800;
	(pc) =	sbr.rel @p0 .LBB2_2-.Ltmp3, $4  }
0xa0: {  	[hbm4b:s11+s13] =	stream.linear.scatter [tilespmem:s23], [sflag:$0x1], $0x800, $0x38;
	[tilespmem:$0x11080] =	vst v63  }
0xa1: {  	_ =	swait.ge [sflag:s14], $0x800  }
0xa2: {  	[sflag:s14] =	ssyncset.done $0x0  }
0xa3: {  	[sflag:s14] =	ssyncadd.s32 $0xFFFFF800  }
.LBB2_7:
0xa4: {  	_ =	sfence.sel $0x180000  }
0xa5: {  	[bflag:$0x0] =	sbarrier.arrive $0xFFFF  }
0xa6: {  	p0 =	sne.s32 s0, $0x0;
	_ =	strace $0x9000004A  }
0xa7: {  	s0 =	sadd.s32 @!p0 $0x100000, s1;
	[bflag:$0x2] =	sbarrier.arrive $0xFFFF  }
0xa8: {  	[sflag:s0] =	ssyncadd.tile.s32 @!p0 $0x1;
	_ =	shalt  }
.Lfunc_end2:
_tile_overlayer_lowered:
.L_overlay_start_2:
0xa9: {  	(tag) =	ssettag $0x2  }
0xaa: {  	s0 =	rddreg [dreg:$0x0];
	s2 =	stileid.u32  }
0xab: {  	s1 =	rddreg [dreg:$0x1];
	p0 =	sne.s32 s2, $0x0  }
0xac: {  	s3 =	rddreg [dreg:$0x2];
	[bflag:$0x3] =	sbarrier.arrive $0xFFFF;
	s2 =	simm.s32 @!p0 $0x1C01  }
0xad: {  	[timem:s3], [sflag:s2] =	dma.local @!p0 [hbm:s0], s1  }
0xae: {  	s0 =	simm.s32 @!p0 $0x1  }
0xaf: {  	_ =	swait.ge @!p0 [sflag:s0], s1  }
0xb0: {  	s1 =	ssub.s32 @!p0 $0x0, s1;
	[sflag:s0] =	ssyncset.done @!p0 $0x0  }
0xb1: {  	[sflag:s0] =	ssyncadd.s32 @!p0 s1  }
0xb2: {  	[bflag:$0x3] =	sbarrier.arrive $0xFFFF  }
0xb3: {  	_ =	shalt  }

// kernel: kernel.7.cloned.1.call-start
scs
__scs_entry_jumppad:
0x0: {  	(pc) =	sbr.rel $0x88, $3  }
0x1: {  	(tag) =	ssettag $0x0;
	lr =	simm.s32 $0x1  }
0x2: {  	[smem:$0x3F99] =	sst lr;
	_ =	strace $0xD0000000  }
0x3: {  	_ = 	snop  }
0x4: {  	_ = 	snop  }
0x5: {  	_ = 	snop  }
0x6: {  	_ = 	snop  }
0x7: {  	_ = 	snop  }
__scs_overlays_trampoline_lowered:
0x8: {  	[smem:$0x3FA8] =	sst s0  }
0x9: {  	[smem:$0x3FA9] =	sst s1  }
0xa: {  	[smem:$0x3FAA] =	sst s2  }
0xb: {  	[smem:$0x3FAB] =	sst s3  }
0xc: {  	[smem:$0x3FAC] =	sst s4  }
0xd: {  	[smem:$0x3FAD] =	sst s5  }
0xe: {  	[smem:$0x3FAE] =	sst s6  }
0xf: {  	[smem:$0x3FAF] =	sst s7  }
0x10: {  	[smem:$0x3FB0] =	sst s8  }
0x11: {  	[smem:$0x3FB1] =	sst s9;
	s0 =	simm.s32 @!p0 $0x0  }
0x12: {  	s1 =	sld [smem:$0x3F97];
	s0 =	simm.s32 @p0 $0x1  }
0x13: {  	[smem:$0x3FB2] =	sst s0;
	s0 =	simm.s32 @!p1 $0x0  }
0x14: {  	s2 =	sld [smem:$0x3F96];
	s0 =	simm.s32 @p1 $0x1  }
0x15: {  	[smem:$0x3FB3] =	sst s0;
	s0 =	simm.s32 @!p2 $0x0  }
0x16: {  	s3 =	sld [smem:$0x3FDB];
	s0 =	simm.s32 @p2 $0x1  }
0x17: {  	s4 =	simm.s32 $0x1BF5;
	[smem:$0x3FB5] =	sst s0  }
0x18: {  	s0 =	sld [smem:$0x3F98];
	_ =	swait.ge [sflag:s4], $0x0  }
0x19: {  	s7 =	sld [smem:$0x3F99]  }
0x1a: {  	s8 =	sadd.s32 $0xFFFFE003, lr  }
0x1b: {  	s9 =	sadd.s32 $0xFFFFFEF7, lr;
	s5 =	simm.s32 $0xFFFFFFFF;
	p2 =	slt.u32 s8, $0xFFFFF086  }
0x1c: {  	p1 =	slt.u32 s9, $0xF7A;
	s5 =	simm.s32 @!p2 $0x0  }
0x1d: {  	s5 =	simm.s32 @p1 $0x1;
	p0 =	seq.s32 s7, s2  }
0x1e: {  	s7 =	smul.u32 @!p0 $0xF7A, s2;
	p2 =	seq.s32 @!p0 s5, $0x0  }
0x1f: {  	s9 =	smul.u32 $0xF7A, s1;
	s8 =	simm.s32 @!p0 $0x1BF5;
	p2 =	por !p2, p0  }
0x20: {  	[sflag:s8] =	ssyncset.s32 @!p0 $0xFFFFF086;
	s6 =	sadd.s32 @!p0 s3, s7;
	s7 =	simm.s32 @!p0 $0x108  }
0x21: {  	s3 =	sadd.s32 s3, s9;
	s6 =	sadd.s32 @!p0 $0x88, s6;
	s7 =	simm.s32 @p2 $0x1082  }
0x22: {  	[simem:s7], [sflag:s8] =	dma.local @!p0 [hbm:s6], $0xF7A  }
0x23: {  	s9 =	sor.u32 $0xD0000000, s2;
	s6 =	simm.s32 $0x108;
	_ =	swait.ge @!p0 [sflag:s8], $0x0  }
0x24: {  	s3 =	sadd.s32 $0x88, s3;
	s6 =	simm.s32 @!p1 $0x1082;
	[sflag:s4] =	ssyncset.s32 $0xFFFFF086  }
0x25: {  	[simem:s6], [sflag:s4] =	dma.local [hbm:s3], $0xF7A  }
0x26: {  	[smem:$0x3F99] =	sst s1;
	(tag) =	ssettag s2;
	_ =	strace s9  }
0x27: {  	s1 =	sld [smem:$0x3FA9]  }
0x28: {  	s2 =	sld [smem:$0x3FAA]  }
0x29: {  	s4 =	sld [smem:$0x3FAC]  }
0x2a: {  	p0 =	seq.s32 s5, $0x0;
	s5 =	sld [smem:$0x3FAD]  }
0x2b: {  	s6 =	sld [smem:$0x3FAE]  }
0x2c: {  	s7 =	sld [smem:$0x3FAF]  }
0x2d: {  	s3 =	simm.s32 $0x108;
	s8 =	sld [smem:$0x3FB0]  }
0x2e: {  	s3 =	simm.s32 @!p0 $0x1082;
	s9 =	sld [smem:$0x3FB1]  }
0x2f: {  	lr =	sadd.s32 s0, s3;
	s0 =	sld [smem:$0x3FA8]  }
0x30: {  	s3 =	sld [smem:$0x3FAB]  }
0x31: {  	[smem:$0x3FB4] =	sst s10  }
0x32: {  	s10 =	sld [smem:$0x3FB2];
	_ =	sdelay $0x3  }
0x33: {  	p0 =	seq.s32 s10, $0x1;
	s10 =	sld [smem:$0x3FB4];
	_ =	sdelay $0x3  }
0x34: {  	[smem:$0x3FB4] =	sst s10  }
0x35: {  	s10 =	sld [smem:$0x3FB3];
	_ =	sdelay $0x3  }
0x36: {  	p1 =	seq.s32 s10, $0x1;
	s10 =	sld [smem:$0x3FB4];
	_ =	sdelay $0x3  }
0x37: {  	[smem:$0x3FB4] =	sst s10  }
0x38: {  	s10 =	sld [smem:$0x3FB5]  }
0x39: {  	_ = 	snop;
	(pc) =	sbr.ind lr, $3  }
0x3a: {  	_ = 	snop  }
0x3b: {  	_ = 	snop  }
0x3c: {  	p2 =	seq.s32 s10, $0x1;
	s10 =	sld [smem:$0x3FB4]  }
0x3d: {  	_ =	shalt  }
0x3e: {  	_ =	shalt  }
0x3f: {  	_ =	shalt  }
0x40: {  	_ =	shalt  }
0x41: {  	_ =	shalt  }
0x42: {  	_ =	shalt  }
0x43: {  	_ =	shalt  }
0x44: {  	_ =	shalt  }
0x45: {  	_ =	shalt  }
0x46: {  	_ =	shalt  }
0x47: {  	_ =	shalt  }
0x48: {  	_ =	shalt  }
0x49: {  	_ =	shalt  }
0x4a: {  	_ =	shalt  }
0x4b: {  	_ =	shalt  }
0x4c: {  	_ =	shalt  }
0x4d: {  	_ =	shalt  }
0x4e: {  	_ =	shalt  }
0x4f: {  	_ =	shalt  }
0x50: {  	_ =	shalt  }
0x51: {  	_ =	shalt  }
0x52: {  	_ =	shalt  }
0x53: {  	_ =	shalt  }
0x54: {  	_ =	shalt  }
0x55: {  	_ =	shalt  }
0x56: {  	_ =	shalt  }
0x57: {  	_ =	shalt  }
0x58: {  	_ =	shalt  }
0x59: {  	_ =	shalt  }
0x5a: {  	_ =	shalt  }
0x5b: {  	_ =	shalt  }
0x5c: {  	_ =	shalt  }
0x5d: {  	_ =	shalt  }
0x5e: {  	_ =	shalt  }
0x5f: {  	_ =	shalt  }
0x60: {  	_ =	shalt  }
0x61: {  	_ =	shalt  }
0x62: {  	_ =	shalt  }
0x63: {  	_ =	shalt  }
0x64: {  	_ =	shalt  }
0x65: {  	_ =	shalt  }
0x66: {  	_ =	shalt  }
0x67: {  	_ =	shalt  }
0x68: {  	_ =	shalt  }
0x69: {  	_ =	shalt  }
0x6a: {  	_ =	shalt  }
0x6b: {  	_ =	shalt  }
0x6c: {  	_ =	shalt  }
0x6d: {  	_ =	shalt  }
0x6e: {  	_ =	shalt  }
0x6f: {  	_ =	shalt  }
0x70: {  	_ =	shalt  }
0x71: {  	_ =	shalt  }
0x72: {  	_ =	shalt  }
0x73: {  	_ =	shalt  }
0x74: {  	_ =	shalt  }
0x75: {  	_ =	shalt  }
0x76: {  	_ =	shalt  }
0x77: {  	_ =	shalt  }
0x78: {  	_ =	shalt  }
0x79: {  	_ =	shalt  }
0x7a: {  	_ =	shalt  }
0x7b: {  	_ =	shalt  }
0x7c: {  	_ =	shalt  }
0x7d: {  	_ =	shalt  }
0x7e: {  	_ =	shalt  }
0x7f: {  	_ =	shalt  }
0x80: {  	_ =	shalt  }
0x81: {  	_ =	shalt  }
0x82: {  	_ =	shalt  }
0x83: {  	_ =	shalt  }
0x84: {  	_ =	shalt  }
0x85: {  	_ =	shalt  }
0x86: {  	_ =	shalt  }
0x87: {  	_ =	shalt  }
.Lfunc_end0:
.L_simem_size_0:
called_computation_lowered:
.L_overlay_start_0:
0x88: {  	s2 =	sld [smem:$0x3FD9]  }
0x89: {  	s3 =	sld [smem:$0x3FFE];
	_ =	sdelay $0x1  }
0x8a: {  	s1 =	srdreg.scid  }
0x8b: {  	s0 =	sand.u32 $0x1, s1  }
0x8c: {  	s14 =	sshll.u32 s0, $0xA;
	s2 =	sadd.s32 s3, s2  }
0x8d: {  	s2 =	sadd.s32 s2, s14  }
0x8e: {  	[smem:$0x3FC0] =	sst s2  }
0x8f: {  	_ = 	snop  }
0x90: {  	s2 =	sld [smem:$0x3FD0];
	_ =	sdelay $0x2  }
0x91: {  	s15 =	simm.s32 $0xA;
	s4 =	simm.s32 $0x10  }
0x92: {  	[smem:s4], [sflag:s15] =	dma.local [hbm:s2], $0x1  }
0x93: {  	_ =	swait.eq [sflag:s15], $0x1  }
0x94: {  	[sflag:s15] =	ssyncset.done $0x0  }
0x95: {  	s16 =	sld [smem:$0x10];
	[sflag:s15] =	ssyncadd.s32 $0xFFFFFFFF  }
0x96: {  	s17 =	sld [smem:$0x13];
	(tm) =	ssettm $0x1  }
0x97: {  	s18 =	sld [smem:$0x3FFB];
	_ =	sdelay $0x3  }
0x98: {  	_ =	strace s18  }
0x99: {  	s4 =	sld [smem:$0x3FFC];
	_ =	sdelay $0x3  }
0x9a: {  	_ =	strace s4  }
0x9b: {  	s4 =	sld [smem:$0x3FFD];
	_ =	sdelay $0x3  }
0x9c: {  	_ =	strace s4  }
0x9d: {  	_ =	strace $0x8FFFFFFF  }
0x9e: {  	s19 =	sld [smem:$0x3FDB];
	_ =	sdelay $0x1  }
0x9f: {  	s5 =	simm.s32 $_scs_section_size  }
0xa0: {  	s6 =	simm.s32 $_size__tile_overlayer_lowered;
	s7 =	simm.s32 $_tile_overlayer_lowered  }
0xa1: {  	s22 =	simm.s32 $0x1BFF;
	s21 =	sshll.u32 s7, $0x1;
	s4 =	sadd.s32 s5, s19  }
0xa2: {  	s8 =	simm.s32 $0x0;
	s20 =	sshll.u32 s6, $0x1;
	s6 =	sadd.s32 s21, s4  }
0xa3: {  	[timem:s8], [sflag:s22] =	dma.local [hbm:s6], s20  }
0xa4: {  	_ =	swait.ge [sflag:s22], s20  }
0xa5: {  	s5 =	ssub.s32 $0x0, s20;
	[sflag:s22] =	ssyncset.done $0x0  }
0xa6: {  	[sflag:s22] =	ssyncadd.s32 s5;
	_ =	sdelay $0x1  }
0xa7: {  	s23 =	simm.s32 $0x1B8B  }
0xa8: {  	_ =	swait.ge [sflag:s23], $0x1  }
0xa9: {  	[sflag:s23] =	ssyncset.done $0x0  }
0xaa: {  	s25 =	simm.s32 $0x1B8E;
	s24 =	sld [smem:$0x3FFE];
	[sflag:s23] =	ssyncadd.s32 $0xFFFFFFFF  }
0xab: {  	s26 =	simm.s32 $execute0_lowered;
	[smem:$0x3FD2] =	sst s25  }
0xac: {  	s6 =	sshll.u32 s26, $0x1;
	_ =	strace $0x80000046;
	[dreg:$0x1] =	wrdreg $0xFFFFFFFF  }
0xad: {  	s28 =	simm.s32 $_size_execute0_lowered;
	s4 =	sadd.s32 s4, s6;
	[dreg:$0x0] =	wrdreg $0x0  }
0xae: {  	s6 =	sshll.u32 s28, $0x1;
	[dreg:$0x2] =	wrdreg s4  }
0xaf: {  	[dreg:$0x3] =	wrdreg s6  }
0xb0: {  	[dreg:$0x4] =	wrdreg $0xC0  }
0xb1: {  	_ =	task [dreg:s8], $0x5FFFF  }
0xb2: {  	[dreg:$0x1] =	wrdreg $0xFFFFFFFF  }
0xb3: {  	[dreg:$0x0] =	wrdreg $0x60  }
0xb4: {  	[dreg:$0x2] =	wrdreg s17  }
0xb5: {  	[dreg:$0x3] =	wrdreg s16  }
0xb6: {  	[dreg:$0x4] =	wrdreg s24  }
0xb7: {  	[dreg:$0x5] =	wrdreg $0x9  }
0xb8: {  	_ =	task.clear_ibuf [dreg:s8], $0x6FFFF;
	_ =	strace $0x90000046  }
0xb9: {  	s29 =	simm.s32 $0x9;
	_ =	strace $0x80000048  }
0xba: {  	_ =	swait.ge [sflag:s29], $0x1  }
0xbb: {  	[sflag:s29] =	ssyncadd.s32 $0xFFFFFFFF  }
0xbc: {  	_ =	strace $0x90000048  }
0xbd: {  	_ =	sfence  }
0xbe: {  	s30 =	sld [smem:$0x0];
	_ =	sdelay $0x2  }
0xbf: {  	s31 =	sshll.u32 s1, $0xD;
	s1 =	sshrl.u32 s1, $0x2  }
0xc0: {  	s3 =	sand.u32 $0x4000, s31;
	s1 =	sadd.s32 s1, s30  }
0xc1: {  	s0 =	sor.u32 s3, s0;
	s1 =	sshll.u32 s1, $0x11  }
0xc2: {  	s0 =	sor.u32 s1, s0  }
0xc3: {  	s0 =	sadd.s32 $0x8F2B, s0  }
0xc4: {  	[sflag:s0] =	ssyncadd.remote.s32 $0x1  }
0xc5: {  	_ =	sfence.sel $0xFFFF  }
0xc6: {  	[dreg:$0x0] =	wrdreg $0xFFFFFFFF;
	(pc) =	sbr.abs _section_cstart, $3  }
0xc7: {  	[dreg:$0x1] =	wrdreg $0xFFFFFFFF  }
0xc8: {  	_ =	task.clear_ibuf [dreg:s8], $0x2FFFF;
	_ =	strace $0x9FFFFFFF  }
0xc9: {  	(tm) =	ssettm $0x7FFFFFFF  }
tec
execute0_lowered:
.L_overlay_start_1:
0x0: {  	(tag) =	ssettag $0x1  }
0x1: {  	s3 =	stileid.u32  }
0x2: {  	p0 =	sgt.u32 s3, $0x5  }
.Ltmp0:
0x3: {  	s24 =	rddreg [dreg:$0x0];
	(pc) =	sbr.rel @p0 .LBB2_5-.Ltmp0, $4  }
0x4: {  	s13 =	rddreg [dreg:$0x1]  }
0x5: {  	s0 =	rddreg [dreg:$0x2];
	s2 =	simm.s32 $0x0  }
0x6: {  	[smem:$0x7FF] =	sst s2  }
0x7: {  	s1 =	rddreg [dreg:$0x3];
	_ =	strace $0x80000047  }
0x8: {  	s1 =	srdreg.scid;
	s3 =	stileid.u32;
	s8 =	simm.s32 $0x500  }
0x9: {  	s6 =	sadd.s32 $0x5800, s0;
	s9 =	simm.s32 $0x580;
	[dreg:$0xa] =	wrdreg s8  }
0xa: {  	s7 =	sadd.s32 $0x4000, s0;
	s11 =	simm.s32 $0x600;
	[dreg:$0xb] =	wrdreg s9  }
0xb: {  	s12 =	simm.s32 $0x680;
	s14 =	simm.s32 $0x700;
	[dreg:$0xc] =	wrdreg s11  }
0xc: {  	s15 =	simm.s32 $0x780;
	s16 =	simm.s32 $0x880;
	[dreg:$0xd] =	wrdreg s12  }
0xd: {  	s31 =	simm.s32 $0x400;
	s17 =	simm.s32 $0x900;
	[dreg:$0xe] =	wrdreg s14  }
0xe: {  	s18 =	simm.s32 $0x980;
	s19 =	simm.s32 $0xA00;
	[dreg:$0xf] =	wrdreg s15  }
0xf: {  	s20 =	simm.s32 $0xA80;
	s21 =	simm.s32 $0xB00;
	[dreg:$0x10] =	wrdreg s16  }
0x10: {  	s22 =	simm.s32 $0xB80;
	s23 =	simm.s32 $0xC80;
	[dreg:$0x11] =	wrdreg s17  }
0x11: {  	s30 =	simm.s32 $0x800;
	s29 =	simm.s32 $0xE00;
	[dreg:$0x12] =	wrdreg s18  }
0x12: {  	s28 =	simm.s32 $0xE80;
	p0 =	por $0x0, $0x0;
	[dreg:$0x13] =	wrdreg s19  }
0x13: {  	s1 =	sand.u32 $0x1, s1;
	s3 =	sshll.u32 s3, $0x8;
	[dreg:$0x14] =	wrdreg s20  }
0x14: {  	s14 =	simm.s32 $0x100;
	s12 =	simm.s32 $0x180;
	[dreg:$0x15] =	wrdreg s21  }
0x15: {  	s11 =	simm.s32 $0x200;
	s9 =	simm.s32 $0x300;
	[dreg:$0x16] =	wrdreg s22  }
0x16: {  	s8 =	simm.s32 $0x380;
	[dreg:$0x17] =	wrdreg s23;
	s23 =	simm.s32 $0xC00  }
0x17: {  	s15 =	simm.s32 $0x1000;
	s22 =	simm.s32 $0x1080;
	s21 =	simm.s32 $0x1100  }
0x18: {  	s20 =	simm.s32 $0x1180;
	s19 =	simm.s32 $0x1200;
	s18 =	simm.s32 $0x1280  }
0x19: {  	s16 =	simm.s32 $0x1300;
	s4 =	sshll.u32 s1, $0x7;
	s1 =	ssub.s32 $0x2, s1  }
0x1a: {  	s17 =	simm.s32 $0x1380;
	s3 =	sor.u32 s4, s3;
	s10 =	sshrl.u32 s1, $0x1  }
0x1b: {  	s4 =	sadd.s32 s3, s0;
	s3 =	sadd.s32 s6, s3;
	s6 =	simm.s32 $0x480  }
0x1c: {  	s1 =	ssub.s32 s1, s10;
	s10 =	simm.s32 $0x280;
	[dreg:$0x8] =	wrdreg s3  }
0x1d: {  	s5 =	sadd.s32 $0x5E00, s4;
	s25 =	sadd.s32 $0x6400, s4;
	[dreg:$0x9] =	wrdreg s6  }
0x1e: {  	s26 =	sadd.s32 $0x6A00, s4;
	s1 =	smax.u32 s1, $0x1;
	[dreg:$0x4] =	wrdreg s5  }
0x1f: {  	s4 =	sadd.s32 $0x7000, s4;
	[dreg:$0x5] =	wrdreg s25;
	p1 =	sne.s32 s1, $0x1  }
.Ltmp1:
0x20: {  	s3 =	sadd.s32 $0x4C00, s0;
	[dreg:$0x6] =	wrdreg s26;
	(pc) =	sbr.rel @!p1 .LBB2_4-.Ltmp1, $4  }
0x21: {  	s6 =	simm.s32 $0x1;
	[dreg:$0x7] =	wrdreg s4;
	s4 =	simm.s32 $0x2  }
0x22: {  	s25 =	simm.s32 $0xD00;
	s0 =	sadd.s32 $0xFFFFFFFF, s1;
	s1 =	rddreg [dreg:$0x8]  }
0x23: {  	s5 =	simm.s32 $0x80;
	s26 =	simm.s32 $0xD80;
	[dreg:$0x18] =	wrdreg s25  }
0x24: {  	[dreg:$0x19] =	wrdreg s26;
	s26 =	simm.s32 $0xF00;
	s25 =	simm.s32 $0xF80  }
0x25: {  	[tilespmem:s2], [sflag:$0x2] =	stream.linear.gather [hbm4b:s1+s2], $0x400, $0x38;
	[tilespmem:$0x1400] =	vst v63  }
0x26: {  	_ =	swait.ge [sflag:s4], $0x400  }
0x27: {  	[sflag:s4] =	ssyncset.done $0x0  }
0x28: {  	[sflag:s4] =	ssyncadd.s32 $0xFFFFFC00  }
0x29: {  	[tilespmem:s31], [sflag:$0x1] =	stream.indirect.gather [hbm4b:s24+s5], $0x1, s2, s5, $0xb8;
	[tilespmem:$0x1400] =	vst v63  }
0x2a: {  	_ =	swait.ge [sflag:s6], $0x80  }
0x2b: {  	[sflag:s6] =	ssyncset.done $0x0  }
0x2c: {  	s1 =	rddreg [dreg:$0x9];
	[sflag:s6] =	ssyncadd.s32 $0xFFFFFF80  }
0x2d: {  	[tilespmem:s1], [sflag:$0x1] =	stream.indirect.gather [hbm4b:s24+s5], $0x1, s5, s5, $0xb8;
	[tilespmem:$0x1400] =	vst v63  }
0x2e: {  	_ =	swait.ge [sflag:s6], $0x80  }
0x2f: {  	[sflag:s6] =	ssyncset.done $0x0  }
0x30: {  	s1 =	rddreg [dreg:$0xa];
	[sflag:s6] =	ssyncadd.s32 $0xFFFFFF80  }
0x31: {  	[tilespmem:s1], [sflag:$0x1] =	stream.indirect.gather [hbm4b:s24+s5], $0x1, s14, s5, $0xb8;
	[tilespmem:$0x1400] =	vst v63  }
0x32: {  	_ =	swait.ge [sflag:s6], $0x80  }
0x33: {  	[sflag:s6] =	ssyncset.done $0x0  }
0x34: {  	s1 =	rddreg [dreg:$0xb];
	[sflag:s6] =	ssyncadd.s32 $0xFFFFFF80  }
0x35: {  	[tilespmem:s1], [sflag:$0x1] =	stream.indirect.gather [hbm4b:s24+s5], $0x1, s12, s5, $0xb8;
	[tilespmem:$0x1400] =	vst v63  }
0x36: {  	_ =	swait.ge [sflag:s6], $0x80  }
0x37: {  	[sflag:s6] =	ssyncset.done $0x0  }
0x38: {  	s1 =	rddreg [dreg:$0xc];
	[sflag:s6] =	ssyncadd.s32 $0xFFFFFF80  }
0x39: {  	[tilespmem:s1], [sflag:$0x1] =	stream.indirect.gather [hbm4b:s24+s5], $0x1, s11, s5, $0xb8;
	[tilespmem:$0x1400] =	vst v63  }
0x3a: {  	_ =	swait.ge [sflag:s6], $0x80  }
0x3b: {  	[sflag:s6] =	ssyncset.done $0x0  }
0x3c: {  	s1 =	rddreg [dreg:$0xd];
	[sflag:s6] =	ssyncadd.s32 $0xFFFFFF80  }
0x3d: {  	[tilespmem:s1], [sflag:$0x1] =	stream.indirect.gather [hbm4b:s24+s5], $0x1, s10, s5, $0xb8;
	[tilespmem:$0x1400] =	vst v63  }
0x3e: {  	_ =	swait.ge [sflag:s6], $0x80  }
0x3f: {  	[sflag:s6] =	ssyncset.done $0x0  }
0x40: {  	s1 =	rddreg [dreg:$0xe];
	[sflag:s6] =	ssyncadd.s32 $0xFFFFFF80  }
0x41: {  	[tilespmem:s1], [sflag:$0x1] =	stream.indirect.gather [hbm4b:s24+s5], $0x1, s9, s5, $0xb8;
	[tilespmem:$0x1400] =	vst v63  }
0x42: {  	_ =	swait.ge [sflag:s6], $0x80  }
0x43: {  	[sflag:s6] =	ssyncset.done $0x0  }
0x44: {  	s1 =	rddreg [dreg:$0xf];
	[sflag:s6] =	ssyncadd.s32 $0xFFFFFF80  }
0x45: {  	[tilespmem:s1], [sflag:$0x1] =	stream.indirect.gather [hbm4b:s24+s5], $0x1, s8, s5, $0xb8;
	[tilespmem:$0x1400] =	vst v63  }
0x46: {  	_ =	swait.ge [sflag:s6], $0x80  }
0x47: {  	[sflag:s6] =	ssyncset.done $0x0  }
0x48: {  	s1 =	rddreg [dreg:$0x4];
	[sflag:s6] =	ssyncadd.s32 $0xFFFFFF80  }
0x49: {  	[hbm4b:s1+s2] =	stream.linear.scatter [tilespmem:s31], [sflag:$0x2], $0x400, $0x38;
	[tilespmem:$0x1400] =	vst v63  }
0x4a: {  	_ =	swait.ge [sflag:s4], $0x400  }
0x4b: {  	[sflag:s4] =	ssyncset.done $0x0  }
0x4c: {  	[sflag:s4] =	ssyncadd.s32 $0xFFFFFC00  }
0x4d: {  	[tilespmem:s30], [sflag:$0x1] =	stream.indirect.gather [hbm4b:s13+s5], $0x1, s2, s5, $0xb8;
	[tilespmem:$0x1400] =	vst v63  }
0x4e: {  	_ =	swait.ge [sflag:s6], $0x80  }
0x4f: {  	[sflag:s6] =	ssyncset.done $0x0  }
0x50: {  	s1 =	rddreg [dreg:$0x10];
	[sflag:s6] =	ssyncadd.s32 $0xFFFFFF80  }
0x51: {  	[tilespmem:s1], [sflag:$0x1] =	stream.indirect.gather [hbm4b:s13+s5], $0x1, s5, s5, $0xb8;
	[tilespmem:$0x1400] =	vst v63  }
0x52: {  	_ =	swait.ge [sflag:s6], $0x80  }
0x53: {  	[sflag:s6] =	ssyncset.done $0x0  }
0x54: {  	s1 =	rddreg [dreg:$0x11];
	[sflag:s6] =	ssyncadd.s32 $0xFFFFFF80  }
0x55: {  	[tilespmem:s1], [sflag:$0x1] =	stream.indirect.gather [hbm4b:s13+s5], $0x1, s14, s5, $0xb8;
	[tilespmem:$0x1400] =	vst v63  }
0x56: {  	_ =	swait.ge [sflag:s6], $0x80  }
0x57: {  	[sflag:s6] =	ssyncset.done $0x0  }
0x58: {  	s1 =	rddreg [dreg:$0x12];
	[sflag:s6] =	ssyncadd.s32 $0xFFFFFF80  }
0x59: {  	[tilespmem:s1], [sflag:$0x1] =	stream.indirect.gather [hbm4b:s13+s5], $0x1, s12, s5, $0xb8;
	[tilespmem:$0x1400] =	vst v63  }
0x5a: {  	_ =	swait.ge [sflag:s6], $0x80  }
0x5b: {  	[sflag:s6] =	ssyncset.done $0x0  }
0x5c: {  	s1 =	rddreg [dreg:$0x13];
	[sflag:s6] =	ssyncadd.s32 $0xFFFFFF80  }
0x5d: {  	[tilespmem:s1], [sflag:$0x1] =	stream.indirect.gather [hbm4b:s13+s5], $0x1, s11, s5, $0xb8;
	[tilespmem:$0x1400] =	vst v63  }
0x5e: {  	_ =	swait.ge [sflag:s6], $0x80  }
0x5f: {  	[sflag:s6] =	ssyncset.done $0x0  }
0x60: {  	s1 =	rddreg [dreg:$0x14];
	[sflag:s6] =	ssyncadd.s32 $0xFFFFFF80  }
0x61: {  	[tilespmem:s1], [sflag:$0x1] =	stream.indirect.gather [hbm4b:s13+s5], $0x1, s10, s5, $0xb8;
	[tilespmem:$0x1400] =	vst v63  }
0x62: {  	_ =	swait.ge [sflag:s6], $0x80  }
0x63: {  	[sflag:s6] =	ssyncset.done $0x0  }
0x64: {  	s1 =	rddreg [dreg:$0x15];
	[sflag:s6] =	ssyncadd.s32 $0xFFFFFF80  }
0x65: {  	[tilespmem:s1], [sflag:$0x1] =	stream.indirect.gather [hbm4b:s13+s5], $0x1, s9, s5, $0xb8;
	[tilespmem:$0x1400] =	vst v63  }
0x66: {  	_ =	swait.ge [sflag:s6], $0x80  }
0x67: {  	[sflag:s6] =	ssyncset.done $0x0  }
0x68: {  	s1 =	rddreg [dreg:$0x16];
	[sflag:s6] =	ssyncadd.s32 $0xFFFFFF80  }
0x69: {  	[tilespmem:s1], [sflag:$0x1] =	stream.indirect.gather [hbm4b:s13+s5], $0x1, s8, s5, $0xb8;
	[tilespmem:$0x1400] =	vst v63  }
0x6a: {  	_ =	swait.ge [sflag:s6], $0x80  }
0x6b: {  	[sflag:s6] =	ssyncset.done $0x0  }
0x6c: {  	s1 =	rddreg [dreg:$0x5];
	[sflag:s6] =	ssyncadd.s32 $0xFFFFFF80  }
0x6d: {  	[hbm4b:s1+s2] =	stream.linear.scatter [tilespmem:s30], [sflag:$0x2], $0x400, $0x38;
	[tilespmem:$0x1400] =	vst v63  }
0x6e: {  	_ =	swait.ge [sflag:s4], $0x400  }
0x6f: {  	[sflag:s4] =	ssyncset.done $0x0  }
0x70: {  	[sflag:s4] =	ssyncadd.s32 $0xFFFFFC00  }
0x71: {  	[tilespmem:s23], [sflag:$0x1] =	stream.indirect.gather [hbm4b:s7+s5], $0x1, s2, s5, $0xb8;
	[tilespmem:$0x1400] =	vst v63  }
0x72: {  	_ =	swait.ge [sflag:s6], $0x80  }
0x73: {  	[sflag:s6] =	ssyncset.done $0x0  }
0x74: {  	s1 =	rddreg [dreg:$0x17];
	[sflag:s6] =	ssyncadd.s32 $0xFFFFFF80  }
0x75: {  	[tilespmem:s1], [sflag:$0x1] =	stream.indirect.gather [hbm4b:s7+s5], $0x1, s5, s5, $0xb8;
	[tilespmem:$0x1400] =	vst v63  }
0x76: {  	_ =	swait.ge [sflag:s6], $0x80  }
0x77: {  	[sflag:s6] =	ssyncset.done $0x0  }
0x78: {  	s1 =	rddreg [dreg:$0x18];
	[sflag:s6] =	ssyncadd.s32 $0xFFFFFF80  }
0x79: {  	[tilespmem:s1], [sflag:$0x1] =	stream.indirect.gather [hbm4b:s7+s5], $0x1, s14, s5, $0xb8;
	[tilespmem:$0x1400] =	vst v63  }
0x7a: {  	_ =	swait.ge [sflag:s6], $0x80  }
0x7b: {  	[sflag:s6] =	ssyncset.done $0x0  }
0x7c: {  	s1 =	rddreg [dreg:$0x19];
	[sflag:s6] =	ssyncadd.s32 $0xFFFFFF80  }
0x7d: {  	[tilespmem:s1], [sflag:$0x1] =	stream.indirect.gather [hbm4b:s7+s5], $0x1, s12, s5, $0xb8;
	[tilespmem:$0x1400] =	vst v63  }
0x7e: {  	_ =	swait.ge [sflag:s6], $0x80  }
0x7f: {  	[sflag:s6] =	ssyncset.done $0x0  }
0x80: {  	[sflag:s6] =	ssyncadd.s32 $0xFFFFFF80  }
0x81: {  	[tilespmem:s29], [sflag:$0x1] =	stream.indirect.gather [hbm4b:s7+s5], $0x1, s11, s5, $0xb8;
	[tilespmem:$0x1400] =	vst v63  }
0x82: {  	_ =	swait.ge [sflag:s6], $0x80  }
0x83: {  	[sflag:s6] =	ssyncset.done $0x0  }
0x84: {  	[sflag:s6] =	ssyncadd.s32 $0xFFFFFF80  }
0x85: {  	[tilespmem:s28], [sflag:$0x1] =	stream.indirect.gather [hbm4b:s7+s5], $0x1, s10, s5, $0xb8;
	[tilespmem:$0x1400] =	vst v63  }
0x86: {  	_ =	swait.ge [sflag:s6], $0x80  }
0x87: {  	[sflag:s6] =	ssyncset.done $0x0  }
0x88: {  	[sflag:s6] =	ssyncadd.s32 $0xFFFFFF80  }
0x89: {  	[tilespmem:s26], [sflag:$0x1] =	stream.indirect.gather [hbm4b:s7+s5], $0x1, s9, s5, $0xb8;
	[tilespmem:$0x1400] =	vst v63  }
0x8a: {  	_ =	swait.ge [sflag:s6], $0x80  }
0x8b: {  	[sflag:s6] =	ssyncset.done $0x0  }
0x8c: {  	[sflag:s6] =	ssyncadd.s32 $0xFFFFFF80  }
0x8d: {  	[tilespmem:s25], [sflag:$0x1] =	stream.indirect.gather [hbm4b:s7+s5], $0x1, s8, s5, $0xb8;
	[tilespmem:$0x1400] =	vst v63  }
0x8e: {  	_ =	swait.ge [sflag:s6], $0x80  }
0x8f: {  	[sflag:s6] =	ssyncset.done $0x0  }
0x90: {  	s1 =	rddreg [dreg:$0x6];
	[sflag:s6] =	ssyncadd.s32 $0xFFFFFF80  }
0x91: {  	[hbm4b:s1+s2] =	stream.linear.scatter [tilespmem:s23], [sflag:$0x2], $0x400, $0x38;
	[tilespmem:$0x1400] =	vst v63  }
0x92: {  	_ =	swait.ge [sflag:s4], $0x400  }
0x93: {  	[sflag:s4] =	ssyncset.done $0x0  }
0x94: {  	[sflag:s4] =	ssyncadd.s32 $0xFFFFFC00  }
0x95: {  	[tilespmem:s15], [sflag:$0x1] =	stream.indirect.gather [hbm4b:s3+s5], $0x1, s2, s5, $0xb8;
	[tilespmem:$0x1400] =	vst v63  }
0x96: {  	_ =	swait.ge [sflag:s6], $0x80  }
0x97: {  	[sflag:s6] =	ssyncset.done $0x0  }
0x98: {  	[sflag:s6] =	ssyncadd.s32 $0xFFFFFF80  }
0x99: {  	[tilespmem:s22], [sflag:$0x1] =	stream.indirect.gather [hbm4b:s3+s5], $0x1, s5, s5, $0xb8;
	[tilespmem:$0x1400] =	vst v63  }
0x9a: {  	_ =	swait.ge [sflag:s6], $0x80  }
0x9b: {  	[sflag:s6] =	ssyncset.done $0x0  }
0x9c: {  	[sflag:s6] =	ssyncadd.s32 $0xFFFFFF80  }
0x9d: {  	[tilespmem:s21], [sflag:$0x1] =	stream.indirect.gather [hbm4b:s3+s5], $0x1, s14, s5, $0xb8;
	[tilespmem:$0x1400] =	vst v63  }
0x9e: {  	_ =	swait.ge [sflag:s6], $0x80  }
0x9f: {  	[sflag:s6] =	ssyncset.done $0x0  }
0xa0: {  	[sflag:s6] =	ssyncadd.s32 $0xFFFFFF80  }
0xa1: {  	[tilespmem:s20], [sflag:$0x1] =	stream.indirect.gather [hbm4b:s3+s5], $0x1, s12, s5, $0xb8;
	[tilespmem:$0x1400] =	vst v63  }
0xa2: {  	_ =	swait.ge [sflag:s6], $0x80  }
0xa3: {  	[sflag:s6] =	ssyncset.done $0x0  }
0xa4: {  	[sflag:s6] =	ssyncadd.s32 $0xFFFFFF80  }
0xa5: {  	[tilespmem:s19], [sflag:$0x1] =	stream.indirect.gather [hbm4b:s3+s5], $0x1, s11, s5, $0xb8;
	[tilespmem:$0x1400] =	vst v63  }
0xa6: {  	_ =	swait.ge [sflag:s6], $0x80  }
0xa7: {  	[sflag:s6] =	ssyncset.done $0x0  }
0xa8: {  	[sflag:s6] =	ssyncadd.s32 $0xFFFFFF80  }
0xa9: {  	[tilespmem:s18], [sflag:$0x1] =	stream.indirect.gather [hbm4b:s3+s5], $0x1, s10, s5, $0xb8;
	[tilespmem:$0x1400] =	vst v63  }
0xaa: {  	_ =	swait.ge [sflag:s6], $0x80  }
0xab: {  	[sflag:s6] =	ssyncset.done $0x0  }
0xac: {  	[sflag:s6] =	ssyncadd.s32 $0xFFFFFF80  }
0xad: {  	[tilespmem:s16], [sflag:$0x1] =	stream.indirect.gather [hbm4b:s3+s5], $0x1, s9, s5, $0xb8;
	[tilespmem:$0x1400] =	vst v63  }
0xae: {  	_ =	swait.ge [sflag:s6], $0x80  }
0xaf: {  	[sflag:s6] =	ssyncset.done $0x0  }
0xb0: {  	[sflag:s6] =	ssyncadd.s32 $0xFFFFFF80  }
0xb1: {  	[tilespmem:s17], [sflag:$0x1] =	stream.indirect.gather [hbm4b:s3+s5], $0x1, s8, s5, $0xb8;
	[tilespmem:$0x1400] =	vst v63  }
0xb2: {  	p1 =	sne.s32 s0, $0x1;
	_ =	swait.ge [sflag:s6], $0x80  }
.Ltmp2:
0xb3: {  	[sflag:s6] =	ssyncset.done $0x0;
	(pc) =	sbr.rel @!p1 .LBB2_4-.Ltmp2, $4  }
0xb4: {  	s1 =	rddreg [dreg:$0x7];
	[sflag:s6] =	ssyncadd.s32 $0xFFFFFF80  }
0xb5: {  	[hbm4b:s1+s2] =	stream.linear.scatter [tilespmem:s15], [sflag:$0x2], $0x400, $0x38;
	[tilespmem:$0x1400] =	vst v63  }
0xb6: {  	s0 =	sadd.s32 $0xFFFFFFFF, s0;
	_ =	swait.ge [sflag:s4], $0x400  }
0xb7: {  	p0 =	por $0x1, $0x1;
	s1 =	rddreg [dreg:$0x8];
	[sflag:s4] =	ssyncset.done $0x0  }
.LBB2_3:
0xb8: {  	[sflag:s4] =	ssyncadd.s32 $0xFFFFFC00  }
0xb9: {  	[tilespmem:s2], [sflag:$0x2] =	stream.linear.gather [hbm4b:s1+s2], $0x400, $0x38;
	[tilespmem:$0x1400] =	vst v63  }
0xba: {  	_ =	swait.ge [sflag:s4], $0x400  }
0xbb: {  	[sflag:s4] =	ssyncset.done $0x0  }
0xbc: {  	[sflag:s4] =	ssyncadd.s32 $0xFFFFFC00  }
0xbd: {  	[tilespmem:s31], [sflag:$0x1] =	stream.indirect.gather [hbm4b:s24+s5], $0x1, s2, s5, $0xb8;
	[tilespmem:$0x1400] =	vst v63  }
0xbe: {  	_ =	swait.ge [sflag:s6], $0x80  }
0xbf: {  	[sflag:s6] =	ssyncset.done $0x0  }
0xc0: {  	s1 =	rddreg [dreg:$0x9];
	[sflag:s6] =	ssyncadd.s32 $0xFFFFFF80  }
0xc1: {  	[tilespmem:s1], [sflag:$0x1] =	stream.indirect.gather [hbm4b:s24+s5], $0x1, s5, s5, $0xb8;
	[tilespmem:$0x1400] =	vst v63  }
0xc2: {  	_ =	swait.ge [sflag:s6], $0x80  }
0xc3: {  	[sflag:s6] =	ssyncset.done $0x0  }
0xc4: {  	s1 =	rddreg [dreg:$0xa];
	[sflag:s6] =	ssyncadd.s32 $0xFFFFFF80  }
0xc5: {  	[tilespmem:s1], [sflag:$0x1] =	stream.indirect.gather [hbm4b:s24+s5], $0x1, s14, s5, $0xb8;
	[tilespmem:$0x1400] =	vst v63  }
0xc6: {  	_ =	swait.ge [sflag:s6], $0x80  }
0xc7: {  	[sflag:s6] =	ssyncset.done $0x0  }
0xc8: {  	s1 =	rddreg [dreg:$0xb];
	[sflag:s6] =	ssyncadd.s32 $0xFFFFFF80  }
0xc9: {  	[tilespmem:s1], [sflag:$0x1] =	stream.indirect.gather [hbm4b:s24+s5], $0x1, s12, s5, $0xb8;
	[tilespmem:$0x1400] =	vst v63  }
0xca: {  	_ =	swait.ge [sflag:s6], $0x80  }
0xcb: {  	[sflag:s6] =	ssyncset.done $0x0  }
0xcc: {  	s1 =	rddreg [dreg:$0xc];
	[sflag:s6] =	ssyncadd.s32 $0xFFFFFF80  }
0xcd: {  	[tilespmem:s1], [sflag:$0x1] =	stream.indirect.gather [hbm4b:s24+s5], $0x1, s11, s5, $0xb8;
	[tilespmem:$0x1400] =	vst v63  }
0xce: {  	_ =	swait.ge [sflag:s6], $0x80  }
0xcf: {  	[sflag:s6] =	ssyncset.done $0x0  }
0xd0: {  	s1 =	rddreg [dreg:$0xd];
	[sflag:s6] =	ssyncadd.s32 $0xFFFFFF80  }
0xd1: {  	[tilespmem:s1], [sflag:$0x1] =	stream.indirect.gather [hbm4b:s24+s5], $0x1, s10, s5, $0xb8;
	[tilespmem:$0x1400] =	vst v63  }
0xd2: {  	_ =	swait.ge [sflag:s6], $0x80  }
0xd3: {  	[sflag:s6] =	ssyncset.done $0x0  }
0xd4: {  	s1 =	rddreg [dreg:$0xe];
	[sflag:s6] =	ssyncadd.s32 $0xFFFFFF80  }
0xd5: {  	[tilespmem:s1], [sflag:$0x1] =	stream.indirect.gather [hbm4b:s24+s5], $0x1, s9, s5, $0xb8;
	[tilespmem:$0x1400] =	vst v63  }
0xd6: {  	_ =	swait.ge [sflag:s6], $0x80  }
0xd7: {  	[sflag:s6] =	ssyncset.done $0x0  }
0xd8: {  	s1 =	rddreg [dreg:$0xf];
	[sflag:s6] =	ssyncadd.s32 $0xFFFFFF80  }
0xd9: {  	[tilespmem:s1], [sflag:$0x1] =	stream.indirect.gather [hbm4b:s24+s5], $0x1, s8, s5, $0xb8;
	[tilespmem:$0x1400] =	vst v63  }
0xda: {  	_ =	swait.ge [sflag:s6], $0x80  }
0xdb: {  	[sflag:s6] =	ssyncset.done $0x0  }
0xdc: {  	s1 =	rddreg [dreg:$0x4];
	[sflag:s6] =	ssyncadd.s32 $0xFFFFFF80  }
0xdd: {  	[hbm4b:s1+s2] =	stream.linear.scatter [tilespmem:s31], [sflag:$0x2], $0x400, $0x38;
	[tilespmem:$0x1400] =	vst v63  }
0xde: {  	_ =	swait.ge [sflag:s4], $0x400  }
0xdf: {  	[sflag:s4] =	ssyncset.done $0x0  }
0xe0: {  	[sflag:s4] =	ssyncadd.s32 $0xFFFFFC00  }
0xe1: {  	[tilespmem:s30], [sflag:$0x1] =	stream.indirect.gather [hbm4b:s13+s5], $0x1, s2, s5, $0xb8;
	[tilespmem:$0x1400] =	vst v63  }
0xe2: {  	_ =	swait.ge [sflag:s6], $0x80  }
0xe3: {  	[sflag:s6] =	ssyncset.done $0x0  }
0xe4: {  	s1 =	rddreg [dreg:$0x10];
	[sflag:s6] =	ssyncadd.s32 $0xFFFFFF80  }
0xe5: {  	[tilespmem:s1], [sflag:$0x1] =	stream.indirect.gather [hbm4b:s13+s5], $0x1, s5, s5, $0xb8;
	[tilespmem:$0x1400] =	vst v63  }
0xe6: {  	_ =	swait.ge [sflag:s6], $0x80  }
0xe7: {  	[sflag:s6] =	ssyncset.done $0x0  }
0xe8: {  	s1 =	rddreg [dreg:$0x11];
	[sflag:s6] =	ssyncadd.s32 $0xFFFFFF80  }
0xe9: {  	[tilespmem:s1], [sflag:$0x1] =	stream.indirect.gather [hbm4b:s13+s5], $0x1, s14, s5, $0xb8;
	[tilespmem:$0x1400] =	vst v63  }
0xea: {  	_ =	swait.ge [sflag:s6], $0x80  }
0xeb: {  	[sflag:s6] =	ssyncset.done $0x0  }
0xec: {  	s1 =	rddreg [dreg:$0x12];
	[sflag:s6] =	ssyncadd.s32 $0xFFFFFF80  }
0xed: {  	[tilespmem:s1], [sflag:$0x1] =	stream.indirect.gather [hbm4b:s13+s5], $0x1, s12, s5, $0xb8;
	[tilespmem:$0x1400] =	vst v63  }
0xee: {  	_ =	swait.ge [sflag:s6], $0x80  }
0xef: {  	[sflag:s6] =	ssyncset.done $0x0  }
0xf0: {  	s1 =	rddreg [dreg:$0x13];
	[sflag:s6] =	ssyncadd.s32 $0xFFFFFF80  }
0xf1: {  	[tilespmem:s1], [sflag:$0x1] =	stream.indirect.gather [hbm4b:s13+s5], $0x1, s11, s5, $0xb8;
	[tilespmem:$0x1400] =	vst v63  }
0xf2: {  	_ =	swait.ge [sflag:s6], $0x80  }
0xf3: {  	[sflag:s6] =	ssyncset.done $0x0  }
0xf4: {  	s1 =	rddreg [dreg:$0x14];
	[sflag:s6] =	ssyncadd.s32 $0xFFFFFF80  }
0xf5: {  	[tilespmem:s1], [sflag:$0x1] =	stream.indirect.gather [hbm4b:s13+s5], $0x1, s10, s5, $0xb8;
	[tilespmem:$0x1400] =	vst v63  }
0xf6: {  	_ =	swait.ge [sflag:s6], $0x80  }
0xf7: {  	[sflag:s6] =	ssyncset.done $0x0  }
0xf8: {  	s1 =	rddreg [dreg:$0x15];
	[sflag:s6] =	ssyncadd.s32 $0xFFFFFF80  }
0xf9: {  	[tilespmem:s1], [sflag:$0x1] =	stream.indirect.gather [hbm4b:s13+s5], $0x1, s9, s5, $0xb8;
	[tilespmem:$0x1400] =	vst v63  }
0xfa: {  	_ =	swait.ge [sflag:s6], $0x80  }
0xfb: {  	[sflag:s6] =	ssyncset.done $0x0  }
0xfc: {  	s1 =	rddreg [dreg:$0x16];
	[sflag:s6] =	ssyncadd.s32 $0xFFFFFF80  }
0xfd: {  	[tilespmem:s1], [sflag:$0x1] =	stream.indirect.gather [hbm4b:s13+s5], $0x1, s8, s5, $0xb8;
	[tilespmem:$0x1400] =	vst v63  }
0xfe: {  	_ =	swait.ge [sflag:s6], $0x80  }
0xff: {  	[sflag:s6] =	ssyncset.done $0x0  }
0x100: {  	s1 =	rddreg [dreg:$0x5];
	[sflag:s6] =	ssyncadd.s32 $0xFFFFFF80  }
0x101: {  	[hbm4b:s1+s2] =	stream.linear.scatter [tilespmem:s30], [sflag:$0x2], $0x400, $0x38;
	[tilespmem:$0x1400] =	vst v63  }
0x102: {  	_ =	swait.ge [sflag:s4], $0x400  }
0x103: {  	[sflag:s4] =	ssyncset.done $0x0  }
0x104: {  	[sflag:s4] =	ssyncadd.s32 $0xFFFFFC00  }
0x105: {  	[tilespmem:s23], [sflag:$0x1] =	stream.indirect.gather [hbm4b:s7+s5], $0x1, s2, s5, $0xb8;
	[tilespmem:$0x1400] =	vst v63  }
0x106: {  	_ =	swait.ge [sflag:s6], $0x80  }
0x107: {  	[sflag:s6] =	ssyncset.done $0x0  }
0x108: {  	s1 =	rddreg [dreg:$0x17];
	[sflag:s6] =	ssyncadd.s32 $0xFFFFFF80  }
0x109: {  	[tilespmem:s1], [sflag:$0x1] =	stream.indirect.gather [hbm4b:s7+s5], $0x1, s5, s5, $0xb8;
	[tilespmem:$0x1400] =	vst v63  }
0x10a: {  	_ =	swait.ge [sflag:s6], $0x80  }
0x10b: {  	[sflag:s6] =	ssyncset.done $0x0  }
0x10c: {  	s1 =	rddreg [dreg:$0x18];
	[sflag:s6] =	ssyncadd.s32 $0xFFFFFF80  }
0x10d: {  	[tilespmem:s1], [sflag:$0x1] =	stream.indirect.gather [hbm4b:s7+s5], $0x1, s14, s5, $0xb8;
	[tilespmem:$0x1400] =	vst v63  }
0x10e: {  	_ =	swait.ge [sflag:s6], $0x80  }
0x10f: {  	[sflag:s6] =	ssyncset.done $0x0  }
0x110: {  	s1 =	rddreg [dreg:$0x19];
	[sflag:s6] =	ssyncadd.s32 $0xFFFFFF80  }
0x111: {  	[tilespmem:s1], [sflag:$0x1] =	stream.indirect.gather [hbm4b:s7+s5], $0x1, s12, s5, $0xb8;
	[tilespmem:$0x1400] =	vst v63  }
0x112: {  	_ =	swait.ge [sflag:s6], $0x80  }
0x113: {  	[sflag:s6] =	ssyncset.done $0x0  }
0x114: {  	[sflag:s6] =	ssyncadd.s32 $0xFFFFFF80  }
0x115: {  	[tilespmem:s29], [sflag:$0x1] =	stream.indirect.gather [hbm4b:s7+s5], $0x1, s11, s5, $0xb8;
	[tilespmem:$0x1400] =	vst v63  }
0x116: {  	_ =	swait.ge [sflag:s6], $0x80  }
0x117: {  	[sflag:s6] =	ssyncset.done $0x0  }
0x118: {  	[sflag:s6] =	ssyncadd.s32 $0xFFFFFF80  }
0x119: {  	[tilespmem:s28], [sflag:$0x1] =	stream.indirect.gather [hbm4b:s7+s5], $0x1, s10, s5, $0xb8;
	[tilespmem:$0x1400] =	vst v63  }
0x11a: {  	_ =	swait.ge [sflag:s6], $0x80  }
0x11b: {  	[sflag:s6] =	ssyncset.done $0x0  }
0x11c: {  	[sflag:s6] =	ssyncadd.s32 $0xFFFFFF80  }
0x11d: {  	[tilespmem:s26], [sflag:$0x1] =	stream.indirect.gather [hbm4b:s7+s5], $0x1, s9, s5, $0xb8;
	[tilespmem:$0x1400] =	vst v63  }
0x11e: {  	_ =	swait.ge [sflag:s6], $0x80  }
0x11f: {  	[sflag:s6] =	ssyncset.done $0x0  }
0x120: {  	[sflag:s6] =	ssyncadd.s32 $0xFFFFFF80  }
0x121: {  	[tilespmem:s25], [sflag:$0x1] =	stream.indirect.gather [hbm4b:s7+s5], $0x1, s8, s5, $0xb8;
	[tilespmem:$0x1400] =	vst v63  }
0x122: {  	_ =	swait.ge [sflag:s6], $0x80  }
0x123: {  	[sflag:s6] =	ssyncset.done $0x0  }
0x124: {  	s1 =	rddreg [dreg:$0x6];
	[sflag:s6] =	ssyncadd.s32 $0xFFFFFF80  }
0x125: {  	[hbm4b:s1+s2] =	stream.linear.scatter [tilespmem:s23], [sflag:$0x2], $0x400, $0x38;
	[tilespmem:$0x1400] =	vst v63  }
0x126: {  	_ =	swait.ge [sflag:s4], $0x400  }
0x127: {  	[sflag:s4] =	ssyncset.done $0x0  }
0x128: {  	[sflag:s4] =	ssyncadd.s32 $0xFFFFFC00  }
0x129: {  	[tilespmem:s15], [sflag:$0x1] =	stream.indirect.gather [hbm4b:s3+s5], $0x1, s2, s5, $0xb8;
	[tilespmem:$0x1400] =	vst v63  }
0x12a: {  	_ =	swait.ge [sflag:s6], $0x80  }
0x12b: {  	[sflag:s6] =	ssyncset.done $0x0  }
0x12c: {  	[sflag:s6] =	ssyncadd.s32 $0xFFFFFF80  }
0x12d: {  	[tilespmem:s22], [sflag:$0x1] =	stream.indirect.gather [hbm4b:s3+s5], $0x1, s5, s5, $0xb8;
	[tilespmem:$0x1400] =	vst v63  }
0x12e: {  	_ =	swait.ge [sflag:s6], $0x80  }
0x12f: {  	[sflag:s6] =	ssyncset.done $0x0  }
0x130: {  	[sflag:s6] =	ssyncadd.s32 $0xFFFFFF80  }
0x131: {  	[tilespmem:s21], [sflag:$0x1] =	stream.indirect.gather [hbm4b:s3+s5], $0x1, s14, s5, $0xb8;
	[tilespmem:$0x1400] =	vst v63  }
0x132: {  	_ =	swait.ge [sflag:s6], $0x80  }
0x133: {  	[sflag:s6] =	ssyncset.done $0x0  }
0x134: {  	[sflag:s6] =	ssyncadd.s32 $0xFFFFFF80  }
0x135: {  	[tilespmem:s20], [sflag:$0x1] =	stream.indirect.gather [hbm4b:s3+s5], $0x1, s12, s5, $0xb8;
	[tilespmem:$0x1400] =	vst v63  }
0x136: {  	_ =	swait.ge [sflag:s6], $0x80  }
0x137: {  	[sflag:s6] =	ssyncset.done $0x0  }
0x138: {  	[sflag:s6] =	ssyncadd.s32 $0xFFFFFF80  }
0x139: {  	[tilespmem:s19], [sflag:$0x1] =	stream.indirect.gather [hbm4b:s3+s5], $0x1, s11, s5, $0xb8;
	[tilespmem:$0x1400] =	vst v63  }
0x13a: {  	_ =	swait.ge [sflag:s6], $0x80  }
0x13b: {  	[sflag:s6] =	ssyncset.done $0x0  }
0x13c: {  	[sflag:s6] =	ssyncadd.s32 $0xFFFFFF80  }
0x13d: {  	[tilespmem:s18], [sflag:$0x1] =	stream.indirect.gather [hbm4b:s3+s5], $0x1, s10, s5, $0xb8;
	[tilespmem:$0x1400] =	vst v63  }
0x13e: {  	_ =	swait.ge [sflag:s6], $0x80  }
0x13f: {  	[sflag:s6] =	ssyncset.done $0x0  }
0x140: {  	[sflag:s6] =	ssyncadd.s32 $0xFFFFFF80  }
0x141: {  	[tilespmem:s16], [sflag:$0x1] =	stream.indirect.gather [hbm4b:s3+s5], $0x1, s9, s5, $0xb8;
	[tilespmem:$0x1400] =	vst v63  }
0x142: {  	_ =	swait.ge [sflag:s6], $0x80  }
0x143: {  	[sflag:s6] =	ssyncset.done $0x0  }
0x144: {  	[sflag:s6] =	ssyncadd.s32 $0xFFFFFF80  }
0x145: {  	[tilespmem:s17], [sflag:$0x1] =	stream.indirect.gather [hbm4b:s3+s5], $0x1, s8, s5, $0xb8;
	[tilespmem:$0x1400] =	vst v63  }
0x146: {  	p1 =	sne.s32 s0, $0x1;
	_ =	swait.ge [sflag:s6], $0x80  }
.Ltmp3:
0x147: {  	[sflag:s6] =	ssyncset.done $0x0;
	(pc) =	sbr.rel @p1 .LBB2_3-.Ltmp3, $4  }
0x148: {  	s1 =	rddreg [dreg:$0x7];
	[sflag:s6] =	ssyncadd.s32 $0xFFFFFF80  }
0x149: {  	[hbm4b:s1+s2] =	stream.linear.scatter [tilespmem:s15], [sflag:$0x2], $0x400, $0x38;
	[tilespmem:$0x1400] =	vst v63  }
0x14a: {  	_ =	swait.ge [sflag:s4], $0x400  }
0x14b: {  	s0 =	sadd.s32 $0xFFFFFFFF, s0;
	s1 =	rddreg [dreg:$0x8];
	[sflag:s4] =	ssyncset.done $0x0  }
.LBB2_4:
0x14c: {  	[sflag:s4] =	ssyncadd.s32 @p0 $0xFFFFFC00  }
0x14d: {  	[tilespmem:s2], [sflag:$0x2] =	stream.linear.gather [hbm4b:s1+s2], $0x400, $0x38;
	[tilespmem:$0x1400] =	vst v63  }
0x14e: {  	_ =	swait.ge [sflag:s4], $0x400  }
0x14f: {  	[sflag:s4] =	ssyncset.done $0x0  }
0x150: {  	[sflag:s4] =	ssyncadd.s32 $0xFFFFFC00  }
0x151: {  	[tilespmem:s31], [sflag:$0x1] =	stream.indirect.gather [hbm4b:s24+s5], $0x1, s2, s5, $0xb8;
	[tilespmem:$0x1400] =	vst v63  }
0x152: {  	_ =	swait.ge [sflag:s6], $0x80  }
0x153: {  	[sflag:s6] =	ssyncset.done $0x0  }
0x154: {  	s0 =	rddreg [dreg:$0x9];
	[sflag:s6] =	ssyncadd.s32 $0xFFFFFF80  }
0x155: {  	[tilespmem:s0], [sflag:$0x1] =	stream.indirect.gather [hbm4b:s24+s5], $0x1, s5, s5, $0xb8;
	[tilespmem:$0x1400] =	vst v63  }
0x156: {  	_ =	swait.ge [sflag:s6], $0x80  }
0x157: {  	[sflag:s6] =	ssyncset.done $0x0  }
0x158: {  	s1 =	rddreg [dreg:$0xa];
	[sflag:s6] =	ssyncadd.s32 $0xFFFFFF80  }
0x159: {  	[tilespmem:s1], [sflag:$0x1] =	stream.indirect.gather [hbm4b:s24+s5], $0x1, s14, s5, $0xb8;
	[tilespmem:$0x1400] =	vst v63  }
0x15a: {  	_ =	swait.ge [sflag:s6], $0x80  }
0x15b: {  	[sflag:s6] =	ssyncset.done $0x0  }
0x15c: {  	s1 =	rddreg [dreg:$0xb];
	[sflag:s6] =	ssyncadd.s32 $0xFFFFFF80  }
0x15d: {  	[tilespmem:s1], [sflag:$0x1] =	stream.indirect.gather [hbm4b:s24+s5], $0x1, s12, s5, $0xb8;
	[tilespmem:$0x1400] =	vst v63  }
0x15e: {  	_ =	swait.ge [sflag:s6], $0x80  }
0x15f: {  	[sflag:s6] =	ssyncset.done $0x0  }
0x160: {  	s1 =	rddreg [dreg:$0xc];
	[sflag:s6] =	ssyncadd.s32 $0xFFFFFF80  }
0x161: {  	[tilespmem:s1], [sflag:$0x1] =	stream.indirect.gather [hbm4b:s24+s5], $0x1, s11, s5, $0xb8;
	[tilespmem:$0x1400] =	vst v63  }
0x162: {  	_ =	swait.ge [sflag:s6], $0x80  }
0x163: {  	[sflag:s6] =	ssyncset.done $0x0  }
0x164: {  	s1 =	rddreg [dreg:$0xd];
	[sflag:s6] =	ssyncadd.s32 $0xFFFFFF80  }
0x165: {  	[tilespmem:s1], [sflag:$0x1] =	stream.indirect.gather [hbm4b:s24+s5], $0x1, s10, s5, $0xb8;
	[tilespmem:$0x1400] =	vst v63  }
0x166: {  	_ =	swait.ge [sflag:s6], $0x80  }
0x167: {  	[sflag:s6] =	ssyncset.done $0x0  }
0x168: {  	s1 =	rddreg [dreg:$0xe];
	[sflag:s6] =	ssyncadd.s32 $0xFFFFFF80  }
0x169: {  	[tilespmem:s1], [sflag:$0x1] =	stream.indirect.gather [hbm4b:s24+s5], $0x1, s9, s5, $0xb8;
	[tilespmem:$0x1400] =	vst v63  }
0x16a: {  	_ =	swait.ge [sflag:s6], $0x80  }
0x16b: {  	[sflag:s6] =	ssyncset.done $0x0  }
0x16c: {  	s1 =	rddreg [dreg:$0xf];
	[sflag:s6] =	ssyncadd.s32 $0xFFFFFF80  }
0x16d: {  	[tilespmem:s1], [sflag:$0x1] =	stream.indirect.gather [hbm4b:s24+s5], $0x1, s8, s5, $0xb8;
	[tilespmem:$0x1400] =	vst v63  }
0x16e: {  	_ =	swait.ge [sflag:s6], $0x80  }
0x16f: {  	[sflag:s6] =	ssyncset.done $0x0  }
0x170: {  	s1 =	rddreg [dreg:$0x4];
	[sflag:s6] =	ssyncadd.s32 $0xFFFFFF80  }
0x171: {  	[hbm4b:s1+s2] =	stream.linear.scatter [tilespmem:s31], [sflag:$0x2], $0x400, $0x38;
	[tilespmem:$0x1400] =	vst v63  }
0x172: {  	_ =	swait.ge [sflag:s4], $0x400  }
0x173: {  	[sflag:s4] =	ssyncset.done $0x0  }
0x174: {  	[sflag:s4] =	ssyncadd.s32 $0xFFFFFC00  }
0x175: {  	[tilespmem:s30], [sflag:$0x1] =	stream.indirect.gather [hbm4b:s13+s5], $0x1, s2, s5, $0xb8;
	[tilespmem:$0x1400] =	vst v63  }
0x176: {  	_ =	swait.ge [sflag:s6], $0x80  }
0x177: {  	[sflag:s6] =	ssyncset.done $0x0  }
0x178: {  	s24 =	rddreg [dreg:$0x10];
	[sflag:s6] =	ssyncadd.s32 $0xFFFFFF80  }
0x179: {  	[tilespmem:s24], [sflag:$0x1] =	stream.indirect.gather [hbm4b:s13+s5], $0x1, s5, s5, $0xb8;
	[tilespmem:$0x1400] =	vst v63  }
0x17a: {  	_ =	swait.ge [sflag:s6], $0x80  }
0x17b: {  	[sflag:s6] =	ssyncset.done $0x0  }
0x17c: {  	s31 =	rddreg [dreg:$0x11];
	[sflag:s6] =	ssyncadd.s32 $0xFFFFFF80  }
0x17d: {  	[tilespmem:s31], [sflag:$0x1] =	stream.indirect.gather [hbm4b:s13+s5], $0x1, s14, s5, $0xb8;
	[tilespmem:$0x1400] =	vst v63  }
0x17e: {  	_ =	swait.ge [sflag:s6], $0x80  }
0x17f: {  	[sflag:s6] =	ssyncset.done $0x0  }
0x180: {  	s1 =	rddreg [dreg:$0x12];
	[sflag:s6] =	ssyncadd.s32 $0xFFFFFF80  }
0x181: {  	[tilespmem:s1], [sflag:$0x1] =	stream.indirect.gather [hbm4b:s13+s5], $0x1, s12, s5, $0xb8;
	[tilespmem:$0x1400] =	vst v63  }
0x182: {  	_ =	swait.ge [sflag:s6], $0x80  }
0x183: {  	[sflag:s6] =	ssyncset.done $0x0  }
0x184: {  	s24 =	rddreg [dreg:$0x13];
	[sflag:s6] =	ssyncadd.s32 $0xFFFFFF80  }
0x185: {  	[tilespmem:s24], [sflag:$0x1] =	stream.indirect.gather [hbm4b:s13+s5], $0x1, s11, s5, $0xb8;
	[tilespmem:$0x1400] =	vst v63  }
0x186: {  	_ =	swait.ge [sflag:s6], $0x80  }
0x187: {  	[sflag:s6] =	ssyncset.done $0x0  }
0x188: {  	s31 =	rddreg [dreg:$0x14];
	[sflag:s6] =	ssyncadd.s32 $0xFFFFFF80  }
0x189: {  	[tilespmem:s31], [sflag:$0x1] =	stream.indirect.gather [hbm4b:s13+s5], $0x1, s10, s5, $0xb8;
	[tilespmem:$0x1400] =	vst v63  }
0x18a: {  	_ =	swait.ge [sflag:s6], $0x80  }
0x18b: {  	[sflag:s6] =	ssyncset.done $0x0  }
0x18c: {  	s1 =	rddreg [dreg:$0x15];
	[sflag:s6] =	ssyncadd.s32 $0xFFFFFF80  }
0x18d: {  	[tilespmem:s1], [sflag:$0x1] =	stream.indirect.gather [hbm4b:s13+s5], $0x1, s9, s5, $0xb8;
	[tilespmem:$0x1400] =	vst v63  }
0x18e: {  	_ =	swait.ge [sflag:s6], $0x80  }
0x18f: {  	[sflag:s6] =	ssyncset.done $0x0  }
0x190: {  	s24 =	rddreg [dreg:$0x16];
	[sflag:s6] =	ssyncadd.s32 $0xFFFFFF80  }
0x191: {  	[tilespmem:s24], [sflag:$0x1] =	stream.indirect.gather [hbm4b:s13+s5], $0x1, s8, s5, $0xb8;
	[tilespmem:$0x1400] =	vst v63  }
0x192: {  	_ =	swait.ge [sflag:s6], $0x80  }
0x193: {  	[sflag:s6] =	ssyncset.done $0x0  }
0x194: {  	s31 =	rddreg [dreg:$0x5];
	[sflag:s6] =	ssyncadd.s32 $0xFFFFFF80  }
0x195: {  	[hbm4b:s31+s2] =	stream.linear.scatter [tilespmem:s30], [sflag:$0x2], $0x400, $0x38;
	[tilespmem:$0x1400] =	vst v63  }
0x196: {  	_ =	swait.ge [sflag:s4], $0x400  }
0x197: {  	[sflag:s4] =	ssyncset.done $0x0  }
0x198: {  	[sflag:s4] =	ssyncadd.s32 $0xFFFFFC00  }
0x199: {  	[tilespmem:s23], [sflag:$0x1] =	stream.indirect.gather [hbm4b:s7+s5], $0x1, s2, s5, $0xb8;
	[tilespmem:$0x1400] =	vst v63  }
0x19a: {  	_ =	swait.ge [sflag:s6], $0x80  }
0x19b: {  	[sflag:s6] =	ssyncset.done $0x0  }
0x19c: {  	s1 =	rddreg [dreg:$0x17];
	[sflag:s6] =	ssyncadd.s32 $0xFFFFFF80  }
0x19d: {  	[tilespmem:s1], [sflag:$0x1] =	stream.indirect.gather [hbm4b:s7+s5], $0x1, s5, s5, $0xb8;
	[tilespmem:$0x1400] =	vst v63  }
0x19e: {  	_ =	swait.ge [sflag:s6], $0x80  }
0x19f: {  	[sflag:s6] =	ssyncset.done $0x0  }
0x1a0: {  	s13 =	rddreg [dreg:$0x18];
	[sflag:s6] =	ssyncadd.s32 $0xFFFFFF80  }
0x1a1: {  	[tilespmem:s13], [sflag:$0x1] =	stream.indirect.gather [hbm4b:s7+s5], $0x1, s14, s5, $0xb8;
	[tilespmem:$0x1400] =	vst v63  }
0x1a2: {  	_ =	swait.ge [sflag:s6], $0x80  }
0x1a3: {  	[sflag:s6] =	ssyncset.done $0x0  }
0x1a4: {  	s24 =	rddreg [dreg:$0x19];
	[sflag:s6] =	ssyncadd.s32 $0xFFFFFF80  }
0x1a5: {  	[tilespmem:s24], [sflag:$0x1] =	stream.indirect.gather [hbm4b:s7+s5], $0x1, s12, s5, $0xb8;
	[tilespmem:$0x1400] =	vst v63  }
0x1a6: {  	_ =	swait.ge [sflag:s6], $0x80  }
0x1a7: {  	[sflag:s6] =	ssyncset.done $0x0  }
0x1a8: {  	[sflag:s6] =	ssyncadd.s32 $0xFFFFFF80  }
0x1a9: {  	[tilespmem:s29], [sflag:$0x1] =	stream.indirect.gather [hbm4b:s7+s5], $0x1, s11, s5, $0xb8;
	[tilespmem:$0x1400] =	vst v63  }
0x1aa: {  	_ =	swait.ge [sflag:s6], $0x80  }
0x1ab: {  	[sflag:s6] =	ssyncset.done $0x0  }
0x1ac: {  	[sflag:s6] =	ssyncadd.s32 $0xFFFFFF80  }
0x1ad: {  	[tilespmem:s28], [sflag:$0x1] =	stream.indirect.gather [hbm4b:s7+s5], $0x1, s10, s5, $0xb8;
	[tilespmem:$0x1400] =	vst v63  }
0x1ae: {  	_ =	swait.ge [sflag:s6], $0x80  }
0x1af: {  	[sflag:s6] =	ssyncset.done $0x0  }
0x1b0: {  	[sflag:s6] =	ssyncadd.s32 $0xFFFFFF80  }
0x1b1: {  	[tilespmem:s26], [sflag:$0x1] =	stream.indirect.gather [hbm4b:s7+s5], $0x1, s9, s5, $0xb8;
	[tilespmem:$0x1400] =	vst v63  }
0x1b2: {  	_ =	swait.ge [sflag:s6], $0x80  }
0x1b3: {  	[sflag:s6] =	ssyncset.done $0x0  }
0x1b4: {  	[sflag:s6] =	ssyncadd.s32 $0xFFFFFF80  }
0x1b5: {  	[tilespmem:s25], [sflag:$0x1] =	stream.indirect.gather [hbm4b:s7+s5], $0x1, s8, s5, $0xb8;
	[tilespmem:$0x1400] =	vst v63  }
0x1b6: {  	_ =	swait.ge [sflag:s6], $0x80  }
0x1b7: {  	[sflag:s6] =	ssyncset.done $0x0  }
0x1b8: {  	s30 =	rddreg [dreg:$0x6];
	[sflag:s6] =	ssyncadd.s32 $0xFFFFFF80  }
0x1b9: {  	[hbm4b:s30+s2] =	stream.linear.scatter [tilespmem:s23], [sflag:$0x2], $0x400, $0x38;
	[tilespmem:$0x1400] =	vst v63  }
0x1ba: {  	_ =	swait.ge [sflag:s4], $0x400  }
0x1bb: {  	[sflag:s4] =	ssyncset.done $0x0  }
0x1bc: {  	[sflag:s4] =	ssyncadd.s32 $0xFFFFFC00  }
0x1bd: {  	[tilespmem:s15], [sflag:$0x1] =	stream.indirect.gather [hbm4b:s3+s5], $0x1, s2, s5, $0xb8;
	[tilespmem:$0x1400] =	vst v63  }
0x1be: {  	_ =	swait.ge [sflag:s6], $0x80  }
0x1bf: {  	[sflag:s6] =	ssyncset.done $0x0  }
0x1c0: {  	[sflag:s6] =	ssyncadd.s32 $0xFFFFFF80  }
0x1c1: {  	[tilespmem:s22], [sflag:$0x1] =	stream.indirect.gather [hbm4b:s3+s5], $0x1, s5, s5, $0xb8;
	[tilespmem:$0x1400] =	vst v63  }
0x1c2: {  	_ =	swait.ge [sflag:s6], $0x80  }
0x1c3: {  	[sflag:s6] =	ssyncset.done $0x0  }
0x1c4: {  	[sflag:s6] =	ssyncadd.s32 $0xFFFFFF80  }
0x1c5: {  	[tilespmem:s21], [sflag:$0x1] =	stream.indirect.gather [hbm4b:s3+s5], $0x1, s14, s5, $0xb8;
	[tilespmem:$0x1400] =	vst v63  }
0x1c6: {  	_ =	swait.ge [sflag:s6], $0x80  }
0x1c7: {  	[sflag:s6] =	ssyncset.done $0x0  }
0x1c8: {  	[sflag:s6] =	ssyncadd.s32 $0xFFFFFF80  }
0x1c9: {  	[tilespmem:s20], [sflag:$0x1] =	stream.indirect.gather [hbm4b:s3+s5], $0x1, s12, s5, $0xb8;
	[tilespmem:$0x1400] =	vst v63  }
0x1ca: {  	_ =	swait.ge [sflag:s6], $0x80  }
0x1cb: {  	[sflag:s6] =	ssyncset.done $0x0  }
0x1cc: {  	[sflag:s6] =	ssyncadd.s32 $0xFFFFFF80  }
0x1cd: {  	[tilespmem:s19], [sflag:$0x1] =	stream.indirect.gather [hbm4b:s3+s5], $0x1, s11, s5, $0xb8;
	[tilespmem:$0x1400] =	vst v63  }
0x1ce: {  	_ =	swait.ge [sflag:s6], $0x80  }
0x1cf: {  	[sflag:s6] =	ssyncset.done $0x0  }
0x1d0: {  	[sflag:s6] =	ssyncadd.s32 $0xFFFFFF80  }
0x1d1: {  	[tilespmem:s18], [sflag:$0x1] =	stream.indirect.gather [hbm4b:s3+s5], $0x1, s10, s5, $0xb8;
	[tilespmem:$0x1400] =	vst v63  }
0x1d2: {  	_ =	swait.ge [sflag:s6], $0x80  }
0x1d3: {  	[sflag:s6] =	ssyncset.done $0x0  }
0x1d4: {  	[sflag:s6] =	ssyncadd.s32 $0xFFFFFF80  }
0x1d5: {  	[tilespmem:s16], [sflag:$0x1] =	stream.indirect.gather [hbm4b:s3+s5], $0x1, s9, s5, $0xb8;
	[tilespmem:$0x1400] =	vst v63  }
0x1d6: {  	_ =	swait.ge [sflag:s6], $0x80  }
0x1d7: {  	[sflag:s6] =	ssyncset.done $0x0  }
0x1d8: {  	[sflag:s6] =	ssyncadd.s32 $0xFFFFFF80  }
0x1d9: {  	[tilespmem:s17], [sflag:$0x1] =	stream.indirect.gather [hbm4b:s3+s5], $0x1, s8, s5, $0xb8;
	[tilespmem:$0x1400] =	vst v63  }
0x1da: {  	_ =	swait.ge [sflag:s6], $0x80  }
0x1db: {  	[sflag:s6] =	ssyncset.done $0x0  }
0x1dc: {  	s31 =	rddreg [dreg:$0x7];
	[sflag:s6] =	ssyncadd.s32 $0xFFFFFF80  }
0x1dd: {  	[hbm4b:s31+s2] =	stream.linear.scatter [tilespmem:s15], [sflag:$0x2], $0x400, $0x38;
	[tilespmem:$0x1400] =	vst v63  }
0x1de: {  	_ =	swait.ge [sflag:s4], $0x400  }
0x1df: {  	[sflag:s4] =	ssyncset.done $0x0  }
0x1e0: {  	[sflag:s4] =	ssyncadd.s32 $0xFFFFFC00  }
0x1e1: {  	s3 =	stileid.u32;
	s1 =	rddreg [dreg:$0x3]  }
.LBB2_5:
0x1e2: {  	_ =	sfence.sel $0x180000  }
0x1e3: {  	[bflag:$0x0] =	sbarrier.arrive $0xFFFF  }
0x1e4: {  	p0 =	sne.s32 s3, $0x0;
	_ =	strace $0x90000047  }
0x1e5: {  	s0 =	sadd.s32 @!p0 $0x100000, s1;
	[bflag:$0x2] =	sbarrier.arrive $0xFFFF  }
0x1e6: {  	[sflag:s0] =	ssyncadd.tile.s32 @!p0 $0x1;
	_ =	shalt  }
.Lfunc_end2:
_tile_overlayer_lowered:
.L_overlay_start_2:
0x1e7: {  	(tag) =	ssettag $0x2  }
0x1e8: {  	s0 =	rddreg [dreg:$0x0];
	s2 =	stileid.u32  }
0x1e9: {  	s1 =	rddreg [dreg:$0x1];
	p0 =	sne.s32 s2, $0x0  }
0x1ea: {  	s3 =	rddreg [dreg:$0x2];
	[bflag:$0x3] =	sbarrier.arrive $0xFFFF;
	s2 =	simm.s32 @!p0 $0x1C02  }
0x1eb: {  	[timem:s3], [sflag:s2] =	dma.local @!p0 [hbm:s0], s1  }
0x1ec: {  	s0 =	simm.s32 @!p0 $0x2  }
0x1ed: {  	_ =	swait.ge @!p0 [sflag:s0], s1  }
0x1ee: {  	s1 =	ssub.s32 @!p0 $0x0, s1;
	[sflag:s0] =	ssyncset.done @!p0 $0x0  }
0x1ef: {  	[sflag:s0] =	ssyncadd.s32 @!p0 s1  }
0x1f0: {  	[bflag:$0x3] =	sbarrier.arrive $0xFFFF  }
0x1f1: {  	_ =	shalt  }

</sc_bundles>
